<compile_context>
chip_gen: v7x
topology: tpu7x:2x2x1
jax: 0.10.2.dev20260603
libtpu: 0.0.44.dev20260713+nightly
codegen_flags: <defaults>
</compile_context>

<pallas_src>
import dataclasses

import jax
import jax.numpy as jnp
import numpy as np
from jax import lax
from jax.experimental import pallas as pl
from jax.experimental.pallas import tpu as pltpu
from jax.experimental.pallas import tpu_sc as plsc

BIT = 7
SIZE = 2 ** BIT
NB = 8
NP = 16384
NH = NP // 2
NROWS = 16
L = 16
SENTINEL = (1 << 22) - 1
INV_CELL = np.float32(1.0 / 50.0)


def _encode_body(x_ref, flat_ref):
    x = x_ref[...]
    mn = jnp.min(x, axis=1, keepdims=True)
    q = ((x - mn) / INV_CELL).astype(jnp.int32)
    g = jnp.where(q >= SIZE, SIZE - 1, q)
    g0, g1, g2 = g[0:NB], g[NB:2 * NB], g[2 * NB:3 * NB]
    base = g2 * (SIZE * SIZE)
    flat_ref[...] = jnp.concatenate(
        [base + g1 * SIZE + g0,
         base + g0 * SIZE + g1],
        axis=0)


def _encode(pts):
    return pl.pallas_call(
        _encode_body,
        out_shape=jax.ShapeDtypeStruct((NROWS, NP), jnp.int32),
    )(pts)


def _radix_pass(cnt_v, kin, vin, kout, vout, shift, nbits, n, unroll,
                idx_base=0, hash_fold=False, shiftbuf=None):
    nbins = 1 << nbits
    dmask = nbins - 1

    def digit(k):
        return ((k ^ (k >> 10)) if hash_fold else (k >> shift)) & dmask

    @pl.loop(0, nbins, step=L, unroll=8)
    def _(j):
        cnt_v[pl.ds(j, L)] = jnp.zeros((L,), jnp.int32)

    @pl.loop(0, n, step=L, unroll=8 if unroll else None)
    def _(i):
        d = digit(kin[pl.ds(i, L)])
        counts, last = plsc.scan_count(d)
        plsc.addupdate_scatter(cnt_v, [d], counts, mask=last)

    def _scan(j, carry):
        v = cnt_v[pl.ds(j * L, L)]
        cs = plsc.cumsum(v)
        cnt_v[pl.ds(j * L, L)] = cs - v + carry
        return carry + jnp.sum(v)

    pl.loop(0, nbins // L, init_carry=jnp.int32(0))(_scan)

    @pl.loop(0, n, step=L, unroll=4 if unroll else None)
    def _(i):
        k = kin[pl.ds(i, L)]
        v = (lax.iota(jnp.int32, L) + (i + idx_base) if vin is None
             else vin[pl.ds(i, L)])
        d = digit(k)
        counts, last = plsc.scan_count(d)
        pos = plsc.load_gather(cnt_v, [d]) + counts - 1
        plsc.store_scatter(kout, [pos], k)
        plsc.store_scatter(vout, [pos], v)
        if shiftbuf is not None:
            plsc.store_scatter(shiftbuf, [pos + 1], k)
        plsc.addupdate_scatter(cnt_v, [d], counts, mask=last)


def _sc_sort_body(flat_hbm, tmpl_hbm, order_hbm, rev_hbm,
                  b1, b2, b3, b4, b5, b6, cnt_v, oex, pc, pe, rev_loc,
                  sh_codes, sh_excl, sh_pack, sem):
    c = lax.axis_index("c")
    s = lax.axis_index("s")
    half = s & 1
    hbase = half * NH
    wrow = (8 * c + (s >> 1)) * 2 + half
    iot = lax.iota(jnp.int32, L)

    pltpu.sync_copy(flat_hbm.at[wrow], b1)

    plsc.store_scatter(b4, [jnp.zeros((L,), jnp.int32)],
                       jnp.full((L,), -1, jnp.int32), mask=iot == 0)
    _radix_pass(cnt_v, b1, None, b2, b3, 0, 11, NH, True, idx_base=hbase,
                hash_fold=True, shiftbuf=b4)

    def _dedup(i, tot):
        f = b2[pl.ds(i, L)]
        is_new = f != b4[pl.ds(i, L)]
        inc = is_new.astype(jnp.int32)
        u = tot + plsc.cumsum(inc) - 1
        b3[pl.ds(i, L)] = (u << 14) | b3[pl.ds(i, L)]
        plsc.store_scatter(b1, [u], f, mask=is_new)
        plsc.store_scatter(b6, [u], iot + (i + hbase), mask=is_new)
        return tot + jnp.sum(inc)

    num_u = pl.loop(0, NH, step=L, init_carry=jnp.int32(0))(_dedup)

    lane0 = iot == 0
    plsc.store_scatter(b6, [jnp.zeros((L,), jnp.int32) + num_u],
                       jnp.full((L,), NH, jnp.int32) + hbase, mask=lane0)

    nwaves = (num_u + 1023) // 1024
    tail0 = (num_u // L) * L

    @pl.loop(tail0, nwaves * 1024, step=L)
    def _(k):
        kv = iot + k
        plsc.store_scatter(b1, [kv], kv, mask=kv >= num_u)

    @pl.loop(0, nwaves)
    def _(w):
        base = w * 1024
        cps = [
            pltpu.async_copy(
                tmpl_hbm.at[b1.at[pl.ds(base + t * 128, 128)]],
                b2.at[pl.ds(base + t * 128, 128)], sem)
            for t in range(8)
        ]
        for cp in cps:
            cp.wait()

    @pl.loop(0, NH, step=L, unroll=4)
    def _(k):
        cvec = b2[pl.ds(k, L)]
        b2[pl.ds(k, L)] = jnp.where(iot + k < num_u, cvec,
                                    jnp.int32(SENTINEL))

    upad = ((num_u + L - 1) // L) * L

    _radix_pass(cnt_v, b2, None, b5, b4, 0, 11, upad, False)
    _radix_pass(cnt_v, b5, b4, b2, b1, 11, 11, upad, False)

    def _lens(k, carry):
        u = b1[pl.ds(k, L)]
        real = iot + k < num_u
        rs = plsc.load_gather(b6, [u])
        rsn = plsc.load_gather(b6, [u + 1])
        ln = jnp.where(real, rsn - rs, 0)
        cs = plsc.cumsum(ln)
        oex[pl.ds(k, L)] = cs - ln + carry
        return carry + jnp.sum(ln)

    pl.loop(0, upad, step=L, init_carry=jnp.int32(0))(_lens)
    plsc.store_scatter(oex, [jnp.zeros((L,), jnp.int32) + num_u],
                       jnp.full((L,), NH, jnp.int32), mask=lane0)

    pltpu.sync_copy(b2, sh_codes.at[s])
    pltpu.sync_copy(oex, sh_excl.at[s])
    plsc.subcore_barrier()
    part = s ^ 1
    pltpu.sync_copy(sh_codes.at[part], pc.at[pl.ds(0, NH)])
    pltpu.sync_copy(sh_excl.at[part], pe)

    @pl.loop(0, upad, step=L)
    def _(k):
        tgt = b2[pl.ds(k, L)] + half
        real = iot + k < num_u
        lo = jnp.zeros((L,), jnp.int32)
        hi = jnp.full((L,), NH, jnp.int32)
        for _step in range(14):
            upd = lo < hi
            mid = (lo + hi) >> 1
            less = plsc.load_gather(pc, [mid]) < tgt
            lo = jnp.where(upd & less, mid + 1, lo)
            hi = jnp.where(upd & ~less, mid, hi)
        gstart = oex[pl.ds(k, L)] + plsc.load_gather(pe, [lo])
        u = b1[pl.ds(k, L)]
        delta = gstart - plsc.load_gather(b6, [u])
        plsc.store_scatter(b4, [u], delta, mask=real)

    @pl.loop(0, NH, step=L, unroll=4)
    def _(i):
        w = b3[pl.ds(i, L)]
        u = w >> 14
        gidx = w & (NP - 1)
        pos = plsc.load_gather(b4, [u]) + (iot + (i + hbase))
        b2[pl.ds(i, L)] = (pos << 14) | gidx
        plsc.store_scatter(b1, [pos & (NH - 1)], gidx,
                           mask=(pos >> 13) == half)
        plsc.store_scatter(rev_loc, [gidx - hbase], pos)

    pltpu.sync_copy(b2, sh_pack.at[s])
    plsc.subcore_barrier()
    pltpu.sync_copy(sh_pack.at[part], b5)

    @pl.loop(0, NH, step=L, unroll=4)
    def _(i):
        w = b5[pl.ds(i, L)]
        pos = w >> 14
        gidx = w & (NP - 1)
        plsc.store_scatter(b1, [pos & (NH - 1)], gidx,
                           mask=(pos >> 13) == half)

    pltpu.sync_copy(b1, order_hbm.at[wrow])
    pltpu.sync_copy(rev_loc, rev_hbm.at[wrow])


def _sc_sort(flat, template):
    mesh = plsc.VectorSubcoreMesh(core_axis_name="c", subcore_axis_name="s")
    cp = pltpu.CompilerParams()
    if "needs_layout_passes" in pltpu.CompilerParams.__dataclass_fields__:
        cp = dataclasses.replace(cp, needs_layout_passes=False)
    f = pl.kernel(
        _sc_sort_body,
        out_type=(jax.ShapeDtypeStruct((2 * NROWS, NH), jnp.int32),
                  jax.ShapeDtypeStruct((2 * NROWS, NH), jnp.int32)),
        mesh=mesh,
        scratch_types=[
            pltpu.VMEM((NH,), jnp.int32),
            pltpu.VMEM((NH,), jnp.int32),
            pltpu.VMEM((NH,), jnp.int32),
            pltpu.VMEM((NH + L,), jnp.int32),
            pltpu.VMEM((NH,), jnp.int32),
            pltpu.VMEM((NH + L,), jnp.int32),
            pltpu.VMEM((2048,), jnp.int32),
            pltpu.VMEM((NH + L,), jnp.int32),
            pltpu.VMEM((NH + L,), jnp.int32),
            pltpu.VMEM((NH + L,), jnp.int32),
            pltpu.VMEM((NH,), jnp.int32),
            pltpu.VMEM_SHARED((16, NH), jnp.int32),
            pltpu.VMEM_SHARED((16, NH + L), jnp.int32),
            pltpu.VMEM_SHARED((16, NH), jnp.int32),
            pltpu.SemaphoreType.DMA,
        ],
        compiler_params=cp,
    )
    return f(flat, template)


def kernel(points, template):
    pts = jnp.transpose(points, (2, 0, 1)).reshape(3 * NB, NP)
    flat = _encode(pts)
    order, rev = _sc_sort(flat.reshape(2 * NROWS, NH), template)
    return (order.reshape(2, NB, NP), rev.reshape(2, NB, NP))

# --- scband reference (transcript-rebuilt; emitter-appended) ---
"""Pipeline reference for scband-serialization-67044439491008 (READ-ONLY COPY).

The authoritative reference and input builder live on the scoring server;
editing this copy changes nothing except your own understanding.
"""

import jax, jax.numpy as jnp
import numpy as np

BIT = 7
SIZE = 2 ** BIT
ORDERS = ["xyz", "yxz"]
PERM_MAP = {"xyz": (0, 1, 2), "xzy": (0, 2, 1), "yxz": (1, 0, 2), "yzx": (1, 2, 0), "zxy": (2, 0, 1), "zyx": (2, 1, 0)}


def setup_inputs(seed: int = 0) -> dict:
    key = jax.random.key(seed)
    points = jax.random.normal(key, (8, 16384, 3), dtype=jnp.float32)
    # Stand-in for the precomputed 3D Hilbert curve template (a permutation of the
    # flattened SIZE^3 grid mapping flat grid index -> hilbert index).
    rng = np.random.default_rng(0)
    template = jnp.asarray(rng.permutation(SIZE ** 3).astype(np.int64))
    return {"points": points, "template": template}


def _encode_one(point, template, perm):
    # point: (N, 3)
    grid = jnp.trunc((point - point.min(axis=0)) / (1.0 / 50.0)).astype(jnp.int32)
    grid = jnp.where(grid >= SIZE, SIZE - 1, grid)
    x = grid[:, perm[0]].astype(jnp.int64)
    y = grid[:, perm[1]].astype(jnp.int64)
    z = grid[:, perm[2]].astype(jnp.int64)
    flat = z * SIZE * SIZE + y * SIZE + x
    return template[flat]


def reference(points, template):
    batch, npoint = points.shape[:2]
    index_list = []
    reversed_index_list = []
    for _order in ORDERS:
        perm = PERM_MAP[_order]
        codes = []
        for i in range(batch):
            codes.append(_encode_one(points[i], template, perm))
        code = jnp.stack(codes, axis=0).reshape(batch, npoint)
        order = jnp.argsort(code, axis=-1)
        reversed_order = jnp.argsort(order, axis=-1)
        index_list.append(order)
        reversed_index_list.append(reversed_order)
    # The torch module stores these on self and returns None; we return them so
    # the computation is observable.
    return (jnp.stack(index_list, axis=0), jnp.stack(reversed_index_list, axis=0))

if __name__ == "__main__":
    import jax
    _d = setup_inputs()
    print(jax.jit(kernel)(*tuple(_d.values())))

</pallas_src>

<mosaic_0001>
#map = affine_map<(d0, d1) -> (0, 0)>
#map1 = affine_map<(d0, d1) -> (0)>
module attributes {stable_mosaic.version = 14 : i64} {
  func.func @_sc_sort_body(%arg0: i32, %arg1: i32, %arg2: memref<32x8192xi32, #tpu.memory_space<hbm>>, %arg3: memref<2097152xi32, #tpu.memory_space<hbm>>, %arg4: memref<32x8192xi32, #tpu.memory_space<hbm>>, %arg5: memref<32x8192xi32, #tpu.memory_space<hbm>>, %arg6: memref<8192xi32, #tpu.memory_space<vmem>>, %arg7: memref<8192xi32, #tpu.memory_space<vmem>>, %arg8: memref<8192xi32, #tpu.memory_space<vmem>>, %arg9: memref<8208xi32, #tpu.memory_space<vmem>>, %arg10: memref<8192xi32, #tpu.memory_space<vmem>>, %arg11: memref<8208xi32, #tpu.memory_space<vmem>>, %arg12: memref<2048xi32, #tpu.memory_space<vmem>>, %arg13: memref<8208xi32, #tpu.memory_space<vmem>>, %arg14: memref<8208xi32, #tpu.memory_space<vmem>>, %arg15: memref<8208xi32, #tpu.memory_space<vmem>>, %arg16: memref<8192xi32, #tpu.memory_space<vmem>>, %arg17: memref<16x8192xi32, #tpu.memory_space<vmem_shared>>, %arg18: memref<16x8208xi32, #tpu.memory_space<vmem_shared>>, %arg19: memref<16x8192xi32, #tpu.memory_space<vmem_shared>>, %arg20: memref<!tpu.dma_semaphore, #tpu.memory_space<semaphore_mem>>) attributes {dimension_semantics = [#tpu.dimension_semantics<core_parallel>, #tpu.dimension_semantics<subcore_parallel>], iteration_bounds = array<i64: 2, 16>, scalar_prefetch = 0 : i64, scratch_operands = 15 : i64, tpu.core_type = #tpu.core_type<sc_vector_subcore>, window_params = [{transform_indices = #map}, {transform_indices = #map1}, {transform_indices = #map}, {transform_indices = #map}]} {
    %and3A = arith.constant 1 : i32
    %and3A_0 = arith.andi %arg1, %and3A : i32
    %mul3A = arith.constant 8192 : i32
    %mul3A_1 = arith.muli %and3A_0, %mul3A : i32
    %mul3A_2 = arith.constant 8 : i32
    %mul3A_3 = arith.muli %mul3A_2, %arg0 : i32
    %shift_right_arithmetic3A = arith.constant 1 : i32
    %shift_right_arithmetic3A_4 = arith.shrsi %arg1, %shift_right_arithmetic3A : i32
    %add3A = arith.addi %mul3A_3, %shift_right_arithmetic3A_4 : i32
    %mul3A_5 = arith.constant 2 : i32
    %mul3A_6 = arith.muli %add3A, %mul3A_5 : i32
    %add3A_7 = arith.addi %mul3A_6, %and3A_0 : i32
    %iota3A = tpu.iota {dimensions = array<i32: 0>} : vector<16xi32>
    "tpu.region"() ({
      %run_scoped3A = tpu.sem_alloc : memref<!tpu.dma_semaphore, #tpu.memory_space<semaphore_mem>>
      %dma_start3A = arith.constant 0 : i32
      %dma_start3A_328 = tpu.memref_slice %arg2[%add3A_7, %dma_start3A] : memref<32x8192xi32, #tpu.memory_space<hbm>> -> memref<1x8192xi32, #tpu.memory_space<hbm>>
      %dma_start3A_329 = tpu.memref_squeeze %dma_start3A_328 : memref<1x8192xi32, #tpu.memory_space<hbm>> -> memref<8192xi32, #tpu.memory_space<hbm>>
      %dma_start3A_330 = arith.constant 0 : i32
      %dma_start3A_331 = tpu.memref_slice %arg2[%add3A_7, %dma_start3A_330] : memref<32x8192xi32, #tpu.memory_space<hbm>> -> memref<1x8192xi32, #tpu.memory_space<hbm>>
      %dma_start3A_332 = tpu.memref_squeeze %dma_start3A_331 : memref<1x8192xi32, #tpu.memory_space<hbm>> -> memref<8192xi32, #tpu.memory_space<hbm>>
      tpu.enqueue_dma source(%dma_start3A_332 : memref<8192xi32, #tpu.memory_space<hbm>>) target(%arg6 : memref<8192xi32, #tpu.memory_space<vmem>>) target_semaphore(%run_scoped3A : memref<!tpu.dma_semaphore, #tpu.memory_space<semaphore_mem>>)
      %dma_wait3A = arith.constant 0 : i32
      %dma_wait3A_333 = tpu.memref_slice %arg2[%add3A_7, %dma_wait3A] : memref<32x8192xi32, #tpu.memory_space<hbm>> -> memref<1x8192xi32, #tpu.memory_space<hbm>>
      %dma_wait3A_334 = tpu.memref_squeeze %dma_wait3A_333 : memref<1x8192xi32, #tpu.memory_space<hbm>> -> memref<8192xi32, #tpu.memory_space<hbm>>
      %dma_wait3A_335 = arith.constant 0 : i32
      %dma_wait3A_336 = tpu.memref_slice %arg2[%add3A_7, %dma_wait3A_335] : memref<32x8192xi32, #tpu.memory_space<hbm>> -> memref<1x8192xi32, #tpu.memory_space<hbm>>
      %dma_wait3A_337 = tpu.memref_squeeze %dma_wait3A_336 : memref<1x8192xi32, #tpu.memory_space<hbm>> -> memref<8192xi32, #tpu.memory_space<hbm>>
      tpu.wait_dma2 semaphore(%run_scoped3A : memref<!tpu.dma_semaphore, #tpu.memory_space<semaphore_mem>>) src(%dma_wait3A_337 : memref<8192xi32, #tpu.memory_space<hbm>>) dst(%arg6 : memref<8192xi32, #tpu.memory_space<vmem>>)
      tpu.yield
    }) : () -> ()
    %broadcast_in_dim3A = arith.constant 0 : i32
    %broadcast_in_dim3A_8 = vector.broadcast %broadcast_in_dim3A : i32 to vector<16xi32>
    %broadcast_in_dim3A_9 = arith.constant -1 : i32
    %broadcast_in_dim3A_10 = vector.broadcast %broadcast_in_dim3A_9 : i32 to vector<16xi32>
    %eq3A = arith.constant 0 : i32
    %eq3A_11 = vector.broadcast %eq3A : i32 to vector<16xi32>
    %eq3A_12 = arith.cmpi eq, %iota3A, %eq3A_11 : vector<16xi32>
    tpu.vector_store_idx %arg9[%broadcast_in_dim3A_8], %broadcast_in_dim3A_10 masked %eq3A_12 : memref<8208xi32, #tpu.memory_space<vmem>>[vector<16xi32>], vector<16xi32>, vector<16xi1>
    %scan3A = arith.constant 0 : i32
    %scan3A_13 = arith.constant 128 : i32
    %scan3A_14 = arith.addi %scan3A, %scan3A_13 : i32
    %scan3A_15 = arith.constant 8 : i32
    scf.for %scan3A_328 = %scan3A to %scan3A_14 step %scan3A_15  : i32 {
      %mul3A_329 = arith.constant 16 : i32
      %mul3A_330 = arith.muli %scan3A_328, %mul3A_329 : i32
      %add3A_331 = arith.constant 0 : i32
      %add3A_332 = arith.addi %add3A_331, %mul3A_330 : i32
      %broadcast_in_dim3A_333 = arith.constant 0 : i32
      %broadcast_in_dim3A_334 = vector.broadcast %broadcast_in_dim3A_333 : i32 to vector<16xi32>
      %swap3A = arith.index_cast %add3A_332 : i32 to index
      %swap3A_335 = tpu.vector_load %arg12[%swap3A] {strides = array<i32>} : memref<2048xi32, #tpu.memory_space<vmem>>, vector<16xi32>,
      tpu.vector_store %arg12[%swap3A], %broadcast_in_dim3A_334 {strides = array<i32>} : memref<2048xi32, #tpu.memory_space<vmem>>, vector<16xi32>,
      %scan3A_336 = arith.constant 1 : i32
      %scan3A_337 = arith.addi %scan3A_328, %scan3A_336 : i32
      %mul3A_338 = arith.constant 16 : i32
      %mul3A_339 = arith.muli %scan3A_337, %mul3A_338 : i32
      %add3A_340 = arith.constant 0 : i32
      %add3A_341 = arith.addi %add3A_340, %mul3A_339 : i32
      %broadcast_in_dim3A_342 = arith.constant 0 : i32
      %broadcast_in_dim3A_343 = vector.broadcast %broadcast_in_dim3A_342 : i32 to vector<16xi32>
      %swap3A_344 = arith.index_cast %add3A_341 : i32 to index
      %swap3A_345 = tpu.vector_load %arg12[%swap3A_344] {strides = array<i32>} : memref<2048xi32, #tpu.memory_space<vmem>>, vector<16xi32>,
      tpu.vector_store %arg12[%swap3A_344], %broadcast_in_dim3A_343 {strides = array<i32>} : memref<2048xi32, #tpu.memory_space<vmem>>, vector<16xi32>,
      %scan3A_346 = arith.constant 2 : i32
      %scan3A_347 = arith.addi %scan3A_328, %scan3A_346 : i32
      %mul3A_348 = arith.constant 16 : i32
      %mul3A_349 = arith.muli %scan3A_347, %mul3A_348 : i32
      %add3A_350 = arith.constant 0 : i32
      %add3A_351 = arith.addi %add3A_350, %mul3A_349 : i32
      %broadcast_in_dim3A_352 = arith.constant 0 : i32
      %broadcast_in_dim3A_353 = vector.broadcast %broadcast_in_dim3A_352 : i32 to vector<16xi32>
      %swap3A_354 = arith.index_cast %add3A_351 : i32 to index
      %swap3A_355 = tpu.vector_load %arg12[%swap3A_354] {strides = array<i32>} : memref<2048xi32, #tpu.memory_space<vmem>>, vector<16xi32>,
      tpu.vector_store %arg12[%swap3A_354], %broadcast_in_dim3A_353 {strides = array<i32>} : memref<2048xi32, #tpu.memory_space<vmem>>, vector<16xi32>,
      %scan3A_356 = arith.constant 3 : i32
      %scan3A_357 = arith.addi %scan3A_328, %scan3A_356 : i32
      %mul3A_358 = arith.constant 16 : i32
      %mul3A_359 = arith.muli %scan3A_357, %mul3A_358 : i32
      %add3A_360 = arith.constant 0 : i32
      %add3A_361 = arith.addi %add3A_360, %mul3A_359 : i32
      %broadcast_in_dim3A_362 = arith.constant 0 : i32
      %broadcast_in_dim3A_363 = vector.broadcast %broadcast_in_dim3A_362 : i32 to vector<16xi32>
      %swap3A_364 = arith.index_cast %add3A_361 : i32 to index
      %swap3A_365 = tpu.vector_load %arg12[%swap3A_364] {strides = array<i32>} : memref<2048xi32, #tpu.memory_space<vmem>>, vector<16xi32>,
      tpu.vector_store %arg12[%swap3A_364], %broadcast_in_dim3A_363 {strides = array<i32>} : memref<2048xi32, #tpu.memory_space<vmem>>, vector<16xi32>,
      %scan3A_366 = arith.constant 4 : i32
      %scan3A_367 = arith.addi %scan3A_328, %scan3A_366 : i32
      %mul3A_368 = arith.constant 16 : i32
      %mul3A_369 = arith.muli %scan3A_367, %mul3A_368 : i32
      %add3A_370 = arith.constant 0 : i32
      %add3A_371 = arith.addi %add3A_370, %mul3A_369 : i32
      %broadcast_in_dim3A_372 = arith.constant 0 : i32
      %broadcast_in_dim3A_373 = vector.broadcast %broadcast_in_dim3A_372 : i32 to vector<16xi32>
      %swap3A_374 = arith.index_cast %add3A_371 : i32 to index
      %swap3A_375 = tpu.vector_load %arg12[%swap3A_374] {strides = array<i32>} : memref<2048xi32, #tpu.memory_space<vmem>>, vector<16xi32>,
      tpu.vector_store %arg12[%swap3A_374], %broadcast_in_dim3A_373 {strides = array<i32>} : memref<2048xi32, #tpu.memory_space<vmem>>, vector<16xi32>,
      %scan3A_376 = arith.constant 5 : i32
      %scan3A_377 = arith.addi %scan3A_328, %scan3A_376 : i32
      %mul3A_378 = arith.constant 16 : i32
      %mul3A_379 = arith.muli %scan3A_377, %mul3A_378 : i32
      %add3A_380 = arith.constant 0 : i32
      %add3A_381 = arith.addi %add3A_380, %mul3A_379 : i32
      %broadcast_in_dim3A_382 = arith.constant 0 : i32
      %broadcast_in_dim3A_383 = vector.broadcast %broadcast_in_dim3A_382 : i32 to vector<16xi32>
      %swap3A_384 = arith.index_cast %add3A_381 : i32 to index
      %swap3A_385 = tpu.vector_load %arg12[%swap3A_384] {strides = array<i32>} : memref<2048xi32, #tpu.memory_space<vmem>>, vector<16xi32>,
      tpu.vector_store %arg12[%swap3A_384], %broadcast_in_dim3A_383 {strides = array<i32>} : memref<2048xi32, #tpu.memory_space<vmem>>, vector<16xi32>,
      %scan3A_386 = arith.constant 6 : i32
      %scan3A_387 = arith.addi %scan3A_328, %scan3A_386 : i32
      %mul3A_388 = arith.constant 16 : i32
      %mul3A_389 = arith.muli %scan3A_387, %mul3A_388 : i32
      %add3A_390 = arith.constant 0 : i32
      %add3A_391 = arith.addi %add3A_390, %mul3A_389 : i32
      %broadcast_in_dim3A_392 = arith.constant 0 : i32
      %broadcast_in_dim3A_393 = vector.broadcast %broadcast_in_dim3A_392 : i32 to vector<16xi32>
      %swap3A_394 = arith.index_cast %add3A_391 : i32 to index
      %swap3A_395 = tpu.vector_load %arg12[%swap3A_394] {strides = array<i32>} : memref<2048xi32, #tpu.memory_space<vmem>>, vector<16xi32>,
      tpu.vector_store %arg12[%swap3A_394], %broadcast_in_dim3A_393 {strides = array<i32>} : memref<2048xi32, #tpu.memory_space<vmem>>, vector<16xi32>,
      %scan3A_396 = arith.constant 7 : i32
      %scan3A_397 = arith.addi %scan3A_328, %scan3A_396 : i32
      %mul3A_398 = arith.constant 16 : i32
      %mul3A_399 = arith.muli %scan3A_397, %mul3A_398 : i32
      %add3A_400 = arith.constant 0 : i32
      %add3A_401 = arith.addi %add3A_400, %mul3A_399 : i32
      %broadcast_in_dim3A_402 = arith.constant 0 : i32
      %broadcast_in_dim3A_403 = vector.broadcast %broadcast_in_dim3A_402 : i32 to vector<16xi32>
      %swap3A_404 = arith.index_cast %add3A_401 : i32 to index
      %swap3A_405 = tpu.vector_load %arg12[%swap3A_404] {strides = array<i32>} : memref<2048xi32, #tpu.memory_space<vmem>>, vector<16xi32>,
      tpu.vector_store %arg12[%swap3A_404], %broadcast_in_dim3A_403 {strides = array<i32>} : memref<2048xi32, #tpu.memory_space<vmem>>, vector<16xi32>,
    }
    %scan3A_16 = arith.constant 128 : i32
    %scan3A_17 = arith.constant 0 : i32
    %scan3A_18 = arith.constant 512 : i32
    %scan3A_19 = arith.addi %scan3A_17, %scan3A_18 : i32
    %scan3A_20 = arith.constant 8 : i32
    scf.for %scan3A_328 = %scan3A_17 to %scan3A_19 step %scan3A_20  : i32 {
      %mul3A_329 = arith.constant 16 : i32
      %mul3A_330 = arith.muli %scan3A_328, %mul3A_329 : i32
      %add3A_331 = arith.constant 0 : i32
      %add3A_332 = arith.addi %add3A_331, %mul3A_330 : i32
      %get3A = arith.index_cast %add3A_332 : i32 to index
      %get3A_333 = tpu.vector_load %arg6[%get3A] {strides = array<i32>} : memref<8192xi32, #tpu.memory_space<vmem>>, vector<16xi32>,
      %shift_right_arithmetic3A_334 = arith.constant 10 : i32
      %shift_right_arithmetic3A_335 = vector.broadcast %shift_right_arithmetic3A_334 : i32 to vector<16xi32>
      %shift_right_arithmetic3A_336 = arith.shrsi %get3A_333, %shift_right_arithmetic3A_335 : vector<16xi32>
      %xor3A_337 = arith.xori %get3A_333, %shift_right_arithmetic3A_336 : vector<16xi32>
      %and3A_338 = arith.constant 2047 : i32
      %and3A_339 = vector.broadcast %and3A_338 : i32 to vector<16xi32>
      %and3A_340 = arith.andi %xor3A_337, %and3A_339 : vector<16xi32>
      %broadcast_in_dim3A_341 = arith.constant true
      %broadcast_in_dim3A_342 = vector.broadcast %broadcast_in_dim3A_341 : i1 to vector<16xi1>
      %unique3A, %unique3A_343 = tpu.scan_count mask(%broadcast_in_dim3A_342 : vector<16xi1>) value(%and3A_340 : vector<16xi32>) : vector<16xi1>, vector<16xi32>
      tpu.vector_store_idx %arg12[%and3A_340], %unique3A_343 masked %unique3A {add = true} : memref<2048xi32, #tpu.memory_space<vmem>>[vector<16xi32>], vector<16xi32>, vector<16xi1>
      %scan3A_344 = arith.constant 1 : i32
      %scan3A_345 = arith.addi %scan3A_328, %scan3A_344 : i32
      %mul3A_346 = arith.constant 16 : i32
      %mul3A_347 = arith.muli %scan3A_345, %mul3A_346 : i32
      %add3A_348 = arith.constant 0 : i32
      %add3A_349 = arith.addi %add3A_348, %mul3A_347 : i32
      %get3A_350 = arith.index_cast %add3A_349 : i32 to index
      %get3A_351 = tpu.vector_load %arg6[%get3A_350] {strides = array<i32>} : memref<8192xi32, #tpu.memory_space<vmem>>, vector<16xi32>,
      %shift_right_arithmetic3A_352 = arith.constant 10 : i32
      %shift_right_arithmetic3A_353 = vector.broadcast %shift_right_arithmetic3A_352 : i32 to vector<16xi32>
      %shift_right_arithmetic3A_354 = arith.shrsi %get3A_351, %shift_right_arithmetic3A_353 : vector<16xi32>
      %xor3A_355 = arith.xori %get3A_351, %shift_right_arithmetic3A_354 : vector<16xi32>
      %and3A_356 = arith.constant 2047 : i32
      %and3A_357 = vector.broadcast %and3A_356 : i32 to vector<16xi32>
      %and3A_358 = arith.andi %xor3A_355, %and3A_357 : vector<16xi32>
      %broadcast_in_dim3A_359 = arith.constant true
      %broadcast_in_dim3A_360 = vector.broadcast %broadcast_in_dim3A_359 : i1 to vector<16xi1>
      %unique3A_361, %unique3A_362 = tpu.scan_count mask(%broadcast_in_dim3A_360 : vector<16xi1>) value(%and3A_358 : vector<16xi32>) : vector<16xi1>, vector<16xi32>
      tpu.vector_store_idx %arg12[%and3A_358], %unique3A_362 masked %unique3A_361 {add = true} : memref<2048xi32, #tpu.memory_space<vmem>>[vector<16xi32>], vector<16xi32>, vector<16xi1>
      %scan3A_363 = arith.constant 2 : i32
      %scan3A_364 = arith.addi %scan3A_328, %scan3A_363 : i32
      %mul3A_365 = arith.constant 16 : i32
      %mul3A_366 = arith.muli %scan3A_364, %mul3A_365 : i32
      %add3A_367 = arith.constant 0 : i32
      %add3A_368 = arith.addi %add3A_367, %mul3A_366 : i32
      %get3A_369 = arith.index_cast %add3A_368 : i32 to index
      %get3A_370 = tpu.vector_load %arg6[%get3A_369] {strides = array<i32>} : memref<8192xi32, #tpu.memory_space<vmem>>, vector<16xi32>,
      %shift_right_arithmetic3A_371 = arith.constant 10 : i32
      %shift_right_arithmetic3A_372 = vector.broadcast %shift_right_arithmetic3A_371 : i32 to vector<16xi32>
      %shift_right_arithmetic3A_373 = arith.shrsi %get3A_370, %shift_right_arithmetic3A_372 : vector<16xi32>
      %xor3A_374 = arith.xori %get3A_370, %shift_right_arithmetic3A_373 : vector<16xi32>
      %and3A_375 = arith.constant 2047 : i32
      %and3A_376 = vector.broadcast %and3A_375 : i32 to vector<16xi32>
      %and3A_377 = arith.andi %xor3A_374, %and3A_376 : vector<16xi32>
      %broadcast_in_dim3A_378 = arith.constant true
      %broadcast_in_dim3A_379 = vector.broadcast %broadcast_in_dim3A_378 : i1 to vector<16xi1>
      %unique3A_380, %unique3A_381 = tpu.scan_count mask(%broadcast_in_dim3A_379 : vector<16xi1>) value(%and3A_377 : vector<16xi32>) : vector<16xi1>, vector<16xi32>
      tpu.vector_store_idx %arg12[%and3A_377], %unique3A_381 masked %unique3A_380 {add = true} : memref<2048xi32, #tpu.memory_space<vmem>>[vector<16xi32>], vector<16xi32>, vector<16xi1>
      %scan3A_382 = arith.constant 3 : i32
      %scan3A_383 = arith.addi %scan3A_328, %scan3A_382 : i32
      %mul3A_384 = arith.constant 16 : i32
      %mul3A_385 = arith.muli %scan3A_383, %mul3A_384 : i32
      %add3A_386 = arith.constant 0 : i32
      %add3A_387 = arith.addi %add3A_386, %mul3A_385 : i32
      %get3A_388 = arith.index_cast %add3A_387 : i32 to index
      %get3A_389 = tpu.vector_load %arg6[%get3A_388] {strides = array<i32>} : memref<8192xi32, #tpu.memory_space<vmem>>, vector<16xi32>,
      %shift_right_arithmetic3A_390 = arith.constant 10 : i32
      %shift_right_arithmetic3A_391 = vector.broadcast %shift_right_arithmetic3A_390 : i32 to vector<16xi32>
      %shift_right_arithmetic3A_392 = arith.shrsi %get3A_389, %shift_right_arithmetic3A_391 : vector<16xi32>
      %xor3A_393 = arith.xori %get3A_389, %shift_right_arithmetic3A_392 : vector<16xi32>
      %and3A_394 = arith.constant 2047 : i32
      %and3A_395 = vector.broadcast %and3A_394 : i32 to vector<16xi32>
      %and3A_396 = arith.andi %xor3A_393, %and3A_395 : vector<16xi32>
      %broadcast_in_dim3A_397 = arith.constant true
      %broadcast_in_dim3A_398 = vector.broadcast %broadcast_in_dim3A_397 : i1 to vector<16xi1>
      %unique3A_399, %unique3A_400 = tpu.scan_count mask(%broadcast_in_dim3A_398 : vector<16xi1>) value(%and3A_396 : vector<16xi32>) : vector<16xi1>, vector<16xi32>
      tpu.vector_store_idx %arg12[%and3A_396], %unique3A_400 masked %unique3A_399 {add = true} : memref<2048xi32, #tpu.memory_space<vmem>>[vector<16xi32>], vector<16xi32>, vector<16xi1>
      %scan3A_401 = arith.constant 4 : i32
      %scan3A_402 = arith.addi %scan3A_328, %scan3A_401 : i32
      %mul3A_403 = arith.constant 16 : i32
      %mul3A_404 = arith.muli %scan3A_402, %mul3A_403 : i32
      %add3A_405 = arith.constant 0 : i32
      %add3A_406 = arith.addi %add3A_405, %mul3A_404 : i32
      %get3A_407 = arith.index_cast %add3A_406 : i32 to index
      %get3A_408 = tpu.vector_load %arg6[%get3A_407] {strides = array<i32>} : memref<8192xi32, #tpu.memory_space<vmem>>, vector<16xi32>,
      %shift_right_arithmetic3A_409 = arith.constant 10 : i32
      %shift_right_arithmetic3A_410 = vector.broadcast %shift_right_arithmetic3A_409 : i32 to vector<16xi32>
      %shift_right_arithmetic3A_411 = arith.shrsi %get3A_408, %shift_right_arithmetic3A_410 : vector<16xi32>
      %xor3A_412 = arith.xori %get3A_408, %shift_right_arithmetic3A_411 : vector<16xi32>
      %and3A_413 = arith.constant 2047 : i32
      %and3A_414 = vector.broadcast %and3A_413 : i32 to vector<16xi32>
      %and3A_415 = arith.andi %xor3A_412, %and3A_414 : vector<16xi32>
      %broadcast_in_dim3A_416 = arith.constant true
      %broadcast_in_dim3A_417 = vector.broadcast %broadcast_in_dim3A_416 : i1 to vector<16xi1>
      %unique3A_418, %unique3A_419 = tpu.scan_count mask(%broadcast_in_dim3A_417 : vector<16xi1>) value(%and3A_415 : vector<16xi32>) : vector<16xi1>, vector<16xi32>
      tpu.vector_store_idx %arg12[%and3A_415], %unique3A_419 masked %unique3A_418 {add = true} : memref<2048xi32, #tpu.memory_space<vmem>>[vector<16xi32>], vector<16xi32>, vector<16xi1>
      %scan3A_420 = arith.constant 5 : i32
      %scan3A_421 = arith.addi %scan3A_328, %scan3A_420 : i32
      %mul3A_422 = arith.constant 16 : i32
      %mul3A_423 = arith.muli %scan3A_421, %mul3A_422 : i32
      %add3A_424 = arith.constant 0 : i32
      %add3A_425 = arith.addi %add3A_424, %mul3A_423 : i32
      %get3A_426 = arith.index_cast %add3A_425 : i32 to index
      %get3A_427 = tpu.vector_load %arg6[%get3A_426] {strides = array<i32>} : memref<8192xi32, #tpu.memory_space<vmem>>, vector<16xi32>,
      %shift_right_arithmetic3A_428 = arith.constant 10 : i32
      %shift_right_arithmetic3A_429 = vector.broadcast %shift_right_arithmetic3A_428 : i32 to vector<16xi32>
      %shift_right_arithmetic3A_430 = arith.shrsi %get3A_427, %shift_right_arithmetic3A_429 : vector<16xi32>
      %xor3A_431 = arith.xori %get3A_427, %shift_right_arithmetic3A_430 : vector<16xi32>
      %and3A_432 = arith.constant 2047 : i32
      %and3A_433 = vector.broadcast %and3A_432 : i32 to vector<16xi32>
      %and3A_434 = arith.andi %xor3A_431, %and3A_433 : vector<16xi32>
      %broadcast_in_dim3A_435 = arith.constant true
      %broadcast_in_dim3A_436 = vector.broadcast %broadcast_in_dim3A_435 : i1 to vector<16xi1>
      %unique3A_437, %unique3A_438 = tpu.scan_count mask(%broadcast_in_dim3A_436 : vector<16xi1>) value(%and3A_434 : vector<16xi32>) : vector<16xi1>, vector<16xi32>
      tpu.vector_store_idx %arg12[%and3A_434], %unique3A_438 masked %unique3A_437 {add = true} : memref<2048xi32, #tpu.memory_space<vmem>>[vector<16xi32>], vector<16xi32>, vector<16xi1>
      %scan3A_439 = arith.constant 6 : i32
      %scan3A_440 = arith.addi %scan3A_328, %scan3A_439 : i32
      %mul3A_441 = arith.constant 16 : i32
      %mul3A_442 = arith.muli %scan3A_440, %mul3A_441 : i32
      %add3A_443 = arith.constant 0 : i32
      %add3A_444 = arith.addi %add3A_443, %mul3A_442 : i32
      %get3A_445 = arith.index_cast %add3A_444 : i32 to index
      %get3A_446 = tpu.vector_load %arg6[%get3A_445] {strides = array<i32>} : memref<8192xi32, #tpu.memory_space<vmem>>, vector<16xi32>,
      %shift_right_arithmetic3A_447 = arith.constant 10 : i32
      %shift_right_arithmetic3A_448 = vector.broadcast %shift_right_arithmetic3A_447 : i32 to vector<16xi32>
      %shift_right_arithmetic3A_449 = arith.shrsi %get3A_446, %shift_right_arithmetic3A_448 : vector<16xi32>
      %xor3A_450 = arith.xori %get3A_446, %shift_right_arithmetic3A_449 : vector<16xi32>
      %and3A_451 = arith.constant 2047 : i32
      %and3A_452 = vector.broadcast %and3A_451 : i32 to vector<16xi32>
      %and3A_453 = arith.andi %xor3A_450, %and3A_452 : vector<16xi32>
      %broadcast_in_dim3A_454 = arith.constant true
      %broadcast_in_dim3A_455 = vector.broadcast %broadcast_in_dim3A_454 : i1 to vector<16xi1>
      %unique3A_456, %unique3A_457 = tpu.scan_count mask(%broadcast_in_dim3A_455 : vector<16xi1>) value(%and3A_453 : vector<16xi32>) : vector<16xi1>, vector<16xi32>
      tpu.vector_store_idx %arg12[%and3A_453], %unique3A_457 masked %unique3A_456 {add = true} : memref<2048xi32, #tpu.memory_space<vmem>>[vector<16xi32>], vector<16xi32>, vector<16xi1>
      %scan3A_458 = arith.constant 7 : i32
      %scan3A_459 = arith.addi %scan3A_328, %scan3A_458 : i32
      %mul3A_460 = arith.constant 16 : i32
      %mul3A_461 = arith.muli %scan3A_459, %mul3A_460 : i32
      %add3A_462 = arith.constant 0 : i32
      %add3A_463 = arith.addi %add3A_462, %mul3A_461 : i32
      %get3A_464 = arith.index_cast %add3A_463 : i32 to index
      %get3A_465 = tpu.vector_load %arg6[%get3A_464] {strides = array<i32>} : memref<8192xi32, #tpu.memory_space<vmem>>, vector<16xi32>,
      %shift_right_arithmetic3A_466 = arith.constant 10 : i32
      %shift_right_arithmetic3A_467 = vector.broadcast %shift_right_arithmetic3A_466 : i32 to vector<16xi32>
      %shift_right_arithmetic3A_468 = arith.shrsi %get3A_465, %shift_right_arithmetic3A_467 : vector<16xi32>
      %xor3A_469 = arith.xori %get3A_465, %shift_right_arithmetic3A_468 : vector<16xi32>
      %and3A_470 = arith.constant 2047 : i32
      %and3A_471 = vector.broadcast %and3A_470 : i32 to vector<16xi32>
      %and3A_472 = arith.andi %xor3A_469, %and3A_471 : vector<16xi32>
      %broadcast_in_dim3A_473 = arith.constant true
      %broadcast_in_dim3A_474 = vector.broadcast %broadcast_in_dim3A_473 : i1 to vector<16xi1>
      %unique3A_475, %unique3A_476 = tpu.scan_count mask(%broadcast_in_dim3A_474 : vector<16xi1>) value(%and3A_472 : vector<16xi32>) : vector<16xi1>, vector<16xi32>
      tpu.vector_store_idx %arg12[%and3A_472], %unique3A_476 masked %unique3A_475 {add = true} : memref<2048xi32, #tpu.memory_space<vmem>>[vector<16xi32>], vector<16xi32>, vector<16xi1>
    }
    %scan3A_21 = arith.constant 512 : i32
    %scan3A_22 = arith.constant 0 : i32
    %scan3A_23 = arith.constant 0 : i32
    %scan3A_24 = arith.constant 128 : i32
    %scan3A_25 = arith.addi %scan3A_23, %scan3A_24 : i32
    %scan3A_26 = arith.constant 1 : i32
    %scan3A_27 = scf.for %scan3A_328 = %scan3A_23 to %scan3A_25 step %scan3A_26 iter_args(%scan3A_329 = %scan3A_22) -> (i32)  : i32 {
      %mul3A_330 = arith.constant 1 : i32
      %mul3A_331 = arith.muli %scan3A_328, %mul3A_330 : i32
      %add3A_332 = arith.constant 0 : i32
      %add3A_333 = arith.addi %add3A_332, %mul3A_331 : i32
      %mul3A_334 = arith.constant 16 : i32
      %mul3A_335 = arith.muli %add3A_333, %mul3A_334 : i32
      %get3A = arith.index_cast %mul3A_335 : i32 to index
      %get3A_336 = tpu.vector_load %arg12[%get3A] {strides = array<i32>} : memref<2048xi32, #tpu.memory_space<vmem>>, vector<16xi32>,
      %broadcast_in_dim3A_337 = arith.constant true
      %broadcast_in_dim3A_338 = vector.broadcast %broadcast_in_dim3A_337 : i1 to vector<16xi1>
      %masked_cumsum3A = tpu.scan <sum>, %get3A_336 masked %broadcast_in_dim3A_338 : vector<16xi32>, vector<16xi1> -> vector<16xi32>
      %sub3A_339 = arith.subi %masked_cumsum3A, %get3A_336 : vector<16xi32>
      %add3A_340 = vector.broadcast %scan3A_329 : i32 to vector<16xi32>
      %add3A_341 = arith.addi %sub3A_339, %add3A_340 : vector<16xi32>
      %mul3A_342 = arith.constant 16 : i32
      %mul3A_343 = arith.muli %add3A_333, %mul3A_342 : i32
      %swap3A = arith.index_cast %mul3A_343 : i32 to index
      %swap3A_344 = tpu.vector_load %arg12[%swap3A] {strides = array<i32>} : memref<2048xi32, #tpu.memory_space<vmem>>, vector<16xi32>,
      tpu.vector_store %arg12[%swap3A], %add3A_341 {strides = array<i32>} : memref<2048xi32, #tpu.memory_space<vmem>>, vector<16xi32>,
      %reduce_sum3A = arith.constant true
      %reduce_sum3A_345 = vector.broadcast %reduce_sum3A : i1 to vector<16xi1>
      %reduce_sum3A_346 = tpu.scan <sum>, %get3A_336 masked %reduce_sum3A_345 : vector<16xi32>, vector<16xi1> -> vector<16xi32>
      %reduce_sum3A_347 = vector.extract %reduce_sum3A_346[15] : i32 from vector<16xi32>
      %add3A_348 = arith.addi %scan3A_329, %reduce_sum3A_347 : i32
      scf.yield %add3A_348 : i32
    }
    %scan3A_28 = arith.constant 128 : i32
    %scan3A_29 = arith.constant 0 : i32
    %scan3A_30 = arith.constant 512 : i32
    %scan3A_31 = arith.addi %scan3A_29, %scan3A_30 : i32
    %scan3A_32 = arith.constant 4 : i32
    scf.for %scan3A_328 = %scan3A_29 to %scan3A_31 step %scan3A_32  : i32 {
      %mul3A_329 = arith.constant 16 : i32
      %mul3A_330 = arith.muli %scan3A_328, %mul3A_329 : i32
      %add3A_331 = arith.constant 0 : i32
      %add3A_332 = arith.addi %add3A_331, %mul3A_330 : i32
      %get3A = arith.index_cast %add3A_332 : i32 to index
      %get3A_333 = tpu.vector_load %arg6[%get3A] {strides = array<i32>} : memref<8192xi32, #tpu.memory_space<vmem>>, vector<16xi32>,
      %iota3A_334 = tpu.iota {dimensions = array<i32: 0>} : vector<16xi32>
      %add3A_335 = arith.addi %add3A_332, %mul3A_1 : i32
      %add3A_336 = vector.broadcast %add3A_335 : i32 to vector<16xi32>
      %add3A_337 = arith.addi %iota3A_334, %add3A_336 : vector<16xi32>
      %shift_right_arithmetic3A_338 = arith.constant 10 : i32
      %shift_right_arithmetic3A_339 = vector.broadcast %shift_right_arithmetic3A_338 : i32 to vector<16xi32>
      %shift_right_arithmetic3A_340 = arith.shrsi %get3A_333, %shift_right_arithmetic3A_339 : vector<16xi32>
      %xor3A_341 = arith.xori %get3A_333, %shift_right_arithmetic3A_340 : vector<16xi32>
      %and3A_342 = arith.constant 2047 : i32
      %and3A_343 = vector.broadcast %and3A_342 : i32 to vector<16xi32>
      %and3A_344 = arith.andi %xor3A_341, %and3A_343 : vector<16xi32>
      %broadcast_in_dim3A_345 = arith.constant true
      %broadcast_in_dim3A_346 = vector.broadcast %broadcast_in_dim3A_345 : i1 to vector<16xi1>
      %unique3A, %unique3A_347 = tpu.scan_count mask(%broadcast_in_dim3A_346 : vector<16xi1>) value(%and3A_344 : vector<16xi32>) : vector<16xi1>, vector<16xi32>
      %gather3A = tpu.vector_load_idx %arg12[%and3A_344] : memref<2048xi32, #tpu.memory_space<vmem>>[vector<16xi32>], vector<16xi32>,
      %add3A_348 = arith.addi %gather3A, %unique3A_347 : vector<16xi32>
      %sub3A_349 = arith.constant 1 : i32
      %sub3A_350 = vector.broadcast %sub3A_349 : i32 to vector<16xi32>
      %sub3A_351 = arith.subi %add3A_348, %sub3A_350 : vector<16xi32>
      tpu.vector_store_idx %arg7[%sub3A_351], %get3A_333 : memref<8192xi32, #tpu.memory_space<vmem>>[vector<16xi32>], vector<16xi32>,
      tpu.vector_store_idx %arg8[%sub3A_351], %add3A_337 : memref<8192xi32, #tpu.memory_space<vmem>>[vector<16xi32>], vector<16xi32>,
      %add3A_352 = arith.constant 1 : i32
      %add3A_353 = vector.broadcast %add3A_352 : i32 to vector<16xi32>
      %add3A_354 = arith.addi %sub3A_351, %add3A_353 : vector<16xi32>
      tpu.vector_store_idx %arg9[%add3A_354], %get3A_333 : memref<8208xi32, #tpu.memory_space<vmem>>[vector<16xi32>], vector<16xi32>,
      tpu.vector_store_idx %arg12[%and3A_344], %unique3A_347 masked %unique3A {add = true} : memref<2048xi32, #tpu.memory_space<vmem>>[vector<16xi32>], vector<16xi32>, vector<16xi1>
      %scan3A_355 = arith.constant 1 : i32
      %scan3A_356 = arith.addi %scan3A_328, %scan3A_355 : i32
      %mul3A_357 = arith.constant 16 : i32
      %mul3A_358 = arith.muli %scan3A_356, %mul3A_357 : i32
      %add3A_359 = arith.constant 0 : i32
      %add3A_360 = arith.addi %add3A_359, %mul3A_358 : i32
      %get3A_361 = arith.index_cast %add3A_360 : i32 to index
      %get3A_362 = tpu.vector_load %arg6[%get3A_361] {strides = array<i32>} : memref<8192xi32, #tpu.memory_space<vmem>>, vector<16xi32>,
      %iota3A_363 = tpu.iota {dimensions = array<i32: 0>} : vector<16xi32>
      %add3A_364 = arith.addi %add3A_360, %mul3A_1 : i32
      %add3A_365 = vector.broadcast %add3A_364 : i32 to vector<16xi32>
      %add3A_366 = arith.addi %iota3A_363, %add3A_365 : vector<16xi32>
      %shift_right_arithmetic3A_367 = arith.constant 10 : i32
      %shift_right_arithmetic3A_368 = vector.broadcast %shift_right_arithmetic3A_367 : i32 to vector<16xi32>
      %shift_right_arithmetic3A_369 = arith.shrsi %get3A_362, %shift_right_arithmetic3A_368 : vector<16xi32>
      %xor3A_370 = arith.xori %get3A_362, %shift_right_arithmetic3A_369 : vector<16xi32>
      %and3A_371 = arith.constant 2047 : i32
      %and3A_372 = vector.broadcast %and3A_371 : i32 to vector<16xi32>
      %and3A_373 = arith.andi %xor3A_370, %and3A_372 : vector<16xi32>
      %broadcast_in_dim3A_374 = arith.constant true
      %broadcast_in_dim3A_375 = vector.broadcast %broadcast_in_dim3A_374 : i1 to vector<16xi1>
      %unique3A_376, %unique3A_377 = tpu.scan_count mask(%broadcast_in_dim3A_375 : vector<16xi1>) value(%and3A_373 : vector<16xi32>) : vector<16xi1>, vector<16xi32>
      %gather3A_378 = tpu.vector_load_idx %arg12[%and3A_373] : memref<2048xi32, #tpu.memory_space<vmem>>[vector<16xi32>], vector<16xi32>,
      %add3A_379 = arith.addi %gather3A_378, %unique3A_377 : vector<16xi32>
      %sub3A_380 = arith.constant 1 : i32
      %sub3A_381 = vector.broadcast %sub3A_380 : i32 to vector<16xi32>
      %sub3A_382 = arith.subi %add3A_379, %sub3A_381 : vector<16xi32>
      tpu.vector_store_idx %arg7[%sub3A_382], %get3A_362 : memref<8192xi32, #tpu.memory_space<vmem>>[vector<16xi32>], vector<16xi32>,
      tpu.vector_store_idx %arg8[%sub3A_382], %add3A_366 : memref<8192xi32, #tpu.memory_space<vmem>>[vector<16xi32>], vector<16xi32>,
      %add3A_383 = arith.constant 1 : i32
      %add3A_384 = vector.broadcast %add3A_383 : i32 to vector<16xi32>
      %add3A_385 = arith.addi %sub3A_382, %add3A_384 : vector<16xi32>
      tpu.vector_store_idx %arg9[%add3A_385], %get3A_362 : memref<8208xi32, #tpu.memory_space<vmem>>[vector<16xi32>], vector<16xi32>,
      tpu.vector_store_idx %arg12[%and3A_373], %unique3A_377 masked %unique3A_376 {add = true} : memref<2048xi32, #tpu.memory_space<vmem>>[vector<16xi32>], vector<16xi32>, vector<16xi1>
      %scan3A_386 = arith.constant 2 : i32
      %scan3A_387 = arith.addi %scan3A_328, %scan3A_386 : i32
      %mul3A_388 = arith.constant 16 : i32
      %mul3A_389 = arith.muli %scan3A_387, %mul3A_388 : i32
      %add3A_390 = arith.constant 0 : i32
      %add3A_391 = arith.addi %add3A_390, %mul3A_389 : i32
      %get3A_392 = arith.index_cast %add3A_391 : i32 to index
      %get3A_393 = tpu.vector_load %arg6[%get3A_392] {strides = array<i32>} : memref<8192xi32, #tpu.memory_space<vmem>>, vector<16xi32>,
      %iota3A_394 = tpu.iota {dimensions = array<i32: 0>} : vector<16xi32>
      %add3A_395 = arith.addi %add3A_391, %mul3A_1 : i32
      %add3A_396 = vector.broadcast %add3A_395 : i32 to vector<16xi32>
      %add3A_397 = arith.addi %iota3A_394, %add3A_396 : vector<16xi32>
      %shift_right_arithmetic3A_398 = arith.constant 10 : i32
      %shift_right_arithmetic3A_399 = vector.broadcast %shift_right_arithmetic3A_398 : i32 to vector<16xi32>
      %shift_right_arithmetic3A_400 = arith.shrsi %get3A_393, %shift_right_arithmetic3A_399 : vector<16xi32>
      %xor3A_401 = arith.xori %get3A_393, %shift_right_arithmetic3A_400 : vector<16xi32>
      %and3A_402 = arith.constant 2047 : i32
      %and3A_403 = vector.broadcast %and3A_402 : i32 to vector<16xi32>
      %and3A_404 = arith.andi %xor3A_401, %and3A_403 : vector<16xi32>
      %broadcast_in_dim3A_405 = arith.constant true
      %broadcast_in_dim3A_406 = vector.broadcast %broadcast_in_dim3A_405 : i1 to vector<16xi1>
      %unique3A_407, %unique3A_408 = tpu.scan_count mask(%broadcast_in_dim3A_406 : vector<16xi1>) value(%and3A_404 : vector<16xi32>) : vector<16xi1>, vector<16xi32>
      %gather3A_409 = tpu.vector_load_idx %arg12[%and3A_404] : memref<2048xi32, #tpu.memory_space<vmem>>[vector<16xi32>], vector<16xi32>,
      %add3A_410 = arith.addi %gather3A_409, %unique3A_408 : vector<16xi32>
      %sub3A_411 = arith.constant 1 : i32
      %sub3A_412 = vector.broadcast %sub3A_411 : i32 to vector<16xi32>
      %sub3A_413 = arith.subi %add3A_410, %sub3A_412 : vector<16xi32>
      tpu.vector_store_idx %arg7[%sub3A_413], %get3A_393 : memref<8192xi32, #tpu.memory_space<vmem>>[vector<16xi32>], vector<16xi32>,
      tpu.vector_store_idx %arg8[%sub3A_413], %add3A_397 : memref<8192xi32, #tpu.memory_space<vmem>>[vector<16xi32>], vector<16xi32>,
      %add3A_414 = arith.constant 1 : i32
      %add3A_415 = vector.broadcast %add3A_414 : i32 to vector<16xi32>
      %add3A_416 = arith.addi %sub3A_413, %add3A_415 : vector<16xi32>
      tpu.vector_store_idx %arg9[%add3A_416], %get3A_393 : memref<8208xi32, #tpu.memory_space<vmem>>[vector<16xi32>], vector<16xi32>,
      tpu.vector_store_idx %arg12[%and3A_404], %unique3A_408 masked %unique3A_407 {add = true} : memref<2048xi32, #tpu.memory_space<vmem>>[vector<16xi32>], vector<16xi32>, vector<16xi1>
      %scan3A_417 = arith.constant 3 : i32
      %scan3A_418 = arith.addi %scan3A_328, %scan3A_417 : i32
      %mul3A_419 = arith.constant 16 : i32
      %mul3A_420 = arith.muli %scan3A_418, %mul3A_419 : i32
      %add3A_421 = arith.constant 0 : i32
      %add3A_422 = arith.addi %add3A_421, %mul3A_420 : i32
      %get3A_423 = arith.index_cast %add3A_422 : i32 to index
      %get3A_424 = tpu.vector_load %arg6[%get3A_423] {strides = array<i32>} : memref<8192xi32, #tpu.memory_space<vmem>>, vector<16xi32>,
      %iota3A_425 = tpu.iota {dimensions = array<i32: 0>} : vector<16xi32>
      %add3A_426 = arith.addi %add3A_422, %mul3A_1 : i32
      %add3A_427 = vector.broadcast %add3A_426 : i32 to vector<16xi32>
      %add3A_428 = arith.addi %iota3A_425, %add3A_427 : vector<16xi32>
      %shift_right_arithmetic3A_429 = arith.constant 10 : i32
      %shift_right_arithmetic3A_430 = vector.broadcast %shift_right_arithmetic3A_429 : i32 to vector<16xi32>
      %shift_right_arithmetic3A_431 = arith.shrsi %get3A_424, %shift_right_arithmetic3A_430 : vector<16xi32>
      %xor3A_432 = arith.xori %get3A_424, %shift_right_arithmetic3A_431 : vector<16xi32>
      %and3A_433 = arith.constant 2047 : i32
      %and3A_434 = vector.broadcast %and3A_433 : i32 to vector<16xi32>
      %and3A_435 = arith.andi %xor3A_432, %and3A_434 : vector<16xi32>
      %broadcast_in_dim3A_436 = arith.constant true
      %broadcast_in_dim3A_437 = vector.broadcast %broadcast_in_dim3A_436 : i1 to vector<16xi1>
      %unique3A_438, %unique3A_439 = tpu.scan_count mask(%broadcast_in_dim3A_437 : vector<16xi1>) value(%and3A_435 : vector<16xi32>) : vector<16xi1>, vector<16xi32>
      %gather3A_440 = tpu.vector_load_idx %arg12[%and3A_435] : memref<2048xi32, #tpu.memory_space<vmem>>[vector<16xi32>], vector<16xi32>,
      %add3A_441 = arith.addi %gather3A_440, %unique3A_439 : vector<16xi32>
      %sub3A_442 = arith.constant 1 : i32
      %sub3A_443 = vector.broadcast %sub3A_442 : i32 to vector<16xi32>
      %sub3A_444 = arith.subi %add3A_441, %sub3A_443 : vector<16xi32>
      tpu.vector_store_idx %arg7[%sub3A_444], %get3A_424 : memref<8192xi32, #tpu.memory_space<vmem>>[vector<16xi32>], vector<16xi32>,
      tpu.vector_store_idx %arg8[%sub3A_444], %add3A_428 : memref<8192xi32, #tpu.memory_space<vmem>>[vector<16xi32>], vector<16xi32>,
      %add3A_445 = arith.constant 1 : i32
      %add3A_446 = vector.broadcast %add3A_445 : i32 to vector<16xi32>
      %add3A_447 = arith.addi %sub3A_444, %add3A_446 : vector<16xi32>
      tpu.vector_store_idx %arg9[%add3A_447], %get3A_424 : memref<8208xi32, #tpu.memory_space<vmem>>[vector<16xi32>], vector<16xi32>,
      tpu.vector_store_idx %arg12[%and3A_435], %unique3A_439 masked %unique3A_438 {add = true} : memref<2048xi32, #tpu.memory_space<vmem>>[vector<16xi32>], vector<16xi32>, vector<16xi1>
    }
    %scan3A_33 = arith.constant 512 : i32
    %scan3A_34 = arith.constant 0 : i32
    %scan3A_35 = arith.constant 0 : i32
    %scan3A_36 = arith.constant 512 : i32
    %scan3A_37 = arith.addi %scan3A_35, %scan3A_36 : i32
    %scan3A_38 = arith.constant 1 : i32
    %scan3A_39 = scf.for %scan3A_328 = %scan3A_35 to %scan3A_37 step %scan3A_38 iter_args(%scan3A_329 = %scan3A_34) -> (i32)  : i32 {
      %mul3A_330 = arith.constant 16 : i32
      %mul3A_331 = arith.muli %scan3A_328, %mul3A_330 : i32
      %add3A_332 = arith.constant 0 : i32
      %add3A_333 = arith.addi %add3A_332, %mul3A_331 : i32
      %get3A = arith.index_cast %add3A_333 : i32 to index
      %get3A_334 = tpu.vector_load %arg7[%get3A] {strides = array<i32>} : memref<8192xi32, #tpu.memory_space<vmem>>, vector<16xi32>,
      %get3A_335 = arith.index_cast %add3A_333 : i32 to index
      %get3A_336 = tpu.vector_load %arg9[%get3A_335] {strides = array<i32>} : memref<8208xi32, #tpu.memory_space<vmem>>, vector<16xi32>,
      %ne3A_337 = arith.cmpi ne, %get3A_334, %get3A_336 : vector<16xi32>
      %convert_element_type3A = arith.extui %ne3A_337 : vector<16xi1> to vector<16xi32>
      %broadcast_in_dim3A_338 = arith.constant true
      %broadcast_in_dim3A_339 = vector.broadcast %broadcast_in_dim3A_338 : i1 to vector<16xi1>
      %masked_cumsum3A = tpu.scan <sum>, %convert_element_type3A masked %broadcast_in_dim3A_339 : vector<16xi32>, vector<16xi1> -> vector<16xi32>
      %add3A_340 = vector.broadcast %scan3A_329 : i32 to vector<16xi32>
      %add3A_341 = arith.addi %add3A_340, %masked_cumsum3A : vector<16xi32>
      %sub3A_342 = arith.constant 1 : i32
      %sub3A_343 = vector.broadcast %sub3A_342 : i32 to vector<16xi32>
      %sub3A_344 = arith.subi %add3A_341, %sub3A_343 : vector<16xi32>
      %shift_left3A = arith.constant 14 : i32
      %shift_left3A_345 = vector.broadcast %shift_left3A : i32 to vector<16xi32>
      %shift_left3A_346 = arith.shli %sub3A_344, %shift_left3A_345 : vector<16xi32>
      %get3A_347 = arith.index_cast %add3A_333 : i32 to index
      %get3A_348 = tpu.vector_load %arg8[%get3A_347] {strides = array<i32>} : memref<8192xi32, #tpu.memory_space<vmem>>, vector<16xi32>,
      %or3A = arith.ori %shift_left3A_346, %get3A_348 : vector<16xi32>
      %swap3A = arith.index_cast %add3A_333 : i32 to index
      %swap3A_349 = tpu.vector_load %arg8[%swap3A] {strides = array<i32>} : memref<8192xi32, #tpu.memory_space<vmem>>, vector<16xi32>,
      tpu.vector_store %arg8[%swap3A], %or3A {strides = array<i32>} : memref<8192xi32, #tpu.memory_space<vmem>>, vector<16xi32>,
      tpu.vector_store_idx %arg6[%sub3A_344], %get3A_334 masked %ne3A_337 : memref<8192xi32, #tpu.memory_space<vmem>>[vector<16xi32>], vector<16xi32>, vector<16xi1>
      %add3A_350 = arith.addi %add3A_333, %mul3A_1 : i32
      %add3A_351 = vector.broadcast %add3A_350 : i32 to vector<16xi32>
      %add3A_352 = arith.addi %iota3A, %add3A_351 : vector<16xi32>
      tpu.vector_store_idx %arg11[%sub3A_344], %add3A_352 masked %ne3A_337 : memref<8208xi32, #tpu.memory_space<vmem>>[vector<16xi32>], vector<16xi32>, vector<16xi1>
      %reduce_sum3A = arith.constant true
      %reduce_sum3A_353 = vector.broadcast %reduce_sum3A : i1 to vector<16xi1>
      %reduce_sum3A_354 = tpu.scan <sum>, %convert_element_type3A masked %reduce_sum3A_353 : vector<16xi32>, vector<16xi1> -> vector<16xi32>
      %reduce_sum3A_355 = vector.extract %reduce_sum3A_354[15] : i32 from vector<16xi32>
      %add3A_356 = arith.addi %scan3A_329, %reduce_sum3A_355 : i32
      scf.yield %add3A_356 : i32
    }
    %scan3A_40 = arith.constant 512 : i32
    %eq3A_41 = arith.constant 0 : i32
    %eq3A_42 = vector.broadcast %eq3A_41 : i32 to vector<16xi32>
    %eq3A_43 = arith.cmpi eq, %iota3A, %eq3A_42 : vector<16xi32>
    %broadcast_in_dim3A_44 = arith.constant 0 : i32
    %broadcast_in_dim3A_45 = vector.broadcast %broadcast_in_dim3A_44 : i32 to vector<16xi32>
    %add3A_46 = vector.broadcast %scan3A_39 : i32 to vector<16xi32>
    %add3A_47 = arith.addi %broadcast_in_dim3A_45, %add3A_46 : vector<16xi32>
    %broadcast_in_dim3A_48 = arith.constant 8192 : i32
    %broadcast_in_dim3A_49 = vector.broadcast %broadcast_in_dim3A_48 : i32 to vector<16xi32>
    %add3A_50 = vector.broadcast %mul3A_1 : i32 to vector<16xi32>
    %add3A_51 = arith.addi %broadcast_in_dim3A_49, %add3A_50 : vector<16xi32>
    tpu.vector_store_idx %arg11[%add3A_47], %add3A_51 masked %eq3A_43 : memref<8208xi32, #tpu.memory_space<vmem>>[vector<16xi32>], vector<16xi32>, vector<16xi1>
    %add3A_52 = arith.constant 1023 : i32
    %add3A_53 = arith.addi %scan3A_39, %add3A_52 : i32
    %jit3A = arith.constant 1024 : i32
    %div3A = arith.divsi %add3A_53, %jit3A : i32
    %sign3A = arith.constant 0 : i32
    %sign3A_54 = arith.cmpi sgt, %add3A_53, %sign3A : i32
    %sign3A_55 = arith.extui %sign3A_54 : i1 to i32
    %sign3A_56 = arith.constant 0 : i32
    %sign3A_57 = arith.cmpi slt, %add3A_53, %sign3A_56 : i32
    %sign3A_58 = arith.extui %sign3A_57 : i1 to i32
    %sign3A_59 = arith.subi %sign3A_55, %sign3A_58 : i32
    %sign3A_60 = arith.constant 0 : i32
    %sign3A_61 = arith.cmpi sgt, %jit3A, %sign3A_60 : i32
    %sign3A_62 = arith.extui %sign3A_61 : i1 to i32
    %sign3A_63 = arith.constant 0 : i32
    %sign3A_64 = arith.cmpi slt, %jit3A, %sign3A_63 : i32
    %sign3A_65 = arith.extui %sign3A_64 : i1 to i32
    %sign3A_66 = arith.subi %sign3A_62, %sign3A_65 : i32
    %ne3A = arith.cmpi ne, %sign3A_59, %sign3A_66 : i32
    %rem3A = arith.remsi %add3A_53, %jit3A : i32
    %ne3A_67 = arith.constant 0 : i32
    %ne3A_68 = arith.cmpi ne, %rem3A, %ne3A_67 : i32
    %and3A_69 = arith.andi %ne3A, %ne3A_68 : i1
    %sub3A = arith.constant 1 : i32
    %sub3A_70 = arith.subi %div3A, %sub3A : i32
    %select_n3A = arith.select %and3A_69, %sub3A_70, %div3A : i32
    %jit3A_71 = arith.constant 16 : i32
    %div3A_72 = arith.divsi %scan3A_39, %jit3A_71 : i32
    %sign3A_73 = arith.constant 0 : i32
    %sign3A_74 = arith.cmpi sgt, %scan3A_39, %sign3A_73 : i32
    %sign3A_75 = arith.extui %sign3A_74 : i1 to i32
    %sign3A_76 = arith.constant 0 : i32
    %sign3A_77 = arith.cmpi slt, %scan3A_39, %sign3A_76 : i32
    %sign3A_78 = arith.extui %sign3A_77 : i1 to i32
    %sign3A_79 = arith.subi %sign3A_75, %sign3A_78 : i32
    %sign3A_80 = arith.constant 0 : i32
    %sign3A_81 = arith.cmpi sgt, %jit3A_71, %sign3A_80 : i32
    %sign3A_82 = arith.extui %sign3A_81 : i1 to i32
    %sign3A_83 = arith.constant 0 : i32
    %sign3A_84 = arith.cmpi slt, %jit3A_71, %sign3A_83 : i32
    %sign3A_85 = arith.extui %sign3A_84 : i1 to i32
    %sign3A_86 = arith.subi %sign3A_82, %sign3A_85 : i32
    %ne3A_87 = arith.cmpi ne, %sign3A_79, %sign3A_86 : i32
    %rem3A_88 = arith.remsi %scan3A_39, %jit3A_71 : i32
    %ne3A_89 = arith.constant 0 : i32
    %ne3A_90 = arith.cmpi ne, %rem3A_88, %ne3A_89 : i32
    %and3A_91 = arith.andi %ne3A_87, %ne3A_90 : i1
    %sub3A_92 = arith.constant 1 : i32
    %sub3A_93 = arith.subi %div3A_72, %sub3A_92 : i32
    %select_n3A_94 = arith.select %and3A_91, %sub3A_93, %div3A_72 : i32
    %mul3A_95 = arith.constant 16 : i32
    %mul3A_96 = arith.muli %select_n3A_94, %mul3A_95 : i32
    %mul3A_97 = arith.constant 1024 : i32
    %mul3A_98 = arith.muli %select_n3A, %mul3A_97 : i32
    %sub3A_99 = arith.subi %mul3A_98, %mul3A_96 : i32
    %sub3A_100 = arith.constant 16 : i32
    %sub3A_101 = arith.constant 1 : i32
    %sub3A_102 = arith.subi %sub3A_100, %sub3A_101 : i32
    %add3A_103 = arith.addi %sub3A_99, %sub3A_102 : i32
    %div3A_104 = arith.constant 16 : i32
    %div3A_105 = arith.divsi %add3A_103, %div3A_104 : i32
    %while3A = arith.constant 16 : i32
    %while3A_106 = arith.constant 0 : i32
    %while3A_107 = arith.subi %div3A_105, %while3A_106 : i32
    %while3A_108 = arith.addi %while3A_106, %while3A_107 : i32
    %while3A_109 = arith.constant 1 : i32
    %while3A_110 = arith.divsi %while3A_107, %while3A_109 : i32
    %while3A_111 = arith.muli %while3A_110, %while3A_109 : i32
    %while3A_112 = arith.addi %while3A_106, %while3A_111 : i32
    %while3A_113 = arith.constant 1 : i32
    scf.for %while3A_328 = %while3A_106 to %while3A_112 step %while3A_113  : i32 {
      %mul3A_329 = arith.muli %while3A_328, %while3A : i32
      %add3A_330 = arith.addi %mul3A_96, %mul3A_329 : i32
      %add3A_331 = vector.broadcast %add3A_330 : i32 to vector<16xi32>
      %add3A_332 = arith.addi %iota3A, %add3A_331 : vector<16xi32>
      %ge3A = vector.broadcast %scan3A_39 : i32 to vector<16xi32>
      %ge3A_333 = arith.cmpi sge, %add3A_332, %ge3A : vector<16xi32>
      tpu.vector_store_idx %arg6[%add3A_332], %add3A_332 masked %ge3A_333 : memref<8192xi32, #tpu.memory_space<vmem>>[vector<16xi32>], vector<16xi32>, vector<16xi1>
    }
    %while3A_114 = arith.constant 1 : i32
    scf.for %while3A_328 = %while3A_112 to %while3A_108 step %while3A_114  : i32 {
      %mul3A_329 = arith.muli %while3A_328, %while3A : i32
      %add3A_330 = arith.addi %mul3A_96, %mul3A_329 : i32
      %add3A_331 = vector.broadcast %add3A_330 : i32 to vector<16xi32>
      %add3A_332 = arith.addi %iota3A, %add3A_331 : vector<16xi32>
      %ge3A = vector.broadcast %scan3A_39 : i32 to vector<16xi32>
      %ge3A_333 = arith.cmpi sge, %add3A_332, %ge3A : vector<16xi32>
      tpu.vector_store_idx %arg6[%add3A_332], %add3A_332 masked %ge3A_333 : memref<8192xi32, #tpu.memory_space<vmem>>[vector<16xi32>], vector<16xi32>, vector<16xi1>
    }
    %sub3A_115 = arith.constant 0 : i32
    %sub3A_116 = arith.subi %select_n3A, %sub3A_115 : i32
    %sub3A_117 = arith.constant 1 : i32
    %sub3A_118 = arith.constant 1 : i32
    %sub3A_119 = arith.subi %sub3A_117, %sub3A_118 : i32
    %add3A_120 = arith.addi %sub3A_116, %sub3A_119 : i32
    %div3A_121 = arith.constant 1 : i32
    %div3A_122 = arith.divsi %add3A_120, %div3A_121 : i32
    %while3A_123 = arith.constant 1 : i32
    %while3A_124 = arith.constant 0 : i32
    %while3A_125 = arith.constant 0 : i32
    %while3A_126 = arith.subi %div3A_122, %while3A_125 : i32
    %while3A_127 = arith.addi %while3A_125, %while3A_126 : i32
    %while3A_128 = arith.constant 1 : i32
    %while3A_129 = arith.divsi %while3A_126, %while3A_128 : i32
    %while3A_130 = arith.muli %while3A_129, %while3A_128 : i32
    %while3A_131 = arith.addi %while3A_125, %while3A_130 : i32
    %while3A_132 = arith.constant 1 : i32
    scf.for %while3A_328 = %while3A_125 to %while3A_131 step %while3A_132  : i32 {
      %mul3A_329 = arith.muli %while3A_328, %while3A_123 : i32
      %add3A_330 = arith.addi %while3A_124, %mul3A_329 : i32
      %mul3A_331 = arith.constant 1024 : i32
      %mul3A_332 = arith.muli %add3A_330, %mul3A_331 : i32
      %add3A_333 = arith.constant 0 : i32
      %add3A_334 = arith.addi %mul3A_332, %add3A_333 : i32
      %add3A_335 = arith.constant 0 : i32
      %add3A_336 = arith.addi %mul3A_332, %add3A_335 : i32
      %dma_start3A = tpu.memref_slice %arg7[%add3A_336] : memref<8192xi32, #tpu.memory_space<vmem>> -> memref<128xi32, #tpu.memory_space<vmem>>
      %dma_start3A_337 = tpu.memref_slice %arg6[%add3A_334] : memref<8192xi32, #tpu.memory_space<vmem>> -> memref<128xi32, #tpu.memory_space<vmem>>
      %dma_start3A_338 = arith.constant 0 : i32
      %dma_start3A_339 = tpu.memref_slice %arg3[%dma_start3A_338] : memref<2097152xi32, #tpu.memory_space<hbm>> -> memref<2097152xi32, #tpu.memory_space<hbm>>
      tpu.enqueue_indirect_dma source(%dma_start3A_339 : memref<2097152xi32, #tpu.memory_space<hbm>>) target(%dma_start3A : memref<128xi32, #tpu.memory_space<vmem>>) offsets(%dma_start3A_337 : memref<128xi32, #tpu.memory_space<vmem>>) semaphore(%arg20 : memref<!tpu.dma_semaphore, #tpu.memory_space<semaphore_mem>>)
      %add3A_340 = arith.constant 128 : i32
      %add3A_341 = arith.addi %mul3A_332, %add3A_340 : i32
      %add3A_342 = arith.constant 128 : i32
      %add3A_343 = arith.addi %mul3A_332, %add3A_342 : i32
      %dma_start3A_344 = tpu.memref_slice %arg7[%add3A_343] : memref<8192xi32, #tpu.memory_space<vmem>> -> memref<128xi32, #tpu.memory_space<vmem>>
      %dma_start3A_345 = tpu.memref_slice %arg6[%add3A_341] : memref<8192xi32, #tpu.memory_space<vmem>> -> memref<128xi32, #tpu.memory_space<vmem>>
      %dma_start3A_346 = arith.constant 0 : i32
      %dma_start3A_347 = tpu.memref_slice %arg3[%dma_start3A_346] : memref<2097152xi32, #tpu.memory_space<hbm>> -> memref<2097152xi32, #tpu.memory_space<hbm>>
      tpu.enqueue_indirect_dma source(%dma_start3A_347 : memref<2097152xi32, #tpu.memory_space<hbm>>) target(%dma_start3A_344 : memref<128xi32, #tpu.memory_space<vmem>>) offsets(%dma_start3A_345 : memref<128xi32, #tpu.memory_space<vmem>>) semaphore(%arg20 : memref<!tpu.dma_semaphore, #tpu.memory_space<semaphore_mem>>)
      %add3A_348 = arith.constant 256 : i32
      %add3A_349 = arith.addi %mul3A_332, %add3A_348 : i32
      %add3A_350 = arith.constant 256 : i32
      %add3A_351 = arith.addi %mul3A_332, %add3A_350 : i32
      %dma_start3A_352 = tpu.memref_slice %arg7[%add3A_351] : memref<8192xi32, #tpu.memory_space<vmem>> -> memref<128xi32, #tpu.memory_space<vmem>>
      %dma_start3A_353 = tpu.memref_slice %arg6[%add3A_349] : memref<8192xi32, #tpu.memory_space<vmem>> -> memref<128xi32, #tpu.memory_space<vmem>>
      %dma_start3A_354 = arith.constant 0 : i32
      %dma_start3A_355 = tpu.memref_slice %arg3[%dma_start3A_354] : memref<2097152xi32, #tpu.memory_space<hbm>> -> memref<2097152xi32, #tpu.memory_space<hbm>>
      tpu.enqueue_indirect_dma source(%dma_start3A_355 : memref<2097152xi32, #tpu.memory_space<hbm>>) target(%dma_start3A_352 : memref<128xi32, #tpu.memory_space<vmem>>) offsets(%dma_start3A_353 : memref<128xi32, #tpu.memory_space<vmem>>) semaphore(%arg20 : memref<!tpu.dma_semaphore, #tpu.memory_space<semaphore_mem>>)
      %add3A_356 = arith.constant 384 : i32
      %add3A_357 = arith.addi %mul3A_332, %add3A_356 : i32
      %add3A_358 = arith.constant 384 : i32
      %add3A_359 = arith.addi %mul3A_332, %add3A_358 : i32
      %dma_start3A_360 = tpu.memref_slice %arg7[%add3A_359] : memref<8192xi32, #tpu.memory_space<vmem>> -> memref<128xi32, #tpu.memory_space<vmem>>
      %dma_start3A_361 = tpu.memref_slice %arg6[%add3A_357] : memref<8192xi32, #tpu.memory_space<vmem>> -> memref<128xi32, #tpu.memory_space<vmem>>
      %dma_start3A_362 = arith.constant 0 : i32
      %dma_start3A_363 = tpu.memref_slice %arg3[%dma_start3A_362] : memref<2097152xi32, #tpu.memory_space<hbm>> -> memref<2097152xi32, #tpu.memory_space<hbm>>
      tpu.enqueue_indirect_dma source(%dma_start3A_363 : memref<2097152xi32, #tpu.memory_space<hbm>>) target(%dma_start3A_360 : memref<128xi32, #tpu.memory_space<vmem>>) offsets(%dma_start3A_361 : memref<128xi32, #tpu.memory_space<vmem>>) semaphore(%arg20 : memref<!tpu.dma_semaphore, #tpu.memory_space<semaphore_mem>>)
      %add3A_364 = arith.constant 512 : i32
      %add3A_365 = arith.addi %mul3A_332, %add3A_364 : i32
      %add3A_366 = arith.constant 512 : i32
      %add3A_367 = arith.addi %mul3A_332, %add3A_366 : i32
      %dma_start3A_368 = tpu.memref_slice %arg7[%add3A_367] : memref<8192xi32, #tpu.memory_space<vmem>> -> memref<128xi32, #tpu.memory_space<vmem>>
      %dma_start3A_369 = tpu.memref_slice %arg6[%add3A_365] : memref<8192xi32, #tpu.memory_space<vmem>> -> memref<128xi32, #tpu.memory_space<vmem>>
      %dma_start3A_370 = arith.constant 0 : i32
      %dma_start3A_371 = tpu.memref_slice %arg3[%dma_start3A_370] : memref<2097152xi32, #tpu.memory_space<hbm>> -> memref<2097152xi32, #tpu.memory_space<hbm>>
      tpu.enqueue_indirect_dma source(%dma_start3A_371 : memref<2097152xi32, #tpu.memory_space<hbm>>) target(%dma_start3A_368 : memref<128xi32, #tpu.memory_space<vmem>>) offsets(%dma_start3A_369 : memref<128xi32, #tpu.memory_space<vmem>>) semaphore(%arg20 : memref<!tpu.dma_semaphore, #tpu.memory_space<semaphore_mem>>)
      %add3A_372 = arith.constant 640 : i32
      %add3A_373 = arith.addi %mul3A_332, %add3A_372 : i32
      %add3A_374 = arith.constant 640 : i32
      %add3A_375 = arith.addi %mul3A_332, %add3A_374 : i32
      %dma_start3A_376 = tpu.memref_slice %arg7[%add3A_375] : memref<8192xi32, #tpu.memory_space<vmem>> -> memref<128xi32, #tpu.memory_space<vmem>>
      %dma_start3A_377 = tpu.memref_slice %arg6[%add3A_373] : memref<8192xi32, #tpu.memory_space<vmem>> -> memref<128xi32, #tpu.memory_space<vmem>>
      %dma_start3A_378 = arith.constant 0 : i32
      %dma_start3A_379 = tpu.memref_slice %arg3[%dma_start3A_378] : memref<2097152xi32, #tpu.memory_space<hbm>> -> memref<2097152xi32, #tpu.memory_space<hbm>>
      tpu.enqueue_indirect_dma source(%dma_start3A_379 : memref<2097152xi32, #tpu.memory_space<hbm>>) target(%dma_start3A_376 : memref<128xi32, #tpu.memory_space<vmem>>) offsets(%dma_start3A_377 : memref<128xi32, #tpu.memory_space<vmem>>) semaphore(%arg20 : memref<!tpu.dma_semaphore, #tpu.memory_space<semaphore_mem>>)
      %add3A_380 = arith.constant 768 : i32
      %add3A_381 = arith.addi %mul3A_332, %add3A_380 : i32
      %add3A_382 = arith.constant 768 : i32
      %add3A_383 = arith.addi %mul3A_332, %add3A_382 : i32
      %dma_start3A_384 = tpu.memref_slice %arg7[%add3A_383] : memref<8192xi32, #tpu.memory_space<vmem>> -> memref<128xi32, #tpu.memory_space<vmem>>
      %dma_start3A_385 = tpu.memref_slice %arg6[%add3A_381] : memref<8192xi32, #tpu.memory_space<vmem>> -> memref<128xi32, #tpu.memory_space<vmem>>
      %dma_start3A_386 = arith.constant 0 : i32
      %dma_start3A_387 = tpu.memref_slice %arg3[%dma_start3A_386] : memref<2097152xi32, #tpu.memory_space<hbm>> -> memref<2097152xi32, #tpu.memory_space<hbm>>
      tpu.enqueue_indirect_dma source(%dma_start3A_387 : memref<2097152xi32, #tpu.memory_space<hbm>>) target(%dma_start3A_384 : memref<128xi32, #tpu.memory_space<vmem>>) offsets(%dma_start3A_385 : memref<128xi32, #tpu.memory_space<vmem>>) semaphore(%arg20 : memref<!tpu.dma_semaphore, #tpu.memory_space<semaphore_mem>>)
      %add3A_388 = arith.constant 896 : i32
      %add3A_389 = arith.addi %mul3A_332, %add3A_388 : i32
      %add3A_390 = arith.constant 896 : i32
      %add3A_391 = arith.addi %mul3A_332, %add3A_390 : i32
      %dma_start3A_392 = tpu.memref_slice %arg7[%add3A_391] : memref<8192xi32, #tpu.memory_space<vmem>> -> memref<128xi32, #tpu.memory_space<vmem>>
      %dma_start3A_393 = tpu.memref_slice %arg6[%add3A_389] : memref<8192xi32, #tpu.memory_space<vmem>> -> memref<128xi32, #tpu.memory_space<vmem>>
      %dma_start3A_394 = arith.constant 0 : i32
      %dma_start3A_395 = tpu.memref_slice %arg3[%dma_start3A_394] : memref<2097152xi32, #tpu.memory_space<hbm>> -> memref<2097152xi32, #tpu.memory_space<hbm>>
      tpu.enqueue_indirect_dma source(%dma_start3A_395 : memref<2097152xi32, #tpu.memory_space<hbm>>) target(%dma_start3A_392 : memref<128xi32, #tpu.memory_space<vmem>>) offsets(%dma_start3A_393 : memref<128xi32, #tpu.memory_space<vmem>>) semaphore(%arg20 : memref<!tpu.dma_semaphore, #tpu.memory_space<semaphore_mem>>)
      %dma_wait3A = tpu.memref_slice %arg7[%add3A_336] : memref<8192xi32, #tpu.memory_space<vmem>> -> memref<128xi32, #tpu.memory_space<vmem>>
      %dma_wait3A_396 = tpu.memref_slice %arg6[%add3A_334] : memref<8192xi32, #tpu.memory_space<vmem>> -> memref<128xi32, #tpu.memory_space<vmem>>
      %dma_wait3A_397 = arith.constant 0 : i32
      %dma_wait3A_398 = tpu.memref_slice %arg3[%dma_wait3A_397] : memref<2097152xi32, #tpu.memory_space<hbm>> -> memref<2097152xi32, #tpu.memory_space<hbm>>
      tpu.wait_indirect_dma semaphore(%arg20 : memref<!tpu.dma_semaphore, #tpu.memory_space<semaphore_mem>>) src(%dma_wait3A_398 : memref<2097152xi32, #tpu.memory_space<hbm>>) dst(%dma_wait3A : memref<128xi32, #tpu.memory_space<vmem>>)
      %dma_wait3A_399 = tpu.memref_slice %arg7[%add3A_343] : memref<8192xi32, #tpu.memory_space<vmem>> -> memref<128xi32, #tpu.memory_space<vmem>>
      %dma_wait3A_400 = tpu.memref_slice %arg6[%add3A_341] : memref<8192xi32, #tpu.memory_space<vmem>> -> memref<128xi32, #tpu.memory_space<vmem>>
      %dma_wait3A_401 = arith.constant 0 : i32
      %dma_wait3A_402 = tpu.memref_slice %arg3[%dma_wait3A_401] : memref<2097152xi32, #tpu.memory_space<hbm>> -> memref<2097152xi32, #tpu.memory_space<hbm>>
      tpu.wait_indirect_dma semaphore(%arg20 : memref<!tpu.dma_semaphore, #tpu.memory_space<semaphore_mem>>) src(%dma_wait3A_402 : memref<2097152xi32, #tpu.memory_space<hbm>>) dst(%dma_wait3A_399 : memref<128xi32, #tpu.memory_space<vmem>>)
      %dma_wait3A_403 = tpu.memref_slice %arg7[%add3A_351] : memref<8192xi32, #tpu.memory_space<vmem>> -> memref<128xi32, #tpu.memory_space<vmem>>
      %dma_wait3A_404 = tpu.memref_slice %arg6[%add3A_349] : memref<8192xi32, #tpu.memory_space<vmem>> -> memref<128xi32, #tpu.memory_space<vmem>>
      %dma_wait3A_405 = arith.constant 0 : i32
      %dma_wait3A_406 = tpu.memref_slice %arg3[%dma_wait3A_405] : memref<2097152xi32, #tpu.memory_space<hbm>> -> memref<2097152xi32, #tpu.memory_space<hbm>>
      tpu.wait_indirect_dma semaphore(%arg20 : memref<!tpu.dma_semaphore, #tpu.memory_space<semaphore_mem>>) src(%dma_wait3A_406 : memref<2097152xi32, #tpu.memory_space<hbm>>) dst(%dma_wait3A_403 : memref<128xi32, #tpu.memory_space<vmem>>)
      %dma_wait3A_407 = tpu.memref_slice %arg7[%add3A_359] : memref<8192xi32, #tpu.memory_space<vmem>> -> memref<128xi32, #tpu.memory_space<vmem>>
      %dma_wait3A_408 = tpu.memref_slice %arg6[%add3A_357] : memref<8192xi32, #tpu.memory_space<vmem>> -> memref<128xi32, #tpu.memory_space<vmem>>
      %dma_wait3A_409 = arith.constant 0 : i32
      %dma_wait3A_410 = tpu.memref_slice %arg3[%dma_wait3A_409] : memref<2097152xi32, #tpu.memory_space<hbm>> -> memref<2097152xi32, #tpu.memory_space<hbm>>
      tpu.wait_indirect_dma semaphore(%arg20 : memref<!tpu.dma_semaphore, #tpu.memory_space<semaphore_mem>>) src(%dma_wait3A_410 : memref<2097152xi32, #tpu.memory_space<hbm>>) dst(%dma_wait3A_407 : memref<128xi32, #tpu.memory_space<vmem>>)
      %dma_wait3A_411 = tpu.memref_slice %arg7[%add3A_367] : memref<8192xi32, #tpu.memory_space<vmem>> -> memref<128xi32, #tpu.memory_space<vmem>>
      %dma_wait3A_412 = tpu.memref_slice %arg6[%add3A_365] : memref<8192xi32, #tpu.memory_space<vmem>> -> memref<128xi32, #tpu.memory_space<vmem>>
      %dma_wait3A_413 = arith.constant 0 : i32
      %dma_wait3A_414 = tpu.memref_slice %arg3[%dma_wait3A_413] : memref<2097152xi32, #tpu.memory_space<hbm>> -> memref<2097152xi32, #tpu.memory_space<hbm>>
      tpu.wait_indirect_dma semaphore(%arg20 : memref<!tpu.dma_semaphore, #tpu.memory_space<semaphore_mem>>) src(%dma_wait3A_414 : memref<2097152xi32, #tpu.memory_space<hbm>>) dst(%dma_wait3A_411 : memref<128xi32, #tpu.memory_space<vmem>>)
      %dma_wait3A_415 = tpu.memref_slice %arg7[%add3A_375] : memref<8192xi32, #tpu.memory_space<vmem>> -> memref<128xi32, #tpu.memory_space<vmem>>
      %dma_wait3A_416 = tpu.memref_slice %arg6[%add3A_373] : memref<8192xi32, #tpu.memory_space<vmem>> -> memref<128xi32, #tpu.memory_space<vmem>>
      %dma_wait3A_417 = arith.constant 0 : i32
      %dma_wait3A_418 = tpu.memref_slice %arg3[%dma_wait3A_417] : memref<2097152xi32, #tpu.memory_space<hbm>> -> memref<2097152xi32, #tpu.memory_space<hbm>>
      tpu.wait_indirect_dma semaphore(%arg20 : memref<!tpu.dma_semaphore, #tpu.memory_space<semaphore_mem>>) src(%dma_wait3A_418 : memref<2097152xi32, #tpu.memory_space<hbm>>) dst(%dma_wait3A_415 : memref<128xi32, #tpu.memory_space<vmem>>)
      %dma_wait3A_419 = tpu.memref_slice %arg7[%add3A_383] : memref<8192xi32, #tpu.memory_space<vmem>> -> memref<128xi32, #tpu.memory_space<vmem>>
      %dma_wait3A_420 = tpu.memref_slice %arg6[%add3A_381] : memref<8192xi32, #tpu.memory_space<vmem>> -> memref<128xi32, #tpu.memory_space<vmem>>
      %dma_wait3A_421 = arith.constant 0 : i32
      %dma_wait3A_422 = tpu.memref_slice %arg3[%dma_wait3A_421] : memref<2097152xi32, #tpu.memory_space<hbm>> -> memref<2097152xi32, #tpu.memory_space<hbm>>
      tpu.wait_indirect_dma semaphore(%arg20 : memref<!tpu.dma_semaphore, #tpu.memory_space<semaphore_mem>>) src(%dma_wait3A_422 : memref<2097152xi32, #tpu.memory_space<hbm>>) dst(%dma_wait3A_419 : memref<128xi32, #tpu.memory_space<vmem>>)
      %dma_wait3A_423 = tpu.memref_slice %arg7[%add3A_391] : memref<8192xi32, #tpu.memory_space<vmem>> -> memref<128xi32, #tpu.memory_space<vmem>>
      %dma_wait3A_424 = tpu.memref_slice %arg6[%add3A_389] : memref<8192xi32, #tpu.memory_space<vmem>> -> memref<128xi32, #tpu.memory_space<vmem>>
      %dma_wait3A_425 = arith.constant 0 : i32
      %dma_wait3A_426 = tpu.memref_slice %arg3[%dma_wait3A_425] : memref<2097152xi32, #tpu.memory_space<hbm>> -> memref<2097152xi32, #tpu.memory_space<hbm>>
      tpu.wait_indirect_dma semaphore(%arg20 : memref<!tpu.dma_semaphore, #tpu.memory_space<semaphore_mem>>) src(%dma_wait3A_426 : memref<2097152xi32, #tpu.memory_space<hbm>>) dst(%dma_wait3A_423 : memref<128xi32, #tpu.memory_space<vmem>>)
    }
    %while3A_133 = arith.constant 1 : i32
    scf.for %while3A_328 = %while3A_131 to %while3A_127 step %while3A_133  : i32 {
      %mul3A_329 = arith.muli %while3A_328, %while3A_123 : i32
      %add3A_330 = arith.addi %while3A_124, %mul3A_329 : i32
      %mul3A_331 = arith.constant 1024 : i32
      %mul3A_332 = arith.muli %add3A_330, %mul3A_331 : i32
      %add3A_333 = arith.constant 0 : i32
      %add3A_334 = arith.addi %mul3A_332, %add3A_333 : i32
      %add3A_335 = arith.constant 0 : i32
      %add3A_336 = arith.addi %mul3A_332, %add3A_335 : i32
      %dma_start3A = tpu.memref_slice %arg7[%add3A_336] : memref<8192xi32, #tpu.memory_space<vmem>> -> memref<128xi32, #tpu.memory_space<vmem>>
      %dma_start3A_337 = tpu.memref_slice %arg6[%add3A_334] : memref<8192xi32, #tpu.memory_space<vmem>> -> memref<128xi32, #tpu.memory_space<vmem>>
      %dma_start3A_338 = arith.constant 0 : i32
      %dma_start3A_339 = tpu.memref_slice %arg3[%dma_start3A_338] : memref<2097152xi32, #tpu.memory_space<hbm>> -> memref<2097152xi32, #tpu.memory_space<hbm>>
      tpu.enqueue_indirect_dma source(%dma_start3A_339 : memref<2097152xi32, #tpu.memory_space<hbm>>) target(%dma_start3A : memref<128xi32, #tpu.memory_space<vmem>>) offsets(%dma_start3A_337 : memref<128xi32, #tpu.memory_space<vmem>>) semaphore(%arg20 : memref<!tpu.dma_semaphore, #tpu.memory_space<semaphore_mem>>)
      %add3A_340 = arith.constant 128 : i32
      %add3A_341 = arith.addi %mul3A_332, %add3A_340 : i32
      %add3A_342 = arith.constant 128 : i32
      %add3A_343 = arith.addi %mul3A_332, %add3A_342 : i32
      %dma_start3A_344 = tpu.memref_slice %arg7[%add3A_343] : memref<8192xi32, #tpu.memory_space<vmem>> -> memref<128xi32, #tpu.memory_space<vmem>>
      %dma_start3A_345 = tpu.memref_slice %arg6[%add3A_341] : memref<8192xi32, #tpu.memory_space<vmem>> -> memref<128xi32, #tpu.memory_space<vmem>>
      %dma_start3A_346 = arith.constant 0 : i32
      %dma_start3A_347 = tpu.memref_slice %arg3[%dma_start3A_346] : memref<2097152xi32, #tpu.memory_space<hbm>> -> memref<2097152xi32, #tpu.memory_space<hbm>>
      tpu.enqueue_indirect_dma source(%dma_start3A_347 : memref<2097152xi32, #tpu.memory_space<hbm>>) target(%dma_start3A_344 : memref<128xi32, #tpu.memory_space<vmem>>) offsets(%dma_start3A_345 : memref<128xi32, #tpu.memory_space<vmem>>) semaphore(%arg20 : memref<!tpu.dma_semaphore, #tpu.memory_space<semaphore_mem>>)
      %add3A_348 = arith.constant 256 : i32
      %add3A_349 = arith.addi %mul3A_332, %add3A_348 : i32
      %add3A_350 = arith.constant 256 : i32
      %add3A_351 = arith.addi %mul3A_332, %add3A_350 : i32
      %dma_start3A_352 = tpu.memref_slice %arg7[%add3A_351] : memref<8192xi32, #tpu.memory_space<vmem>> -> memref<128xi32, #tpu.memory_space<vmem>>
      %dma_start3A_353 = tpu.memref_slice %arg6[%add3A_349] : memref<8192xi32, #tpu.memory_space<vmem>> -> memref<128xi32, #tpu.memory_space<vmem>>
      %dma_start3A_354 = arith.constant 0 : i32
      %dma_start3A_355 = tpu.memref_slice %arg3[%dma_start3A_354] : memref<2097152xi32, #tpu.memory_space<hbm>> -> memref<2097152xi32, #tpu.memory_space<hbm>>
      tpu.enqueue_indirect_dma source(%dma_start3A_355 : memref<2097152xi32, #tpu.memory_space<hbm>>) target(%dma_start3A_352 : memref<128xi32, #tpu.memory_space<vmem>>) offsets(%dma_start3A_353 : memref<128xi32, #tpu.memory_space<vmem>>) semaphore(%arg20 : memref<!tpu.dma_semaphore, #tpu.memory_space<semaphore_mem>>)
      %add3A_356 = arith.constant 384 : i32
      %add3A_357 = arith.addi %mul3A_332, %add3A_356 : i32
      %add3A_358 = arith.constant 384 : i32
      %add3A_359 = arith.addi %mul3A_332, %add3A_358 : i32
      %dma_start3A_360 = tpu.memref_slice %arg7[%add3A_359] : memref<8192xi32, #tpu.memory_space<vmem>> -> memref<128xi32, #tpu.memory_space<vmem>>
      %dma_start3A_361 = tpu.memref_slice %arg6[%add3A_357] : memref<8192xi32, #tpu.memory_space<vmem>> -> memref<128xi32, #tpu.memory_space<vmem>>
      %dma_start3A_362 = arith.constant 0 : i32
      %dma_start3A_363 = tpu.memref_slice %arg3[%dma_start3A_362] : memref<2097152xi32, #tpu.memory_space<hbm>> -> memref<2097152xi32, #tpu.memory_space<hbm>>
      tpu.enqueue_indirect_dma source(%dma_start3A_363 : memref<2097152xi32, #tpu.memory_space<hbm>>) target(%dma_start3A_360 : memref<128xi32, #tpu.memory_space<vmem>>) offsets(%dma_start3A_361 : memref<128xi32, #tpu.memory_space<vmem>>) semaphore(%arg20 : memref<!tpu.dma_semaphore, #tpu.memory_space<semaphore_mem>>)
      %add3A_364 = arith.constant 512 : i32
      %add3A_365 = arith.addi %mul3A_332, %add3A_364 : i32
      %add3A_366 = arith.constant 512 : i32
      %add3A_367 = arith.addi %mul3A_332, %add3A_366 : i32
      %dma_start3A_368 = tpu.memref_slice %arg7[%add3A_367] : memref<8192xi32, #tpu.memory_space<vmem>> -> memref<128xi32, #tpu.memory_space<vmem>>
      %dma_start3A_369 = tpu.memref_slice %arg6[%add3A_365] : memref<8192xi32, #tpu.memory_space<vmem>> -> memref<128xi32, #tpu.memory_space<vmem>>
      %dma_start3A_370 = arith.constant 0 : i32
      %dma_start3A_371 = tpu.memref_slice %arg3[%dma_start3A_370] : memref<2097152xi32, #tpu.memory_space<hbm>> -> memref<2097152xi32, #tpu.memory_space<hbm>>
      tpu.enqueue_indirect_dma source(%dma_start3A_371 : memref<2097152xi32, #tpu.memory_space<hbm>>) target(%dma_start3A_368 : memref<128xi32, #tpu.memory_space<vmem>>) offsets(%dma_start3A_369 : memref<128xi32, #tpu.memory_space<vmem>>) semaphore(%arg20 : memref<!tpu.dma_semaphore, #tpu.memory_space<semaphore_mem>>)
      %add3A_372 = arith.constant 640 : i32
      %add3A_373 = arith.addi %mul3A_332, %add3A_372 : i32
      %add3A_374 = arith.constant 640 : i32
      %add3A_375 = arith.addi %mul3A_332, %add3A_374 : i32
      %dma_start3A_376 = tpu.memref_slice %arg7[%add3A_375] : memref<8192xi32, #tpu.memory_space<vmem>> -> memref<128xi32, #tpu.memory_space<vmem>>
      %dma_start3A_377 = tpu.memref_slice %arg6[%add3A_373] : memref<8192xi32, #tpu.memory_space<vmem>> -> memref<128xi32, #tpu.memory_space<vmem>>
      %dma_start3A_378 = arith.constant 0 : i32
      %dma_start3A_379 = tpu.memref_slice %arg3[%dma_start3A_378] : memref<2097152xi32, #tpu.memory_space<hbm>> -> memref<2097152xi32, #tpu.memory_space<hbm>>
      tpu.enqueue_indirect_dma source(%dma_start3A_379 : memref<2097152xi32, #tpu.memory_space<hbm>>) target(%dma_start3A_376 : memref<128xi32, #tpu.memory_space<vmem>>) offsets(%dma_start3A_377 : memref<128xi32, #tpu.memory_space<vmem>>) semaphore(%arg20 : memref<!tpu.dma_semaphore, #tpu.memory_space<semaphore_mem>>)
      %add3A_380 = arith.constant 768 : i32
      %add3A_381 = arith.addi %mul3A_332, %add3A_380 : i32
      %add3A_382 = arith.constant 768 : i32
      %add3A_383 = arith.addi %mul3A_332, %add3A_382 : i32
      %dma_start3A_384 = tpu.memref_slice %arg7[%add3A_383] : memref<8192xi32, #tpu.memory_space<vmem>> -> memref<128xi32, #tpu.memory_space<vmem>>
      %dma_start3A_385 = tpu.memref_slice %arg6[%add3A_381] : memref<8192xi32, #tpu.memory_space<vmem>> -> memref<128xi32, #tpu.memory_space<vmem>>
      %dma_start3A_386 = arith.constant 0 : i32
      %dma_start3A_387 = tpu.memref_slice %arg3[%dma_start3A_386] : memref<2097152xi32, #tpu.memory_space<hbm>> -> memref<2097152xi32, #tpu.memory_space<hbm>>
      tpu.enqueue_indirect_dma source(%dma_start3A_387 : memref<2097152xi32, #tpu.memory_space<hbm>>) target(%dma_start3A_384 : memref<128xi32, #tpu.memory_space<vmem>>) offsets(%dma_start3A_385 : memref<128xi32, #tpu.memory_space<vmem>>) semaphore(%arg20 : memref<!tpu.dma_semaphore, #tpu.memory_space<semaphore_mem>>)
      %add3A_388 = arith.constant 896 : i32
      %add3A_389 = arith.addi %mul3A_332, %add3A_388 : i32
      %add3A_390 = arith.constant 896 : i32
      %add3A_391 = arith.addi %mul3A_332, %add3A_390 : i32
      %dma_start3A_392 = tpu.memref_slice %arg7[%add3A_391] : memref<8192xi32, #tpu.memory_space<vmem>> -> memref<128xi32, #tpu.memory_space<vmem>>
      %dma_start3A_393 = tpu.memref_slice %arg6[%add3A_389] : memref<8192xi32, #tpu.memory_space<vmem>> -> memref<128xi32, #tpu.memory_space<vmem>>
      %dma_start3A_394 = arith.constant 0 : i32
      %dma_start3A_395 = tpu.memref_slice %arg3[%dma_start3A_394] : memref<2097152xi32, #tpu.memory_space<hbm>> -> memref<2097152xi32, #tpu.memory_space<hbm>>
      tpu.enqueue_indirect_dma source(%dma_start3A_395 : memref<2097152xi32, #tpu.memory_space<hbm>>) target(%dma_start3A_392 : memref<128xi32, #tpu.memory_space<vmem>>) offsets(%dma_start3A_393 : memref<128xi32, #tpu.memory_space<vmem>>) semaphore(%arg20 : memref<!tpu.dma_semaphore, #tpu.memory_space<semaphore_mem>>)
      %dma_wait3A = tpu.memref_slice %arg7[%add3A_336] : memref<8192xi32, #tpu.memory_space<vmem>> -> memref<128xi32, #tpu.memory_space<vmem>>
      %dma_wait3A_396 = tpu.memref_slice %arg6[%add3A_334] : memref<8192xi32, #tpu.memory_space<vmem>> -> memref<128xi32, #tpu.memory_space<vmem>>
      %dma_wait3A_397 = arith.constant 0 : i32
      %dma_wait3A_398 = tpu.memref_slice %arg3[%dma_wait3A_397] : memref<2097152xi32, #tpu.memory_space<hbm>> -> memref<2097152xi32, #tpu.memory_space<hbm>>
      tpu.wait_indirect_dma semaphore(%arg20 : memref<!tpu.dma_semaphore, #tpu.memory_space<semaphore_mem>>) src(%dma_wait3A_398 : memref<2097152xi32, #tpu.memory_space<hbm>>) dst(%dma_wait3A : memref<128xi32, #tpu.memory_space<vmem>>)
      %dma_wait3A_399 = tpu.memref_slice %arg7[%add3A_343] : memref<8192xi32, #tpu.memory_space<vmem>> -> memref<128xi32, #tpu.memory_space<vmem>>
      %dma_wait3A_400 = tpu.memref_slice %arg6[%add3A_341] : memref<8192xi32, #tpu.memory_space<vmem>> -> memref<128xi32, #tpu.memory_space<vmem>>
      %dma_wait3A_401 = arith.constant 0 : i32
      %dma_wait3A_402 = tpu.memref_slice %arg3[%dma_wait3A_401] : memref<2097152xi32, #tpu.memory_space<hbm>> -> memref<2097152xi32, #tpu.memory_space<hbm>>
      tpu.wait_indirect_dma semaphore(%arg20 : memref<!tpu.dma_semaphore, #tpu.memory_space<semaphore_mem>>) src(%dma_wait3A_402 : memref<2097152xi32, #tpu.memory_space<hbm>>) dst(%dma_wait3A_399 : memref<128xi32, #tpu.memory_space<vmem>>)
      %dma_wait3A_403 = tpu.memref_slice %arg7[%add3A_351] : memref<8192xi32, #tpu.memory_space<vmem>> -> memref<128xi32, #tpu.memory_space<vmem>>
      %dma_wait3A_404 = tpu.memref_slice %arg6[%add3A_349] : memref<8192xi32, #tpu.memory_space<vmem>> -> memref<128xi32, #tpu.memory_space<vmem>>
      %dma_wait3A_405 = arith.constant 0 : i32
      %dma_wait3A_406 = tpu.memref_slice %arg3[%dma_wait3A_405] : memref<2097152xi32, #tpu.memory_space<hbm>> -> memref<2097152xi32, #tpu.memory_space<hbm>>
      tpu.wait_indirect_dma semaphore(%arg20 : memref<!tpu.dma_semaphore, #tpu.memory_space<semaphore_mem>>) src(%dma_wait3A_406 : memref<2097152xi32, #tpu.memory_space<hbm>>) dst(%dma_wait3A_403 : memref<128xi32, #tpu.memory_space<vmem>>)
      %dma_wait3A_407 = tpu.memref_slice %arg7[%add3A_359] : memref<8192xi32, #tpu.memory_space<vmem>> -> memref<128xi32, #tpu.memory_space<vmem>>
      %dma_wait3A_408 = tpu.memref_slice %arg6[%add3A_357] : memref<8192xi32, #tpu.memory_space<vmem>> -> memref<128xi32, #tpu.memory_space<vmem>>
      %dma_wait3A_409 = arith.constant 0 : i32
      %dma_wait3A_410 = tpu.memref_slice %arg3[%dma_wait3A_409] : memref<2097152xi32, #tpu.memory_space<hbm>> -> memref<2097152xi32, #tpu.memory_space<hbm>>
      tpu.wait_indirect_dma semaphore(%arg20 : memref<!tpu.dma_semaphore, #tpu.memory_space<semaphore_mem>>) src(%dma_wait3A_410 : memref<2097152xi32, #tpu.memory_space<hbm>>) dst(%dma_wait3A_407 : memref<128xi32, #tpu.memory_space<vmem>>)
      %dma_wait3A_411 = tpu.memref_slice %arg7[%add3A_367] : memref<8192xi32, #tpu.memory_space<vmem>> -> memref<128xi32, #tpu.memory_space<vmem>>
      %dma_wait3A_412 = tpu.memref_slice %arg6[%add3A_365] : memref<8192xi32, #tpu.memory_space<vmem>> -> memref<128xi32, #tpu.memory_space<vmem>>
      %dma_wait3A_413 = arith.constant 0 : i32
      %dma_wait3A_414 = tpu.memref_slice %arg3[%dma_wait3A_413] : memref<2097152xi32, #tpu.memory_space<hbm>> -> memref<2097152xi32, #tpu.memory_space<hbm>>
      tpu.wait_indirect_dma semaphore(%arg20 : memref<!tpu.dma_semaphore, #tpu.memory_space<semaphore_mem>>) src(%dma_wait3A_414 : memref<2097152xi32, #tpu.memory_space<hbm>>) dst(%dma_wait3A_411 : memref<128xi32, #tpu.memory_space<vmem>>)
      %dma_wait3A_415 = tpu.memref_slice %arg7[%add3A_375] : memref<8192xi32, #tpu.memory_space<vmem>> -> memref<128xi32, #tpu.memory_space<vmem>>
      %dma_wait3A_416 = tpu.memref_slice %arg6[%add3A_373] : memref<8192xi32, #tpu.memory_space<vmem>> -> memref<128xi32, #tpu.memory_space<vmem>>
      %dma_wait3A_417 = arith.constant 0 : i32
      %dma_wait3A_418 = tpu.memref_slice %arg3[%dma_wait3A_417] : memref<2097152xi32, #tpu.memory_space<hbm>> -> memref<2097152xi32, #tpu.memory_space<hbm>>
      tpu.wait_indirect_dma semaphore(%arg20 : memref<!tpu.dma_semaphore, #tpu.memory_space<semaphore_mem>>) src(%dma_wait3A_418 : memref<2097152xi32, #tpu.memory_space<hbm>>) dst(%dma_wait3A_415 : memref<128xi32, #tpu.memory_space<vmem>>)
      %dma_wait3A_419 = tpu.memref_slice %arg7[%add3A_383] : memref<8192xi32, #tpu.memory_space<vmem>> -> memref<128xi32, #tpu.memory_space<vmem>>
      %dma_wait3A_420 = tpu.memref_slice %arg6[%add3A_381] : memref<8192xi32, #tpu.memory_space<vmem>> -> memref<128xi32, #tpu.memory_space<vmem>>
      %dma_wait3A_421 = arith.constant 0 : i32
      %dma_wait3A_422 = tpu.memref_slice %arg3[%dma_wait3A_421] : memref<2097152xi32, #tpu.memory_space<hbm>> -> memref<2097152xi32, #tpu.memory_space<hbm>>
      tpu.wait_indirect_dma semaphore(%arg20 : memref<!tpu.dma_semaphore, #tpu.memory_space<semaphore_mem>>) src(%dma_wait3A_422 : memref<2097152xi32, #tpu.memory_space<hbm>>) dst(%dma_wait3A_419 : memref<128xi32, #tpu.memory_space<vmem>>)
      %dma_wait3A_423 = tpu.memref_slice %arg7[%add3A_391] : memref<8192xi32, #tpu.memory_space<vmem>> -> memref<128xi32, #tpu.memory_space<vmem>>
      %dma_wait3A_424 = tpu.memref_slice %arg6[%add3A_389] : memref<8192xi32, #tpu.memory_space<vmem>> -> memref<128xi32, #tpu.memory_space<vmem>>
      %dma_wait3A_425 = arith.constant 0 : i32
      %dma_wait3A_426 = tpu.memref_slice %arg3[%dma_wait3A_425] : memref<2097152xi32, #tpu.memory_space<hbm>> -> memref<2097152xi32, #tpu.memory_space<hbm>>
      tpu.wait_indirect_dma semaphore(%arg20 : memref<!tpu.dma_semaphore, #tpu.memory_space<semaphore_mem>>) src(%dma_wait3A_426 : memref<2097152xi32, #tpu.memory_space<hbm>>) dst(%dma_wait3A_423 : memref<128xi32, #tpu.memory_space<vmem>>)
    }
    %scan3A_134 = arith.constant 0 : i32
    %scan3A_135 = arith.constant 512 : i32
    %scan3A_136 = arith.addi %scan3A_134, %scan3A_135 : i32
    %scan3A_137 = arith.constant 4 : i32
    scf.for %scan3A_328 = %scan3A_134 to %scan3A_136 step %scan3A_137  : i32 {
      %mul3A_329 = arith.constant 16 : i32
      %mul3A_330 = arith.muli %scan3A_328, %mul3A_329 : i32
      %add3A_331 = arith.constant 0 : i32
      %add3A_332 = arith.addi %add3A_331, %mul3A_330 : i32
      %get3A = arith.index_cast %add3A_332 : i32 to index
      %get3A_333 = tpu.vector_load %arg7[%get3A] {strides = array<i32>} : memref<8192xi32, #tpu.memory_space<vmem>>, vector<16xi32>,
      %add3A_334 = vector.broadcast %add3A_332 : i32 to vector<16xi32>
      %add3A_335 = arith.addi %iota3A, %add3A_334 : vector<16xi32>
      %lt3A = vector.broadcast %scan3A_39 : i32 to vector<16xi32>
      %lt3A_336 = arith.cmpi slt, %add3A_335, %lt3A : vector<16xi32>
      %jit3A_337 = arith.constant 4194303 : i32
      %broadcast_in_dim3A_338 = vector.broadcast %jit3A_337 : i32 to vector<16xi32>
      %select_n3A_339 = arith.select %lt3A_336, %get3A_333, %broadcast_in_dim3A_338 : vector<16xi1>, vector<16xi32>
      %swap3A = arith.index_cast %add3A_332 : i32 to index
      %swap3A_340 = tpu.vector_load %arg7[%swap3A] {strides = array<i32>} : memref<8192xi32, #tpu.memory_space<vmem>>, vector<16xi32>,
      tpu.vector_store %arg7[%swap3A], %select_n3A_339 {strides = array<i32>} : memref<8192xi32, #tpu.memory_space<vmem>>, vector<16xi32>,
      %scan3A_341 = arith.constant 1 : i32
      %scan3A_342 = arith.addi %scan3A_328, %scan3A_341 : i32
      %mul3A_343 = arith.constant 16 : i32
      %mul3A_344 = arith.muli %scan3A_342, %mul3A_343 : i32
      %add3A_345 = arith.constant 0 : i32
      %add3A_346 = arith.addi %add3A_345, %mul3A_344 : i32
      %get3A_347 = arith.index_cast %add3A_346 : i32 to index
      %get3A_348 = tpu.vector_load %arg7[%get3A_347] {strides = array<i32>} : memref<8192xi32, #tpu.memory_space<vmem>>, vector<16xi32>,
      %add3A_349 = vector.broadcast %add3A_346 : i32 to vector<16xi32>
      %add3A_350 = arith.addi %iota3A, %add3A_349 : vector<16xi32>
      %lt3A_351 = vector.broadcast %scan3A_39 : i32 to vector<16xi32>
      %lt3A_352 = arith.cmpi slt, %add3A_350, %lt3A_351 : vector<16xi32>
      %jit3A_353 = arith.constant 4194303 : i32
      %broadcast_in_dim3A_354 = vector.broadcast %jit3A_353 : i32 to vector<16xi32>
      %select_n3A_355 = arith.select %lt3A_352, %get3A_348, %broadcast_in_dim3A_354 : vector<16xi1>, vector<16xi32>
      %swap3A_356 = arith.index_cast %add3A_346 : i32 to index
      %swap3A_357 = tpu.vector_load %arg7[%swap3A_356] {strides = array<i32>} : memref<8192xi32, #tpu.memory_space<vmem>>, vector<16xi32>,
      tpu.vector_store %arg7[%swap3A_356], %select_n3A_355 {strides = array<i32>} : memref<8192xi32, #tpu.memory_space<vmem>>, vector<16xi32>,
      %scan3A_358 = arith.constant 2 : i32
      %scan3A_359 = arith.addi %scan3A_328, %scan3A_358 : i32
      %mul3A_360 = arith.constant 16 : i32
      %mul3A_361 = arith.muli %scan3A_359, %mul3A_360 : i32
      %add3A_362 = arith.constant 0 : i32
      %add3A_363 = arith.addi %add3A_362, %mul3A_361 : i32
      %get3A_364 = arith.index_cast %add3A_363 : i32 to index
      %get3A_365 = tpu.vector_load %arg7[%get3A_364] {strides = array<i32>} : memref<8192xi32, #tpu.memory_space<vmem>>, vector<16xi32>,
      %add3A_366 = vector.broadcast %add3A_363 : i32 to vector<16xi32>
      %add3A_367 = arith.addi %iota3A, %add3A_366 : vector<16xi32>
      %lt3A_368 = vector.broadcast %scan3A_39 : i32 to vector<16xi32>
      %lt3A_369 = arith.cmpi slt, %add3A_367, %lt3A_368 : vector<16xi32>
      %jit3A_370 = arith.constant 4194303 : i32
      %broadcast_in_dim3A_371 = vector.broadcast %jit3A_370 : i32 to vector<16xi32>
      %select_n3A_372 = arith.select %lt3A_369, %get3A_365, %broadcast_in_dim3A_371 : vector<16xi1>, vector<16xi32>
      %swap3A_373 = arith.index_cast %add3A_363 : i32 to index
      %swap3A_374 = tpu.vector_load %arg7[%swap3A_373] {strides = array<i32>} : memref<8192xi32, #tpu.memory_space<vmem>>, vector<16xi32>,
      tpu.vector_store %arg7[%swap3A_373], %select_n3A_372 {strides = array<i32>} : memref<8192xi32, #tpu.memory_space<vmem>>, vector<16xi32>,
      %scan3A_375 = arith.constant 3 : i32
      %scan3A_376 = arith.addi %scan3A_328, %scan3A_375 : i32
      %mul3A_377 = arith.constant 16 : i32
      %mul3A_378 = arith.muli %scan3A_376, %mul3A_377 : i32
      %add3A_379 = arith.constant 0 : i32
      %add3A_380 = arith.addi %add3A_379, %mul3A_378 : i32
      %get3A_381 = arith.index_cast %add3A_380 : i32 to index
      %get3A_382 = tpu.vector_load %arg7[%get3A_381] {strides = array<i32>} : memref<8192xi32, #tpu.memory_space<vmem>>, vector<16xi32>,
      %add3A_383 = vector.broadcast %add3A_380 : i32 to vector<16xi32>
      %add3A_384 = arith.addi %iota3A, %add3A_383 : vector<16xi32>
      %lt3A_385 = vector.broadcast %scan3A_39 : i32 to vector<16xi32>
      %lt3A_386 = arith.cmpi slt, %add3A_384, %lt3A_385 : vector<16xi32>
      %jit3A_387 = arith.constant 4194303 : i32
      %broadcast_in_dim3A_388 = vector.broadcast %jit3A_387 : i32 to vector<16xi32>
      %select_n3A_389 = arith.select %lt3A_386, %get3A_382, %broadcast_in_dim3A_388 : vector<16xi1>, vector<16xi32>
      %swap3A_390 = arith.index_cast %add3A_380 : i32 to index
      %swap3A_391 = tpu.vector_load %arg7[%swap3A_390] {strides = array<i32>} : memref<8192xi32, #tpu.memory_space<vmem>>, vector<16xi32>,
      tpu.vector_store %arg7[%swap3A_390], %select_n3A_389 {strides = array<i32>} : memref<8192xi32, #tpu.memory_space<vmem>>, vector<16xi32>,
    }
    %scan3A_138 = arith.constant 512 : i32
    %add3A_139 = arith.constant 16 : i32
    %add3A_140 = arith.addi %scan3A_39, %add3A_139 : i32
    %sub3A_141 = arith.constant 1 : i32
    %sub3A_142 = arith.subi %add3A_140, %sub3A_141 : i32
    %jit3A_143 = arith.constant 16 : i32
    %div3A_144 = arith.divsi %sub3A_142, %jit3A_143 : i32
    %sign3A_145 = arith.constant 0 : i32
    %sign3A_146 = arith.cmpi sgt, %sub3A_142, %sign3A_145 : i32
    %sign3A_147 = arith.extui %sign3A_146 : i1 to i32
    %sign3A_148 = arith.constant 0 : i32
    %sign3A_149 = arith.cmpi slt, %sub3A_142, %sign3A_148 : i32
    %sign3A_150 = arith.extui %sign3A_149 : i1 to i32
    %sign3A_151 = arith.subi %sign3A_147, %sign3A_150 : i32
    %sign3A_152 = arith.constant 0 : i32
    %sign3A_153 = arith.cmpi sgt, %jit3A_143, %sign3A_152 : i32
    %sign3A_154 = arith.extui %sign3A_153 : i1 to i32
    %sign3A_155 = arith.constant 0 : i32
    %sign3A_156 = arith.cmpi slt, %jit3A_143, %sign3A_155 : i32
    %sign3A_157 = arith.extui %sign3A_156 : i1 to i32
    %sign3A_158 = arith.subi %sign3A_154, %sign3A_157 : i32
    %ne3A_159 = arith.cmpi ne, %sign3A_151, %sign3A_158 : i32
    %rem3A_160 = arith.remsi %sub3A_142, %jit3A_143 : i32
    %ne3A_161 = arith.constant 0 : i32
    %ne3A_162 = arith.cmpi ne, %rem3A_160, %ne3A_161 : i32
    %and3A_163 = arith.andi %ne3A_159, %ne3A_162 : i1
    %sub3A_164 = arith.constant 1 : i32
    %sub3A_165 = arith.subi %div3A_144, %sub3A_164 : i32
    %select_n3A_166 = arith.select %and3A_163, %sub3A_165, %div3A_144 : i32
    %mul3A_167 = arith.constant 16 : i32
    %mul3A_168 = arith.muli %select_n3A_166, %mul3A_167 : i32
    %scan3A_169 = arith.constant 0 : i32
    %scan3A_170 = arith.constant 128 : i32
    %scan3A_171 = arith.addi %scan3A_169, %scan3A_170 : i32
    %scan3A_172 = arith.constant 8 : i32
    scf.for %scan3A_328 = %scan3A_169 to %scan3A_171 step %scan3A_172  : i32 {
      %mul3A_329 = arith.constant 16 : i32
      %mul3A_330 = arith.muli %scan3A_328, %mul3A_329 : i32
      %add3A_331 = arith.constant 0 : i32
      %add3A_332 = arith.addi %add3A_331, %mul3A_330 : i32
      %broadcast_in_dim3A_333 = arith.constant 0 : i32
      %broadcast_in_dim3A_334 = vector.broadcast %broadcast_in_dim3A_333 : i32 to vector<16xi32>
      %swap3A = arith.index_cast %add3A_332 : i32 to index
      %swap3A_335 = tpu.vector_load %arg12[%swap3A] {strides = array<i32>} : memref<2048xi32, #tpu.memory_space<vmem>>, vector<16xi32>,
      tpu.vector_store %arg12[%swap3A], %broadcast_in_dim3A_334 {strides = array<i32>} : memref<2048xi32, #tpu.memory_space<vmem>>, vector<16xi32>,
      %scan3A_336 = arith.constant 1 : i32
      %scan3A_337 = arith.addi %scan3A_328, %scan3A_336 : i32
      %mul3A_338 = arith.constant 16 : i32
      %mul3A_339 = arith.muli %scan3A_337, %mul3A_338 : i32
      %add3A_340 = arith.constant 0 : i32
      %add3A_341 = arith.addi %add3A_340, %mul3A_339 : i32
      %broadcast_in_dim3A_342 = arith.constant 0 : i32
      %broadcast_in_dim3A_343 = vector.broadcast %broadcast_in_dim3A_342 : i32 to vector<16xi32>
      %swap3A_344 = arith.index_cast %add3A_341 : i32 to index
      %swap3A_345 = tpu.vector_load %arg12[%swap3A_344] {strides = array<i32>} : memref<2048xi32, #tpu.memory_space<vmem>>, vector<16xi32>,
      tpu.vector_store %arg12[%swap3A_344], %broadcast_in_dim3A_343 {strides = array<i32>} : memref<2048xi32, #tpu.memory_space<vmem>>, vector<16xi32>,
      %scan3A_346 = arith.constant 2 : i32
      %scan3A_347 = arith.addi %scan3A_328, %scan3A_346 : i32
      %mul3A_348 = arith.constant 16 : i32
      %mul3A_349 = arith.muli %scan3A_347, %mul3A_348 : i32
      %add3A_350 = arith.constant 0 : i32
      %add3A_351 = arith.addi %add3A_350, %mul3A_349 : i32
      %broadcast_in_dim3A_352 = arith.constant 0 : i32
      %broadcast_in_dim3A_353 = vector.broadcast %broadcast_in_dim3A_352 : i32 to vector<16xi32>
      %swap3A_354 = arith.index_cast %add3A_351 : i32 to index
      %swap3A_355 = tpu.vector_load %arg12[%swap3A_354] {strides = array<i32>} : memref<2048xi32, #tpu.memory_space<vmem>>, vector<16xi32>,
      tpu.vector_store %arg12[%swap3A_354], %broadcast_in_dim3A_353 {strides = array<i32>} : memref<2048xi32, #tpu.memory_space<vmem>>, vector<16xi32>,
      %scan3A_356 = arith.constant 3 : i32
      %scan3A_357 = arith.addi %scan3A_328, %scan3A_356 : i32
      %mul3A_358 = arith.constant 16 : i32
      %mul3A_359 = arith.muli %scan3A_357, %mul3A_358 : i32
      %add3A_360 = arith.constant 0 : i32
      %add3A_361 = arith.addi %add3A_360, %mul3A_359 : i32
      %broadcast_in_dim3A_362 = arith.constant 0 : i32
      %broadcast_in_dim3A_363 = vector.broadcast %broadcast_in_dim3A_362 : i32 to vector<16xi32>
      %swap3A_364 = arith.index_cast %add3A_361 : i32 to index
      %swap3A_365 = tpu.vector_load %arg12[%swap3A_364] {strides = array<i32>} : memref<2048xi32, #tpu.memory_space<vmem>>, vector<16xi32>,
      tpu.vector_store %arg12[%swap3A_364], %broadcast_in_dim3A_363 {strides = array<i32>} : memref<2048xi32, #tpu.memory_space<vmem>>, vector<16xi32>,
      %scan3A_366 = arith.constant 4 : i32
      %scan3A_367 = arith.addi %scan3A_328, %scan3A_366 : i32
      %mul3A_368 = arith.constant 16 : i32
      %mul3A_369 = arith.muli %scan3A_367, %mul3A_368 : i32
      %add3A_370 = arith.constant 0 : i32
      %add3A_371 = arith.addi %add3A_370, %mul3A_369 : i32
      %broadcast_in_dim3A_372 = arith.constant 0 : i32
      %broadcast_in_dim3A_373 = vector.broadcast %broadcast_in_dim3A_372 : i32 to vector<16xi32>
      %swap3A_374 = arith.index_cast %add3A_371 : i32 to index
      %swap3A_375 = tpu.vector_load %arg12[%swap3A_374] {strides = array<i32>} : memref<2048xi32, #tpu.memory_space<vmem>>, vector<16xi32>,
      tpu.vector_store %arg12[%swap3A_374], %broadcast_in_dim3A_373 {strides = array<i32>} : memref<2048xi32, #tpu.memory_space<vmem>>, vector<16xi32>,
      %scan3A_376 = arith.constant 5 : i32
      %scan3A_377 = arith.addi %scan3A_328, %scan3A_376 : i32
      %mul3A_378 = arith.constant 16 : i32
      %mul3A_379 = arith.muli %scan3A_377, %mul3A_378 : i32
      %add3A_380 = arith.constant 0 : i32
      %add3A_381 = arith.addi %add3A_380, %mul3A_379 : i32
      %broadcast_in_dim3A_382 = arith.constant 0 : i32
      %broadcast_in_dim3A_383 = vector.broadcast %broadcast_in_dim3A_382 : i32 to vector<16xi32>
      %swap3A_384 = arith.index_cast %add3A_381 : i32 to index
      %swap3A_385 = tpu.vector_load %arg12[%swap3A_384] {strides = array<i32>} : memref<2048xi32, #tpu.memory_space<vmem>>, vector<16xi32>,
      tpu.vector_store %arg12[%swap3A_384], %broadcast_in_dim3A_383 {strides = array<i32>} : memref<2048xi32, #tpu.memory_space<vmem>>, vector<16xi32>,
      %scan3A_386 = arith.constant 6 : i32
      %scan3A_387 = arith.addi %scan3A_328, %scan3A_386 : i32
      %mul3A_388 = arith.constant 16 : i32
      %mul3A_389 = arith.muli %scan3A_387, %mul3A_388 : i32
      %add3A_390 = arith.constant 0 : i32
      %add3A_391 = arith.addi %add3A_390, %mul3A_389 : i32
      %broadcast_in_dim3A_392 = arith.constant 0 : i32
      %broadcast_in_dim3A_393 = vector.broadcast %broadcast_in_dim3A_392 : i32 to vector<16xi32>
      %swap3A_394 = arith.index_cast %add3A_391 : i32 to index
      %swap3A_395 = tpu.vector_load %arg12[%swap3A_394] {strides = array<i32>} : memref<2048xi32, #tpu.memory_space<vmem>>, vector<16xi32>,
      tpu.vector_store %arg12[%swap3A_394], %broadcast_in_dim3A_393 {strides = array<i32>} : memref<2048xi32, #tpu.memory_space<vmem>>, vector<16xi32>,
      %scan3A_396 = arith.constant 7 : i32
      %scan3A_397 = arith.addi %scan3A_328, %scan3A_396 : i32
      %mul3A_398 = arith.constant 16 : i32
      %mul3A_399 = arith.muli %scan3A_397, %mul3A_398 : i32
      %add3A_400 = arith.constant 0 : i32
      %add3A_401 = arith.addi %add3A_400, %mul3A_399 : i32
      %broadcast_in_dim3A_402 = arith.constant 0 : i32
      %broadcast_in_dim3A_403 = vector.broadcast %broadcast_in_dim3A_402 : i32 to vector<16xi32>
      %swap3A_404 = arith.index_cast %add3A_401 : i32 to index
      %swap3A_405 = tpu.vector_load %arg12[%swap3A_404] {strides = array<i32>} : memref<2048xi32, #tpu.memory_space<vmem>>, vector<16xi32>,
      tpu.vector_store %arg12[%swap3A_404], %broadcast_in_dim3A_403 {strides = array<i32>} : memref<2048xi32, #tpu.memory_space<vmem>>, vector<16xi32>,
    }
    %scan3A_173 = arith.constant 128 : i32
    %sub3A_174 = arith.constant 0 : i32
    %sub3A_175 = arith.subi %mul3A_168, %sub3A_174 : i32
    %sub3A_176 = arith.constant 16 : i32
    %sub3A_177 = arith.constant 1 : i32
    %sub3A_178 = arith.subi %sub3A_176, %sub3A_177 : i32
    %add3A_179 = arith.addi %sub3A_175, %sub3A_178 : i32
    %div3A_180 = arith.constant 16 : i32
    %div3A_181 = arith.divsi %add3A_179, %div3A_180 : i32
    %while3A_182 = arith.constant 16 : i32
    %while3A_183 = arith.constant 0 : i32
    %while3A_184 = arith.constant 0 : i32
    %while3A_185 = arith.subi %div3A_181, %while3A_184 : i32
    %while3A_186 = arith.addi %while3A_184, %while3A_185 : i32
    %while3A_187 = arith.constant 1 : i32
    %while3A_188 = arith.divsi %while3A_185, %while3A_187 : i32
    %while3A_189 = arith.muli %while3A_188, %while3A_187 : i32
    %while3A_190 = arith.addi %while3A_184, %while3A_189 : i32
    %while3A_191 = arith.constant 1 : i32
    scf.for %while3A_328 = %while3A_184 to %while3A_190 step %while3A_191  : i32 {
      %mul3A_329 = arith.muli %while3A_328, %while3A_182 : i32
      %add3A_330 = arith.addi %while3A_183, %mul3A_329 : i32
      %get3A = arith.index_cast %add3A_330 : i32 to index
      %get3A_331 = tpu.vector_load %arg7[%get3A] {strides = array<i32>} : memref<8192xi32, #tpu.memory_space<vmem>>, vector<16xi32>,
      %shift_right_arithmetic3A_332 = arith.constant 0 : i32
      %shift_right_arithmetic3A_333 = vector.broadcast %shift_right_arithmetic3A_332 : i32 to vector<16xi32>
      %shift_right_arithmetic3A_334 = arith.shrsi %get3A_331, %shift_right_arithmetic3A_333 : vector<16xi32>
      %and3A_335 = arith.constant 2047 : i32
      %and3A_336 = vector.broadcast %and3A_335 : i32 to vector<16xi32>
      %and3A_337 = arith.andi %shift_right_arithmetic3A_334, %and3A_336 : vector<16xi32>
      %broadcast_in_dim3A_338 = arith.constant true
      %broadcast_in_dim3A_339 = vector.broadcast %broadcast_in_dim3A_338 : i1 to vector<16xi1>
      %unique3A, %unique3A_340 = tpu.scan_count mask(%broadcast_in_dim3A_339 : vector<16xi1>) value(%and3A_337 : vector<16xi32>) : vector<16xi1>, vector<16xi32>
      tpu.vector_store_idx %arg12[%and3A_337], %unique3A_340 masked %unique3A {add = true} : memref<2048xi32, #tpu.memory_space<vmem>>[vector<16xi32>], vector<16xi32>, vector<16xi1>
    }
    %while3A_192 = arith.constant 1 : i32
    scf.for %while3A_328 = %while3A_190 to %while3A_186 step %while3A_192  : i32 {
      %mul3A_329 = arith.muli %while3A_328, %while3A_182 : i32
      %add3A_330 = arith.addi %while3A_183, %mul3A_329 : i32
      %get3A = arith.index_cast %add3A_330 : i32 to index
      %get3A_331 = tpu.vector_load %arg7[%get3A] {strides = array<i32>} : memref<8192xi32, #tpu.memory_space<vmem>>, vector<16xi32>,
      %shift_right_arithmetic3A_332 = arith.constant 0 : i32
      %shift_right_arithmetic3A_333 = vector.broadcast %shift_right_arithmetic3A_332 : i32 to vector<16xi32>
      %shift_right_arithmetic3A_334 = arith.shrsi %get3A_331, %shift_right_arithmetic3A_333 : vector<16xi32>
      %and3A_335 = arith.constant 2047 : i32
      %and3A_336 = vector.broadcast %and3A_335 : i32 to vector<16xi32>
      %and3A_337 = arith.andi %shift_right_arithmetic3A_334, %and3A_336 : vector<16xi32>
      %broadcast_in_dim3A_338 = arith.constant true
      %broadcast_in_dim3A_339 = vector.broadcast %broadcast_in_dim3A_338 : i1 to vector<16xi1>
      %unique3A, %unique3A_340 = tpu.scan_count mask(%broadcast_in_dim3A_339 : vector<16xi1>) value(%and3A_337 : vector<16xi32>) : vector<16xi1>, vector<16xi32>
      tpu.vector_store_idx %arg12[%and3A_337], %unique3A_340 masked %unique3A {add = true} : memref<2048xi32, #tpu.memory_space<vmem>>[vector<16xi32>], vector<16xi32>, vector<16xi1>
    }
    %scan3A_193 = arith.constant 0 : i32
    %scan3A_194 = arith.constant 0 : i32
    %scan3A_195 = arith.constant 128 : i32
    %scan3A_196 = arith.addi %scan3A_194, %scan3A_195 : i32
    %scan3A_197 = arith.constant 1 : i32
    %scan3A_198 = scf.for %scan3A_328 = %scan3A_194 to %scan3A_196 step %scan3A_197 iter_args(%scan3A_329 = %scan3A_193) -> (i32)  : i32 {
      %mul3A_330 = arith.constant 1 : i32
      %mul3A_331 = arith.muli %scan3A_328, %mul3A_330 : i32
      %add3A_332 = arith.constant 0 : i32
      %add3A_333 = arith.addi %add3A_332, %mul3A_331 : i32
      %mul3A_334 = arith.constant 16 : i32
      %mul3A_335 = arith.muli %add3A_333, %mul3A_334 : i32
      %get3A = arith.index_cast %mul3A_335 : i32 to index
      %get3A_336 = tpu.vector_load %arg12[%get3A] {strides = array<i32>} : memref<2048xi32, #tpu.memory_space<vmem>>, vector<16xi32>,
      %broadcast_in_dim3A_337 = arith.constant true
      %broadcast_in_dim3A_338 = vector.broadcast %broadcast_in_dim3A_337 : i1 to vector<16xi1>
      %masked_cumsum3A = tpu.scan <sum>, %get3A_336 masked %broadcast_in_dim3A_338 : vector<16xi32>, vector<16xi1> -> vector<16xi32>
      %sub3A_339 = arith.subi %masked_cumsum3A, %get3A_336 : vector<16xi32>
      %add3A_340 = vector.broadcast %scan3A_329 : i32 to vector<16xi32>
      %add3A_341 = arith.addi %sub3A_339, %add3A_340 : vector<16xi32>
      %mul3A_342 = arith.constant 16 : i32
      %mul3A_343 = arith.muli %add3A_333, %mul3A_342 : i32
      %swap3A = arith.index_cast %mul3A_343 : i32 to index
      %swap3A_344 = tpu.vector_load %arg12[%swap3A] {strides = array<i32>} : memref<2048xi32, #tpu.memory_space<vmem>>, vector<16xi32>,
      tpu.vector_store %arg12[%swap3A], %add3A_341 {strides = array<i32>} : memref<2048xi32, #tpu.memory_space<vmem>>, vector<16xi32>,
      %reduce_sum3A = arith.constant true
      %reduce_sum3A_345 = vector.broadcast %reduce_sum3A : i1 to vector<16xi1>
      %reduce_sum3A_346 = tpu.scan <sum>, %get3A_336 masked %reduce_sum3A_345 : vector<16xi32>, vector<16xi1> -> vector<16xi32>
      %reduce_sum3A_347 = vector.extract %reduce_sum3A_346[15] : i32 from vector<16xi32>
      %add3A_348 = arith.addi %scan3A_329, %reduce_sum3A_347 : i32
      scf.yield %add3A_348 : i32
    }
    %scan3A_199 = arith.constant 128 : i32
    %sub3A_200 = arith.constant 0 : i32
    %sub3A_201 = arith.subi %mul3A_168, %sub3A_200 : i32
    %sub3A_202 = arith.constant 16 : i32
    %sub3A_203 = arith.constant 1 : i32
    %sub3A_204 = arith.subi %sub3A_202, %sub3A_203 : i32
    %add3A_205 = arith.addi %sub3A_201, %sub3A_204 : i32
    %div3A_206 = arith.constant 16 : i32
    %div3A_207 = arith.divsi %add3A_205, %div3A_206 : i32
    %while3A_208 = arith.constant 16 : i32
    %while3A_209 = arith.constant 0 : i32
    %while3A_210 = arith.constant 0 : i32
    %while3A_211 = arith.subi %div3A_207, %while3A_210 : i32
    %while3A_212 = arith.addi %while3A_210, %while3A_211 : i32
    %while3A_213 = arith.constant 1 : i32
    %while3A_214 = arith.divsi %while3A_211, %while3A_213 : i32
    %while3A_215 = arith.muli %while3A_214, %while3A_213 : i32
    %while3A_216 = arith.addi %while3A_210, %while3A_215 : i32
    %while3A_217 = arith.constant 1 : i32
    scf.for %while3A_328 = %while3A_210 to %while3A_216 step %while3A_217  : i32 {
      %mul3A_329 = arith.muli %while3A_328, %while3A_208 : i32
      %add3A_330 = arith.addi %while3A_209, %mul3A_329 : i32
      %get3A = arith.index_cast %add3A_330 : i32 to index
      %get3A_331 = tpu.vector_load %arg7[%get3A] {strides = array<i32>} : memref<8192xi32, #tpu.memory_space<vmem>>, vector<16xi32>,
      %iota3A_332 = tpu.iota {dimensions = array<i32: 0>} : vector<16xi32>
      %add3A_333 = arith.constant 0 : i32
      %add3A_334 = arith.addi %add3A_330, %add3A_333 : i32
      %add3A_335 = vector.broadcast %add3A_334 : i32 to vector<16xi32>
      %add3A_336 = arith.addi %iota3A_332, %add3A_335 : vector<16xi32>
      %shift_right_arithmetic3A_337 = arith.constant 0 : i32
      %shift_right_arithmetic3A_338 = vector.broadcast %shift_right_arithmetic3A_337 : i32 to vector<16xi32>
      %shift_right_arithmetic3A_339 = arith.shrsi %get3A_331, %shift_right_arithmetic3A_338 : vector<16xi32>
      %and3A_340 = arith.constant 2047 : i32
      %and3A_341 = vector.broadcast %and3A_340 : i32 to vector<16xi32>
      %and3A_342 = arith.andi %shift_right_arithmetic3A_339, %and3A_341 : vector<16xi32>
      %broadcast_in_dim3A_343 = arith.constant true
      %broadcast_in_dim3A_344 = vector.broadcast %broadcast_in_dim3A_343 : i1 to vector<16xi1>
      %unique3A, %unique3A_345 = tpu.scan_count mask(%broadcast_in_dim3A_344 : vector<16xi1>) value(%and3A_342 : vector<16xi32>) : vector<16xi1>, vector<16xi32>
      %gather3A = tpu.vector_load_idx %arg12[%and3A_342] : memref<2048xi32, #tpu.memory_space<vmem>>[vector<16xi32>], vector<16xi32>,
      %add3A_346 = arith.addi %gather3A, %unique3A_345 : vector<16xi32>
      %sub3A_347 = arith.constant 1 : i32
      %sub3A_348 = vector.broadcast %sub3A_347 : i32 to vector<16xi32>
      %sub3A_349 = arith.subi %add3A_346, %sub3A_348 : vector<16xi32>
      tpu.vector_store_idx %arg10[%sub3A_349], %get3A_331 : memref<8192xi32, #tpu.memory_space<vmem>>[vector<16xi32>], vector<16xi32>,
      tpu.vector_store_idx %arg9[%sub3A_349], %add3A_336 : memref<8208xi32, #tpu.memory_space<vmem>>[vector<16xi32>], vector<16xi32>,
      tpu.vector_store_idx %arg12[%and3A_342], %unique3A_345 masked %unique3A {add = true} : memref<2048xi32, #tpu.memory_space<vmem>>[vector<16xi32>], vector<16xi32>, vector<16xi1>
    }
    %while3A_218 = arith.constant 1 : i32
    scf.for %while3A_328 = %while3A_216 to %while3A_212 step %while3A_218  : i32 {
      %mul3A_329 = arith.muli %while3A_328, %while3A_208 : i32
      %add3A_330 = arith.addi %while3A_209, %mul3A_329 : i32
      %get3A = arith.index_cast %add3A_330 : i32 to index
      %get3A_331 = tpu.vector_load %arg7[%get3A] {strides = array<i32>} : memref<8192xi32, #tpu.memory_space<vmem>>, vector<16xi32>,
      %iota3A_332 = tpu.iota {dimensions = array<i32: 0>} : vector<16xi32>
      %add3A_333 = arith.constant 0 : i32
      %add3A_334 = arith.addi %add3A_330, %add3A_333 : i32
      %add3A_335 = vector.broadcast %add3A_334 : i32 to vector<16xi32>
      %add3A_336 = arith.addi %iota3A_332, %add3A_335 : vector<16xi32>
      %shift_right_arithmetic3A_337 = arith.constant 0 : i32
      %shift_right_arithmetic3A_338 = vector.broadcast %shift_right_arithmetic3A_337 : i32 to vector<16xi32>
      %shift_right_arithmetic3A_339 = arith.shrsi %get3A_331, %shift_right_arithmetic3A_338 : vector<16xi32>
      %and3A_340 = arith.constant 2047 : i32
      %and3A_341 = vector.broadcast %and3A_340 : i32 to vector<16xi32>
      %and3A_342 = arith.andi %shift_right_arithmetic3A_339, %and3A_341 : vector<16xi32>
      %broadcast_in_dim3A_343 = arith.constant true
      %broadcast_in_dim3A_344 = vector.broadcast %broadcast_in_dim3A_343 : i1 to vector<16xi1>
      %unique3A, %unique3A_345 = tpu.scan_count mask(%broadcast_in_dim3A_344 : vector<16xi1>) value(%and3A_342 : vector<16xi32>) : vector<16xi1>, vector<16xi32>
      %gather3A = tpu.vector_load_idx %arg12[%and3A_342] : memref<2048xi32, #tpu.memory_space<vmem>>[vector<16xi32>], vector<16xi32>,
      %add3A_346 = arith.addi %gather3A, %unique3A_345 : vector<16xi32>
      %sub3A_347 = arith.constant 1 : i32
      %sub3A_348 = vector.broadcast %sub3A_347 : i32 to vector<16xi32>
      %sub3A_349 = arith.subi %add3A_346, %sub3A_348 : vector<16xi32>
      tpu.vector_store_idx %arg10[%sub3A_349], %get3A_331 : memref<8192xi32, #tpu.memory_space<vmem>>[vector<16xi32>], vector<16xi32>,
      tpu.vector_store_idx %arg9[%sub3A_349], %add3A_336 : memref<8208xi32, #tpu.memory_space<vmem>>[vector<16xi32>], vector<16xi32>,
      tpu.vector_store_idx %arg12[%and3A_342], %unique3A_345 masked %unique3A {add = true} : memref<2048xi32, #tpu.memory_space<vmem>>[vector<16xi32>], vector<16xi32>, vector<16xi1>
    }
    %scan3A_219 = arith.constant 0 : i32
    %scan3A_220 = arith.constant 128 : i32
    %scan3A_221 = arith.addi %scan3A_219, %scan3A_220 : i32
    %scan3A_222 = arith.constant 8 : i32
    scf.for %scan3A_328 = %scan3A_219 to %scan3A_221 step %scan3A_222  : i32 {
      %mul3A_329 = arith.constant 16 : i32
      %mul3A_330 = arith.muli %scan3A_328, %mul3A_329 : i32
      %add3A_331 = arith.constant 0 : i32
      %add3A_332 = arith.addi %add3A_331, %mul3A_330 : i32
      %broadcast_in_dim3A_333 = arith.constant 0 : i32
      %broadcast_in_dim3A_334 = vector.broadcast %broadcast_in_dim3A_333 : i32 to vector<16xi32>
      %swap3A = arith.index_cast %add3A_332 : i32 to index
      %swap3A_335 = tpu.vector_load %arg12[%swap3A] {strides = array<i32>} : memref<2048xi32, #tpu.memory_space<vmem>>, vector<16xi32>,
      tpu.vector_store %arg12[%swap3A], %broadcast_in_dim3A_334 {strides = array<i32>} : memref<2048xi32, #tpu.memory_space<vmem>>, vector<16xi32>,
      %scan3A_336 = arith.constant 1 : i32
      %scan3A_337 = arith.addi %scan3A_328, %scan3A_336 : i32
      %mul3A_338 = arith.constant 16 : i32
      %mul3A_339 = arith.muli %scan3A_337, %mul3A_338 : i32
      %add3A_340 = arith.constant 0 : i32
      %add3A_341 = arith.addi %add3A_340, %mul3A_339 : i32
      %broadcast_in_dim3A_342 = arith.constant 0 : i32
      %broadcast_in_dim3A_343 = vector.broadcast %broadcast_in_dim3A_342 : i32 to vector<16xi32>
      %swap3A_344 = arith.index_cast %add3A_341 : i32 to index
      %swap3A_345 = tpu.vector_load %arg12[%swap3A_344] {strides = array<i32>} : memref<2048xi32, #tpu.memory_space<vmem>>, vector<16xi32>,
      tpu.vector_store %arg12[%swap3A_344], %broadcast_in_dim3A_343 {strides = array<i32>} : memref<2048xi32, #tpu.memory_space<vmem>>, vector<16xi32>,
      %scan3A_346 = arith.constant 2 : i32
      %scan3A_347 = arith.addi %scan3A_328, %scan3A_346 : i32
      %mul3A_348 = arith.constant 16 : i32
      %mul3A_349 = arith.muli %scan3A_347, %mul3A_348 : i32
      %add3A_350 = arith.constant 0 : i32
      %add3A_351 = arith.addi %add3A_350, %mul3A_349 : i32
      %broadcast_in_dim3A_352 = arith.constant 0 : i32
      %broadcast_in_dim3A_353 = vector.broadcast %broadcast_in_dim3A_352 : i32 to vector<16xi32>
      %swap3A_354 = arith.index_cast %add3A_351 : i32 to index
      %swap3A_355 = tpu.vector_load %arg12[%swap3A_354] {strides = array<i32>} : memref<2048xi32, #tpu.memory_space<vmem>>, vector<16xi32>,
      tpu.vector_store %arg12[%swap3A_354], %broadcast_in_dim3A_353 {strides = array<i32>} : memref<2048xi32, #tpu.memory_space<vmem>>, vector<16xi32>,
      %scan3A_356 = arith.constant 3 : i32
      %scan3A_357 = arith.addi %scan3A_328, %scan3A_356 : i32
      %mul3A_358 = arith.constant 16 : i32
      %mul3A_359 = arith.muli %scan3A_357, %mul3A_358 : i32
      %add3A_360 = arith.constant 0 : i32
      %add3A_361 = arith.addi %add3A_360, %mul3A_359 : i32
      %broadcast_in_dim3A_362 = arith.constant 0 : i32
      %broadcast_in_dim3A_363 = vector.broadcast %broadcast_in_dim3A_362 : i32 to vector<16xi32>
      %swap3A_364 = arith.index_cast %add3A_361 : i32 to index
      %swap3A_365 = tpu.vector_load %arg12[%swap3A_364] {strides = array<i32>} : memref<2048xi32, #tpu.memory_space<vmem>>, vector<16xi32>,
      tpu.vector_store %arg12[%swap3A_364], %broadcast_in_dim3A_363 {strides = array<i32>} : memref<2048xi32, #tpu.memory_space<vmem>>, vector<16xi32>,
      %scan3A_366 = arith.constant 4 : i32
      %scan3A_367 = arith.addi %scan3A_328, %scan3A_366 : i32
      %mul3A_368 = arith.constant 16 : i32
      %mul3A_369 = arith.muli %scan3A_367, %mul3A_368 : i32
      %add3A_370 = arith.constant 0 : i32
      %add3A_371 = arith.addi %add3A_370, %mul3A_369 : i32
      %broadcast_in_dim3A_372 = arith.constant 0 : i32
      %broadcast_in_dim3A_373 = vector.broadcast %broadcast_in_dim3A_372 : i32 to vector<16xi32>
      %swap3A_374 = arith.index_cast %add3A_371 : i32 to index
      %swap3A_375 = tpu.vector_load %arg12[%swap3A_374] {strides = array<i32>} : memref<2048xi32, #tpu.memory_space<vmem>>, vector<16xi32>,
      tpu.vector_store %arg12[%swap3A_374], %broadcast_in_dim3A_373 {strides = array<i32>} : memref<2048xi32, #tpu.memory_space<vmem>>, vector<16xi32>,
      %scan3A_376 = arith.constant 5 : i32
      %scan3A_377 = arith.addi %scan3A_328, %scan3A_376 : i32
      %mul3A_378 = arith.constant 16 : i32
      %mul3A_379 = arith.muli %scan3A_377, %mul3A_378 : i32
      %add3A_380 = arith.constant 0 : i32
      %add3A_381 = arith.addi %add3A_380, %mul3A_379 : i32
      %broadcast_in_dim3A_382 = arith.constant 0 : i32
      %broadcast_in_dim3A_383 = vector.broadcast %broadcast_in_dim3A_382 : i32 to vector<16xi32>
      %swap3A_384 = arith.index_cast %add3A_381 : i32 to index
      %swap3A_385 = tpu.vector_load %arg12[%swap3A_384] {strides = array<i32>} : memref<2048xi32, #tpu.memory_space<vmem>>, vector<16xi32>,
      tpu.vector_store %arg12[%swap3A_384], %broadcast_in_dim3A_383 {strides = array<i32>} : memref<2048xi32, #tpu.memory_space<vmem>>, vector<16xi32>,
      %scan3A_386 = arith.constant 6 : i32
      %scan3A_387 = arith.addi %scan3A_328, %scan3A_386 : i32
      %mul3A_388 = arith.constant 16 : i32
      %mul3A_389 = arith.muli %scan3A_387, %mul3A_388 : i32
      %add3A_390 = arith.constant 0 : i32
      %add3A_391 = arith.addi %add3A_390, %mul3A_389 : i32
      %broadcast_in_dim3A_392 = arith.constant 0 : i32
      %broadcast_in_dim3A_393 = vector.broadcast %broadcast_in_dim3A_392 : i32 to vector<16xi32>
      %swap3A_394 = arith.index_cast %add3A_391 : i32 to index
      %swap3A_395 = tpu.vector_load %arg12[%swap3A_394] {strides = array<i32>} : memref<2048xi32, #tpu.memory_space<vmem>>, vector<16xi32>,
      tpu.vector_store %arg12[%swap3A_394], %broadcast_in_dim3A_393 {strides = array<i32>} : memref<2048xi32, #tpu.memory_space<vmem>>, vector<16xi32>,
      %scan3A_396 = arith.constant 7 : i32
      %scan3A_397 = arith.addi %scan3A_328, %scan3A_396 : i32
      %mul3A_398 = arith.constant 16 : i32
      %mul3A_399 = arith.muli %scan3A_397, %mul3A_398 : i32
      %add3A_400 = arith.constant 0 : i32
      %add3A_401 = arith.addi %add3A_400, %mul3A_399 : i32
      %broadcast_in_dim3A_402 = arith.constant 0 : i32
      %broadcast_in_dim3A_403 = vector.broadcast %broadcast_in_dim3A_402 : i32 to vector<16xi32>
      %swap3A_404 = arith.index_cast %add3A_401 : i32 to index
      %swap3A_405 = tpu.vector_load %arg12[%swap3A_404] {strides = array<i32>} : memref<2048xi32, #tpu.memory_space<vmem>>, vector<16xi32>,
      tpu.vector_store %arg12[%swap3A_404], %broadcast_in_dim3A_403 {strides = array<i32>} : memref<2048xi32, #tpu.memory_space<vmem>>, vector<16xi32>,
    }
    %scan3A_223 = arith.constant 128 : i32
    %sub3A_224 = arith.constant 0 : i32
    %sub3A_225 = arith.subi %mul3A_168, %sub3A_224 : i32
    %sub3A_226 = arith.constant 16 : i32
    %sub3A_227 = arith.constant 1 : i32
    %sub3A_228 = arith.subi %sub3A_226, %sub3A_227 : i32
    %add3A_229 = arith.addi %sub3A_225, %sub3A_228 : i32
    %div3A_230 = arith.constant 16 : i32
    %div3A_231 = arith.divsi %add3A_229, %div3A_230 : i32
    %while3A_232 = arith.constant 16 : i32
    %while3A_233 = arith.constant 0 : i32
    %while3A_234 = arith.constant 0 : i32
    %while3A_235 = arith.subi %div3A_231, %while3A_234 : i32
    %while3A_236 = arith.addi %while3A_234, %while3A_235 : i32
    %while3A_237 = arith.constant 1 : i32
    %while3A_238 = arith.divsi %while3A_235, %while3A_237 : i32
    %while3A_239 = arith.muli %while3A_238, %while3A_237 : i32
    %while3A_240 = arith.addi %while3A_234, %while3A_239 : i32
    %while3A_241 = arith.constant 1 : i32
    scf.for %while3A_328 = %while3A_234 to %while3A_240 step %while3A_241  : i32 {
      %mul3A_329 = arith.muli %while3A_328, %while3A_232 : i32
      %add3A_330 = arith.addi %while3A_233, %mul3A_329 : i32
      %get3A = arith.index_cast %add3A_330 : i32 to index
      %get3A_331 = tpu.vector_load %arg10[%get3A] {strides = array<i32>} : memref<8192xi32, #tpu.memory_space<vmem>>, vector<16xi32>,
      %shift_right_arithmetic3A_332 = arith.constant 11 : i32
      %shift_right_arithmetic3A_333 = vector.broadcast %shift_right_arithmetic3A_332 : i32 to vector<16xi32>
      %shift_right_arithmetic3A_334 = arith.shrsi %get3A_331, %shift_right_arithmetic3A_333 : vector<16xi32>
      %and3A_335 = arith.constant 2047 : i32
      %and3A_336 = vector.broadcast %and3A_335 : i32 to vector<16xi32>
      %and3A_337 = arith.andi %shift_right_arithmetic3A_334, %and3A_336 : vector<16xi32>
      %broadcast_in_dim3A_338 = arith.constant true
      %broadcast_in_dim3A_339 = vector.broadcast %broadcast_in_dim3A_338 : i1 to vector<16xi1>
      %unique3A, %unique3A_340 = tpu.scan_count mask(%broadcast_in_dim3A_339 : vector<16xi1>) value(%and3A_337 : vector<16xi32>) : vector<16xi1>, vector<16xi32>
      tpu.vector_store_idx %arg12[%and3A_337], %unique3A_340 masked %unique3A {add = true} : memref<2048xi32, #tpu.memory_space<vmem>>[vector<16xi32>], vector<16xi32>, vector<16xi1>
    }
    %while3A_242 = arith.constant 1 : i32
    scf.for %while3A_328 = %while3A_240 to %while3A_236 step %while3A_242  : i32 {
      %mul3A_329 = arith.muli %while3A_328, %while3A_232 : i32
      %add3A_330 = arith.addi %while3A_233, %mul3A_329 : i32
      %get3A = arith.index_cast %add3A_330 : i32 to index
      %get3A_331 = tpu.vector_load %arg10[%get3A] {strides = array<i32>} : memref<8192xi32, #tpu.memory_space<vmem>>, vector<16xi32>,
      %shift_right_arithmetic3A_332 = arith.constant 11 : i32
      %shift_right_arithmetic3A_333 = vector.broadcast %shift_right_arithmetic3A_332 : i32 to vector<16xi32>
      %shift_right_arithmetic3A_334 = arith.shrsi %get3A_331, %shift_right_arithmetic3A_333 : vector<16xi32>
      %and3A_335 = arith.constant 2047 : i32
      %and3A_336 = vector.broadcast %and3A_335 : i32 to vector<16xi32>
      %and3A_337 = arith.andi %shift_right_arithmetic3A_334, %and3A_336 : vector<16xi32>
      %broadcast_in_dim3A_338 = arith.constant true
      %broadcast_in_dim3A_339 = vector.broadcast %broadcast_in_dim3A_338 : i1 to vector<16xi1>
      %unique3A, %unique3A_340 = tpu.scan_count mask(%broadcast_in_dim3A_339 : vector<16xi1>) value(%and3A_337 : vector<16xi32>) : vector<16xi1>, vector<16xi32>
      tpu.vector_store_idx %arg12[%and3A_337], %unique3A_340 masked %unique3A {add = true} : memref<2048xi32, #tpu.memory_space<vmem>>[vector<16xi32>], vector<16xi32>, vector<16xi1>
    }
    %scan3A_243 = arith.constant 0 : i32
    %scan3A_244 = arith.constant 0 : i32
    %scan3A_245 = arith.constant 128 : i32
    %scan3A_246 = arith.addi %scan3A_244, %scan3A_245 : i32
    %scan3A_247 = arith.constant 1 : i32
    %scan3A_248 = scf.for %scan3A_328 = %scan3A_244 to %scan3A_246 step %scan3A_247 iter_args(%scan3A_329 = %scan3A_243) -> (i32)  : i32 {
      %mul3A_330 = arith.constant 1 : i32
      %mul3A_331 = arith.muli %scan3A_328, %mul3A_330 : i32
      %add3A_332 = arith.constant 0 : i32
      %add3A_333 = arith.addi %add3A_332, %mul3A_331 : i32
      %mul3A_334 = arith.constant 16 : i32
      %mul3A_335 = arith.muli %add3A_333, %mul3A_334 : i32
      %get3A = arith.index_cast %mul3A_335 : i32 to index
      %get3A_336 = tpu.vector_load %arg12[%get3A] {strides = array<i32>} : memref<2048xi32, #tpu.memory_space<vmem>>, vector<16xi32>,
      %broadcast_in_dim3A_337 = arith.constant true
      %broadcast_in_dim3A_338 = vector.broadcast %broadcast_in_dim3A_337 : i1 to vector<16xi1>
      %masked_cumsum3A = tpu.scan <sum>, %get3A_336 masked %broadcast_in_dim3A_338 : vector<16xi32>, vector<16xi1> -> vector<16xi32>
      %sub3A_339 = arith.subi %masked_cumsum3A, %get3A_336 : vector<16xi32>
      %add3A_340 = vector.broadcast %scan3A_329 : i32 to vector<16xi32>
      %add3A_341 = arith.addi %sub3A_339, %add3A_340 : vector<16xi32>
      %mul3A_342 = arith.constant 16 : i32
      %mul3A_343 = arith.muli %add3A_333, %mul3A_342 : i32
      %swap3A = arith.index_cast %mul3A_343 : i32 to index
      %swap3A_344 = tpu.vector_load %arg12[%swap3A] {strides = array<i32>} : memref<2048xi32, #tpu.memory_space<vmem>>, vector<16xi32>,
      tpu.vector_store %arg12[%swap3A], %add3A_341 {strides = array<i32>} : memref<2048xi32, #tpu.memory_space<vmem>>, vector<16xi32>,
      %reduce_sum3A = arith.constant true
      %reduce_sum3A_345 = vector.broadcast %reduce_sum3A : i1 to vector<16xi1>
      %reduce_sum3A_346 = tpu.scan <sum>, %get3A_336 masked %reduce_sum3A_345 : vector<16xi32>, vector<16xi1> -> vector<16xi32>
      %reduce_sum3A_347 = vector.extract %reduce_sum3A_346[15] : i32 from vector<16xi32>
      %add3A_348 = arith.addi %scan3A_329, %reduce_sum3A_347 : i32
      scf.yield %add3A_348 : i32
    }
    %scan3A_249 = arith.constant 128 : i32
    %sub3A_250 = arith.constant 0 : i32
    %sub3A_251 = arith.subi %mul3A_168, %sub3A_250 : i32
    %sub3A_252 = arith.constant 16 : i32
    %sub3A_253 = arith.constant 1 : i32
    %sub3A_254 = arith.subi %sub3A_252, %sub3A_253 : i32
    %add3A_255 = arith.addi %sub3A_251, %sub3A_254 : i32
    %div3A_256 = arith.constant 16 : i32
    %div3A_257 = arith.divsi %add3A_255, %div3A_256 : i32
    %while3A_258 = arith.constant 16 : i32
    %while3A_259 = arith.constant 0 : i32
    %while3A_260 = arith.constant 0 : i32
    %while3A_261 = arith.subi %div3A_257, %while3A_260 : i32
    %while3A_262 = arith.addi %while3A_260, %while3A_261 : i32
    %while3A_263 = arith.constant 1 : i32
    %while3A_264 = arith.divsi %while3A_261, %while3A_263 : i32
    %while3A_265 = arith.muli %while3A_264, %while3A_263 : i32
    %while3A_266 = arith.addi %while3A_260, %while3A_265 : i32
    %while3A_267 = arith.constant 1 : i32
    scf.for %while3A_328 = %while3A_260 to %while3A_266 step %while3A_267  : i32 {
      %mul3A_329 = arith.muli %while3A_328, %while3A_258 : i32
      %add3A_330 = arith.addi %while3A_259, %mul3A_329 : i32
      %get3A = arith.index_cast %add3A_330 : i32 to index
      %get3A_331 = tpu.vector_load %arg10[%get3A] {strides = array<i32>} : memref<8192xi32, #tpu.memory_space<vmem>>, vector<16xi32>,
      %get3A_332 = arith.index_cast %add3A_330 : i32 to index
      %get3A_333 = tpu.vector_load %arg9[%get3A_332] {strides = array<i32>} : memref<8208xi32, #tpu.memory_space<vmem>>, vector<16xi32>,
      %shift_right_arithmetic3A_334 = arith.constant 11 : i32
      %shift_right_arithmetic3A_335 = vector.broadcast %shift_right_arithmetic3A_334 : i32 to vector<16xi32>
      %shift_right_arithmetic3A_336 = arith.shrsi %get3A_331, %shift_right_arithmetic3A_335 : vector<16xi32>
      %and3A_337 = arith.constant 2047 : i32
      %and3A_338 = vector.broadcast %and3A_337 : i32 to vector<16xi32>
      %and3A_339 = arith.andi %shift_right_arithmetic3A_336, %and3A_338 : vector<16xi32>
      %broadcast_in_dim3A_340 = arith.constant true
      %broadcast_in_dim3A_341 = vector.broadcast %broadcast_in_dim3A_340 : i1 to vector<16xi1>
      %unique3A, %unique3A_342 = tpu.scan_count mask(%broadcast_in_dim3A_341 : vector<16xi1>) value(%and3A_339 : vector<16xi32>) : vector<16xi1>, vector<16xi32>
      %gather3A = tpu.vector_load_idx %arg12[%and3A_339] : memref<2048xi32, #tpu.memory_space<vmem>>[vector<16xi32>], vector<16xi32>,
      %add3A_343 = arith.addi %gather3A, %unique3A_342 : vector<16xi32>
      %sub3A_344 = arith.constant 1 : i32
      %sub3A_345 = vector.broadcast %sub3A_344 : i32 to vector<16xi32>
      %sub3A_346 = arith.subi %add3A_343, %sub3A_345 : vector<16xi32>
      tpu.vector_store_idx %arg7[%sub3A_346], %get3A_331 : memref<8192xi32, #tpu.memory_space<vmem>>[vector<16xi32>], vector<16xi32>,
      tpu.vector_store_idx %arg6[%sub3A_346], %get3A_333 : memref<8192xi32, #tpu.memory_space<vmem>>[vector<16xi32>], vector<16xi32>,
      tpu.vector_store_idx %arg12[%and3A_339], %unique3A_342 masked %unique3A {add = true} : memref<2048xi32, #tpu.memory_space<vmem>>[vector<16xi32>], vector<16xi32>, vector<16xi1>
    }
    %while3A_268 = arith.constant 1 : i32
    scf.for %while3A_328 = %while3A_266 to %while3A_262 step %while3A_268  : i32 {
      %mul3A_329 = arith.muli %while3A_328, %while3A_258 : i32
      %add3A_330 = arith.addi %while3A_259, %mul3A_329 : i32
      %get3A = arith.index_cast %add3A_330 : i32 to index
      %get3A_331 = tpu.vector_load %arg10[%get3A] {strides = array<i32>} : memref<8192xi32, #tpu.memory_space<vmem>>, vector<16xi32>,
      %get3A_332 = arith.index_cast %add3A_330 : i32 to index
      %get3A_333 = tpu.vector_load %arg9[%get3A_332] {strides = array<i32>} : memref<8208xi32, #tpu.memory_space<vmem>>, vector<16xi32>,
      %shift_right_arithmetic3A_334 = arith.constant 11 : i32
      %shift_right_arithmetic3A_335 = vector.broadcast %shift_right_arithmetic3A_334 : i32 to vector<16xi32>
      %shift_right_arithmetic3A_336 = arith.shrsi %get3A_331, %shift_right_arithmetic3A_335 : vector<16xi32>
      %and3A_337 = arith.constant 2047 : i32
      %and3A_338 = vector.broadcast %and3A_337 : i32 to vector<16xi32>
      %and3A_339 = arith.andi %shift_right_arithmetic3A_336, %and3A_338 : vector<16xi32>
      %broadcast_in_dim3A_340 = arith.constant true
      %broadcast_in_dim3A_341 = vector.broadcast %broadcast_in_dim3A_340 : i1 to vector<16xi1>
      %unique3A, %unique3A_342 = tpu.scan_count mask(%broadcast_in_dim3A_341 : vector<16xi1>) value(%and3A_339 : vector<16xi32>) : vector<16xi1>, vector<16xi32>
      %gather3A = tpu.vector_load_idx %arg12[%and3A_339] : memref<2048xi32, #tpu.memory_space<vmem>>[vector<16xi32>], vector<16xi32>,
      %add3A_343 = arith.addi %gather3A, %unique3A_342 : vector<16xi32>
      %sub3A_344 = arith.constant 1 : i32
      %sub3A_345 = vector.broadcast %sub3A_344 : i32 to vector<16xi32>
      %sub3A_346 = arith.subi %add3A_343, %sub3A_345 : vector<16xi32>
      tpu.vector_store_idx %arg7[%sub3A_346], %get3A_331 : memref<8192xi32, #tpu.memory_space<vmem>>[vector<16xi32>], vector<16xi32>,
      tpu.vector_store_idx %arg6[%sub3A_346], %get3A_333 : memref<8192xi32, #tpu.memory_space<vmem>>[vector<16xi32>], vector<16xi32>,
      tpu.vector_store_idx %arg12[%and3A_339], %unique3A_342 masked %unique3A {add = true} : memref<2048xi32, #tpu.memory_space<vmem>>[vector<16xi32>], vector<16xi32>, vector<16xi1>
    }
    %sub3A_269 = arith.constant 0 : i32
    %sub3A_270 = arith.subi %mul3A_168, %sub3A_269 : i32
    %sub3A_271 = arith.constant 16 : i32
    %sub3A_272 = arith.constant 1 : i32
    %sub3A_273 = arith.subi %sub3A_271, %sub3A_272 : i32
    %add3A_274 = arith.addi %sub3A_270, %sub3A_273 : i32
    %div3A_275 = arith.constant 16 : i32
    %div3A_276 = arith.divsi %add3A_274, %div3A_275 : i32
    %while3A_277 = arith.constant 16 : i32
    %while3A_278 = arith.constant 0 : i32
    %while3A_279 = arith.constant 0 : i32
    %while3A_280 = arith.constant 0 : i32
    %while3A_281 = arith.subi %div3A_276, %while3A_279 : i32
    %while3A_282 = arith.addi %while3A_279, %while3A_281 : i32
    %while3A_283 = arith.constant 1 : i32
    %while3A_284 = arith.divsi %while3A_281, %while3A_283 : i32
    %while3A_285 = arith.muli %while3A_284, %while3A_283 : i32
    %while3A_286 = arith.addi %while3A_279, %while3A_285 : i32
    %while3A_287 = arith.constant 1 : i32
    %while3A_288 = scf.for %while3A_328 = %while3A_279 to %while3A_286 step %while3A_287 iter_args(%while3A_329 = %while3A_280) -> (i32)  : i32 {
      %mul3A_330 = arith.muli %while3A_328, %while3A_277 : i32
      %add3A_331 = arith.addi %while3A_278, %mul3A_330 : i32
      %get3A = arith.index_cast %add3A_331 : i32 to index
      %get3A_332 = tpu.vector_load %arg6[%get3A] {strides = array<i32>} : memref<8192xi32, #tpu.memory_space<vmem>>, vector<16xi32>,
      %add3A_333 = vector.broadcast %add3A_331 : i32 to vector<16xi32>
      %add3A_334 = arith.addi %iota3A, %add3A_333 : vector<16xi32>
      %lt3A = vector.broadcast %scan3A_39 : i32 to vector<16xi32>
      %lt3A_335 = arith.cmpi slt, %add3A_334, %lt3A : vector<16xi32>
      %gather3A = tpu.vector_load_idx %arg11[%get3A_332] : memref<8208xi32, #tpu.memory_space<vmem>>[vector<16xi32>], vector<16xi32>,
      %add3A_336 = arith.constant 1 : i32
      %add3A_337 = vector.broadcast %add3A_336 : i32 to vector<16xi32>
      %add3A_338 = arith.addi %get3A_332, %add3A_337 : vector<16xi32>
      %gather3A_339 = tpu.vector_load_idx %arg11[%add3A_338] : memref<8208xi32, #tpu.memory_space<vmem>>[vector<16xi32>], vector<16xi32>,
      %sub3A_340 = arith.subi %gather3A_339, %gather3A : vector<16xi32>
      %jit3A_341 = arith.constant 0 : i32
      %broadcast_in_dim3A_342 = vector.broadcast %jit3A_341 : i32 to vector<16xi32>
      %select_n3A_343 = arith.select %lt3A_335, %sub3A_340, %broadcast_in_dim3A_342 : vector<16xi1>, vector<16xi32>
      %broadcast_in_dim3A_344 = arith.constant true
      %broadcast_in_dim3A_345 = vector.broadcast %broadcast_in_dim3A_344 : i1 to vector<16xi1>
      %masked_cumsum3A = tpu.scan <sum>, %select_n3A_343 masked %broadcast_in_dim3A_345 : vector<16xi32>, vector<16xi1> -> vector<16xi32>
      %sub3A_346 = arith.subi %masked_cumsum3A, %select_n3A_343 : vector<16xi32>
      %add3A_347 = vector.broadcast %while3A_329 : i32 to vector<16xi32>
      %add3A_348 = arith.addi %sub3A_346, %add3A_347 : vector<16xi32>
      %swap3A = arith.index_cast %add3A_331 : i32 to index
      %swap3A_349 = tpu.vector_load %arg13[%swap3A] {strides = array<i32>} : memref<8208xi32, #tpu.memory_space<vmem>>, vector<16xi32>,
      tpu.vector_store %arg13[%swap3A], %add3A_348 {strides = array<i32>} : memref<8208xi32, #tpu.memory_space<vmem>>, vector<16xi32>,
      %reduce_sum3A = arith.constant true
      %reduce_sum3A_350 = vector.broadcast %reduce_sum3A : i1 to vector<16xi1>
      %reduce_sum3A_351 = tpu.scan <sum>, %select_n3A_343 masked %reduce_sum3A_350 : vector<16xi32>, vector<16xi1> -> vector<16xi32>
      %reduce_sum3A_352 = vector.extract %reduce_sum3A_351[15] : i32 from vector<16xi32>
      %add3A_353 = arith.addi %while3A_329, %reduce_sum3A_352 : i32
      scf.yield %add3A_353 : i32
    }
    %while3A_289 = arith.constant 1 : i32
    %while3A_290 = scf.for %while3A_328 = %while3A_286 to %while3A_282 step %while3A_289 iter_args(%while3A_329 = %while3A_288) -> (i32)  : i32 {
      %mul3A_330 = arith.muli %while3A_328, %while3A_277 : i32
      %add3A_331 = arith.addi %while3A_278, %mul3A_330 : i32
      %get3A = arith.index_cast %add3A_331 : i32 to index
      %get3A_332 = tpu.vector_load %arg6[%get3A] {strides = array<i32>} : memref<8192xi32, #tpu.memory_space<vmem>>, vector<16xi32>,
      %add3A_333 = vector.broadcast %add3A_331 : i32 to vector<16xi32>
      %add3A_334 = arith.addi %iota3A, %add3A_333 : vector<16xi32>
      %lt3A = vector.broadcast %scan3A_39 : i32 to vector<16xi32>
      %lt3A_335 = arith.cmpi slt, %add3A_334, %lt3A : vector<16xi32>
      %gather3A = tpu.vector_load_idx %arg11[%get3A_332] : memref<8208xi32, #tpu.memory_space<vmem>>[vector<16xi32>], vector<16xi32>,
      %add3A_336 = arith.constant 1 : i32
      %add3A_337 = vector.broadcast %add3A_336 : i32 to vector<16xi32>
      %add3A_338 = arith.addi %get3A_332, %add3A_337 : vector<16xi32>
      %gather3A_339 = tpu.vector_load_idx %arg11[%add3A_338] : memref<8208xi32, #tpu.memory_space<vmem>>[vector<16xi32>], vector<16xi32>,
      %sub3A_340 = arith.subi %gather3A_339, %gather3A : vector<16xi32>
      %jit3A_341 = arith.constant 0 : i32
      %broadcast_in_dim3A_342 = vector.broadcast %jit3A_341 : i32 to vector<16xi32>
      %select_n3A_343 = arith.select %lt3A_335, %sub3A_340, %broadcast_in_dim3A_342 : vector<16xi1>, vector<16xi32>
      %broadcast_in_dim3A_344 = arith.constant true
      %broadcast_in_dim3A_345 = vector.broadcast %broadcast_in_dim3A_344 : i1 to vector<16xi1>
      %masked_cumsum3A = tpu.scan <sum>, %select_n3A_343 masked %broadcast_in_dim3A_345 : vector<16xi32>, vector<16xi1> -> vector<16xi32>
      %sub3A_346 = arith.subi %masked_cumsum3A, %select_n3A_343 : vector<16xi32>
      %add3A_347 = vector.broadcast %while3A_329 : i32 to vector<16xi32>
      %add3A_348 = arith.addi %sub3A_346, %add3A_347 : vector<16xi32>
      %swap3A = arith.index_cast %add3A_331 : i32 to index
      %swap3A_349 = tpu.vector_load %arg13[%swap3A] {strides = array<i32>} : memref<8208xi32, #tpu.memory_space<vmem>>, vector<16xi32>,
      tpu.vector_store %arg13[%swap3A], %add3A_348 {strides = array<i32>} : memref<8208xi32, #tpu.memory_space<vmem>>, vector<16xi32>,
      %reduce_sum3A = arith.constant true
      %reduce_sum3A_350 = vector.broadcast %reduce_sum3A : i1 to vector<16xi1>
      %reduce_sum3A_351 = tpu.scan <sum>, %select_n3A_343 masked %reduce_sum3A_350 : vector<16xi32>, vector<16xi1> -> vector<16xi32>
      %reduce_sum3A_352 = vector.extract %reduce_sum3A_351[15] : i32 from vector<16xi32>
      %add3A_353 = arith.addi %while3A_329, %reduce_sum3A_352 : i32
      scf.yield %add3A_353 : i32
    }
    %broadcast_in_dim3A_291 = arith.constant 0 : i32
    %broadcast_in_dim3A_292 = vector.broadcast %broadcast_in_dim3A_291 : i32 to vector<16xi32>
    %add3A_293 = vector.broadcast %scan3A_39 : i32 to vector<16xi32>
    %add3A_294 = arith.addi %broadcast_in_dim3A_292, %add3A_293 : vector<16xi32>
    %broadcast_in_dim3A_295 = arith.constant 8192 : i32
    %broadcast_in_dim3A_296 = vector.broadcast %broadcast_in_dim3A_295 : i32 to vector<16xi32>
    tpu.vector_store_idx %arg13[%add3A_294], %broadcast_in_dim3A_296 masked %eq3A_43 : memref<8208xi32, #tpu.memory_space<vmem>>[vector<16xi32>], vector<16xi32>, vector<16xi1>
    "tpu.region"() ({
      %run_scoped3A = tpu.sem_alloc : memref<!tpu.dma_semaphore, #tpu.memory_space<semaphore_mem>>
      %dma_start3A = arith.constant 0 : i32
      %dma_start3A_328 = tpu.memref_slice %arg17[%arg1, %dma_start3A] : memref<16x8192xi32, #tpu.memory_space<vmem_shared>> -> memref<1x8192xi32, #tpu.memory_space<vmem_shared>>
      %dma_start3A_329 = tpu.memref_squeeze %dma_start3A_328 : memref<1x8192xi32, #tpu.memory_space<vmem_shared>> -> memref<8192xi32, #tpu.memory_space<vmem_shared>>
      %dma_start3A_330 = arith.constant 0 : i32
      %dma_start3A_331 = tpu.memref_slice %arg17[%arg1, %dma_start3A_330] : memref<16x8192xi32, #tpu.memory_space<vmem_shared>> -> memref<1x8192xi32, #tpu.memory_space<vmem_shared>>
      %dma_start3A_332 = tpu.memref_squeeze %dma_start3A_331 : memref<1x8192xi32, #tpu.memory_space<vmem_shared>> -> memref<8192xi32, #tpu.memory_space<vmem_shared>>
      tpu.enqueue_dma source(%arg7 : memref<8192xi32, #tpu.memory_space<vmem>>) target(%dma_start3A_332 : memref<8192xi32, #tpu.memory_space<vmem_shared>>) target_semaphore(%run_scoped3A : memref<!tpu.dma_semaphore, #tpu.memory_space<semaphore_mem>>)
      %dma_wait3A = arith.constant 0 : i32
      %dma_wait3A_333 = tpu.memref_slice %arg17[%arg1, %dma_wait3A] : memref<16x8192xi32, #tpu.memory_space<vmem_shared>> -> memref<1x8192xi32, #tpu.memory_space<vmem_shared>>
      %dma_wait3A_334 = tpu.memref_squeeze %dma_wait3A_333 : memref<1x8192xi32, #tpu.memory_space<vmem_shared>> -> memref<8192xi32, #tpu.memory_space<vmem_shared>>
      %dma_wait3A_335 = arith.constant 0 : i32
      %dma_wait3A_336 = tpu.memref_slice %arg17[%arg1, %dma_wait3A_335] : memref<16x8192xi32, #tpu.memory_space<vmem_shared>> -> memref<1x8192xi32, #tpu.memory_space<vmem_shared>>
      %dma_wait3A_337 = tpu.memref_squeeze %dma_wait3A_336 : memref<1x8192xi32, #tpu.memory_space<vmem_shared>> -> memref<8192xi32, #tpu.memory_space<vmem_shared>>
      tpu.wait_dma2 semaphore(%run_scoped3A : memref<!tpu.dma_semaphore, #tpu.memory_space<semaphore_mem>>) src(%arg7 : memref<8192xi32, #tpu.memory_space<vmem>>) dst(%dma_wait3A_337 : memref<8192xi32, #tpu.memory_space<vmem_shared>>)
      tpu.yield
    }) : () -> ()
    "tpu.region"() ({
      %run_scoped3A = tpu.sem_alloc : memref<!tpu.dma_semaphore, #tpu.memory_space<semaphore_mem>>
      %dma_start3A = arith.constant 0 : i32
      %dma_start3A_328 = tpu.memref_slice %arg18[%arg1, %dma_start3A] : memref<16x8208xi32, #tpu.memory_space<vmem_shared>> -> memref<1x8208xi32, #tpu.memory_space<vmem_shared>>
      %dma_start3A_329 = tpu.memref_squeeze %dma_start3A_328 : memref<1x8208xi32, #tpu.memory_space<vmem_shared>> -> memref<8208xi32, #tpu.memory_space<vmem_shared>>
      %dma_start3A_330 = arith.constant 0 : i32
      %dma_start3A_331 = tpu.memref_slice %arg18[%arg1, %dma_start3A_330] : memref<16x8208xi32, #tpu.memory_space<vmem_shared>> -> memref<1x8208xi32, #tpu.memory_space<vmem_shared>>
      %dma_start3A_332 = tpu.memref_squeeze %dma_start3A_331 : memref<1x8208xi32, #tpu.memory_space<vmem_shared>> -> memref<8208xi32, #tpu.memory_space<vmem_shared>>
      tpu.enqueue_dma source(%arg13 : memref<8208xi32, #tpu.memory_space<vmem>>) target(%dma_start3A_332 : memref<8208xi32, #tpu.memory_space<vmem_shared>>) target_semaphore(%run_scoped3A : memref<!tpu.dma_semaphore, #tpu.memory_space<semaphore_mem>>)
      %dma_wait3A = arith.constant 0 : i32
      %dma_wait3A_333 = tpu.memref_slice %arg18[%arg1, %dma_wait3A] : memref<16x8208xi32, #tpu.memory_space<vmem_shared>> -> memref<1x8208xi32, #tpu.memory_space<vmem_shared>>
      %dma_wait3A_334 = tpu.memref_squeeze %dma_wait3A_333 : memref<1x8208xi32, #tpu.memory_space<vmem_shared>> -> memref<8208xi32, #tpu.memory_space<vmem_shared>>
      %dma_wait3A_335 = arith.constant 0 : i32
      %dma_wait3A_336 = tpu.memref_slice %arg18[%arg1, %dma_wait3A_335] : memref<16x8208xi32, #tpu.memory_space<vmem_shared>> -> memref<1x8208xi32, #tpu.memory_space<vmem_shared>>
      %dma_wait3A_337 = tpu.memref_squeeze %dma_wait3A_336 : memref<1x8208xi32, #tpu.memory_space<vmem_shared>> -> memref<8208xi32, #tpu.memory_space<vmem_shared>>
      tpu.wait_dma2 semaphore(%run_scoped3A : memref<!tpu.dma_semaphore, #tpu.memory_space<semaphore_mem>>) src(%arg13 : memref<8208xi32, #tpu.memory_space<vmem>>) dst(%dma_wait3A_337 : memref<8208xi32, #tpu.memory_space<vmem_shared>>)
      tpu.yield
    }) : () -> ()
    %barrier3A = arith.constant 0 : index
    tpu.barrier barrier_id(%barrier3A)
    %xor3A = arith.constant 1 : i32
    %xor3A_297 = arith.xori %arg1, %xor3A : i32
    "tpu.region"() ({
      %run_scoped3A = tpu.sem_alloc : memref<!tpu.dma_semaphore, #tpu.memory_space<semaphore_mem>>
      %dma_start3A = arith.constant 0 : i32
      %dma_start3A_328 = tpu.memref_slice %arg14[%dma_start3A] : memref<8208xi32, #tpu.memory_space<vmem>> -> memref<8192xi32, #tpu.memory_space<vmem>>
      %dma_start3A_329 = arith.constant 0 : i32
      %dma_start3A_330 = tpu.memref_slice %arg17[%xor3A_297, %dma_start3A_329] : memref<16x8192xi32, #tpu.memory_space<vmem_shared>> -> memref<1x8192xi32, #tpu.memory_space<vmem_shared>>
      %dma_start3A_331 = tpu.memref_squeeze %dma_start3A_330 : memref<1x8192xi32, #tpu.memory_space<vmem_shared>> -> memref<8192xi32, #tpu.memory_space<vmem_shared>>
      %dma_start3A_332 = arith.constant 0 : i32
      %dma_start3A_333 = tpu.memref_slice %arg14[%dma_start3A_332] : memref<8208xi32, #tpu.memory_space<vmem>> -> memref<8192xi32, #tpu.memory_space<vmem>>
      %dma_start3A_334 = arith.constant 0 : i32
      %dma_start3A_335 = tpu.memref_slice %arg17[%xor3A_297, %dma_start3A_334] : memref<16x8192xi32, #tpu.memory_space<vmem_shared>> -> memref<1x8192xi32, #tpu.memory_space<vmem_shared>>
      %dma_start3A_336 = tpu.memref_squeeze %dma_start3A_335 : memref<1x8192xi32, #tpu.memory_space<vmem_shared>> -> memref<8192xi32, #tpu.memory_space<vmem_shared>>
      tpu.enqueue_dma source(%dma_start3A_336 : memref<8192xi32, #tpu.memory_space<vmem_shared>>) target(%dma_start3A_333 : memref<8192xi32, #tpu.memory_space<vmem>>) target_semaphore(%run_scoped3A : memref<!tpu.dma_semaphore, #tpu.memory_space<semaphore_mem>>)
      %dma_wait3A = arith.constant 0 : i32
      %dma_wait3A_337 = tpu.memref_slice %arg14[%dma_wait3A] : memref<8208xi32, #tpu.memory_space<vmem>> -> memref<8192xi32, #tpu.memory_space<vmem>>
      %dma_wait3A_338 = arith.constant 0 : i32
      %dma_wait3A_339 = tpu.memref_slice %arg17[%xor3A_297, %dma_wait3A_338] : memref<16x8192xi32, #tpu.memory_space<vmem_shared>> -> memref<1x8192xi32, #tpu.memory_space<vmem_shared>>
      %dma_wait3A_340 = tpu.memref_squeeze %dma_wait3A_339 : memref<1x8192xi32, #tpu.memory_space<vmem_shared>> -> memref<8192xi32, #tpu.memory_space<vmem_shared>>
      %dma_wait3A_341 = arith.constant 0 : i32
      %dma_wait3A_342 = tpu.memref_slice %arg14[%dma_wait3A_341] : memref<8208xi32, #tpu.memory_space<vmem>> -> memref<8192xi32, #tpu.memory_space<vmem>>
      %dma_wait3A_343 = arith.constant 0 : i32
      %dma_wait3A_344 = tpu.memref_slice %arg17[%xor3A_297, %dma_wait3A_343] : memref<16x8192xi32, #tpu.memory_space<vmem_shared>> -> memref<1x8192xi32, #tpu.memory_space<vmem_shared>>
      %dma_wait3A_345 = tpu.memref_squeeze %dma_wait3A_344 : memref<1x8192xi32, #tpu.memory_space<vmem_shared>> -> memref<8192xi32, #tpu.memory_space<vmem_shared>>
      tpu.wait_dma2 semaphore(%run_scoped3A : memref<!tpu.dma_semaphore, #tpu.memory_space<semaphore_mem>>) src(%dma_wait3A_345 : memref<8192xi32, #tpu.memory_space<vmem_shared>>) dst(%dma_wait3A_342 : memref<8192xi32, #tpu.memory_space<vmem>>)
      tpu.yield
    }) : () -> ()
    "tpu.region"() ({
      %run_scoped3A = tpu.sem_alloc : memref<!tpu.dma_semaphore, #tpu.memory_space<semaphore_mem>>
      %dma_start3A = arith.constant 0 : i32
      %dma_start3A_328 = tpu.memref_slice %arg18[%xor3A_297, %dma_start3A] : memref<16x8208xi32, #tpu.memory_space<vmem_shared>> -> memref<1x8208xi32, #tpu.memory_space<vmem_shared>>
      %dma_start3A_329 = tpu.memref_squeeze %dma_start3A_328 : memref<1x8208xi32, #tpu.memory_space<vmem_shared>> -> memref<8208xi32, #tpu.memory_space<vmem_shared>>
      %dma_start3A_330 = arith.constant 0 : i32
      %dma_start3A_331 = tpu.memref_slice %arg18[%xor3A_297, %dma_start3A_330] : memref<16x8208xi32, #tpu.memory_space<vmem_shared>> -> memref<1x8208xi32, #tpu.memory_space<vmem_shared>>
      %dma_start3A_332 = tpu.memref_squeeze %dma_start3A_331 : memref<1x8208xi32, #tpu.memory_space<vmem_shared>> -> memref<8208xi32, #tpu.memory_space<vmem_shared>>
      tpu.enqueue_dma source(%dma_start3A_332 : memref<8208xi32, #tpu.memory_space<vmem_shared>>) target(%arg15 : memref<8208xi32, #tpu.memory_space<vmem>>) target_semaphore(%run_scoped3A : memref<!tpu.dma_semaphore, #tpu.memory_space<semaphore_mem>>)
      %dma_wait3A = arith.constant 0 : i32
      %dma_wait3A_333 = tpu.memref_slice %arg18[%xor3A_297, %dma_wait3A] : memref<16x8208xi32, #tpu.memory_space<vmem_shared>> -> memref<1x8208xi32, #tpu.memory_space<vmem_shared>>
      %dma_wait3A_334 = tpu.memref_squeeze %dma_wait3A_333 : memref<1x8208xi32, #tpu.memory_space<vmem_shared>> -> memref<8208xi32, #tpu.memory_space<vmem_shared>>
      %dma_wait3A_335 = arith.constant 0 : i32
      %dma_wait3A_336 = tpu.memref_slice %arg18[%xor3A_297, %dma_wait3A_335] : memref<16x8208xi32, #tpu.memory_space<vmem_shared>> -> memref<1x8208xi32, #tpu.memory_space<vmem_shared>>
      %dma_wait3A_337 = tpu.memref_squeeze %dma_wait3A_336 : memref<1x8208xi32, #tpu.memory_space<vmem_shared>> -> memref<8208xi32, #tpu.memory_space<vmem_shared>>
      tpu.wait_dma2 semaphore(%run_scoped3A : memref<!tpu.dma_semaphore, #tpu.memory_space<semaphore_mem>>) src(%dma_wait3A_337 : memref<8208xi32, #tpu.memory_space<vmem_shared>>) dst(%arg15 : memref<8208xi32, #tpu.memory_space<vmem>>)
      tpu.yield
    }) : () -> ()
    %sub3A_298 = arith.constant 0 : i32
    %sub3A_299 = arith.subi %mul3A_168, %sub3A_298 : i32
    %sub3A_300 = arith.constant 16 : i32
    %sub3A_301 = arith.constant 1 : i32
    %sub3A_302 = arith.subi %sub3A_300, %sub3A_301 : i32
    %add3A_303 = arith.addi %sub3A_299, %sub3A_302 : i32
    %div3A_304 = arith.constant 16 : i32
    %div3A_305 = arith.divsi %add3A_303, %div3A_304 : i32
    %while3A_306 = arith.constant 16 : i32
    %while3A_307 = arith.constant 0 : i32
    %while3A_308 = arith.constant 0 : i32
    %while3A_309 = arith.subi %div3A_305, %while3A_308 : i32
    %while3A_310 = arith.addi %while3A_308, %while3A_309 : i32
    %while3A_311 = arith.constant 1 : i32
    %while3A_312 = arith.divsi %while3A_309, %while3A_311 : i32
    %while3A_313 = arith.muli %while3A_312, %while3A_311 : i32
    %while3A_314 = arith.addi %while3A_308, %while3A_313 : i32
    %while3A_315 = arith.constant 1 : i32
    scf.for %while3A_328 = %while3A_308 to %while3A_314 step %while3A_315  : i32 {
      %mul3A_329 = arith.muli %while3A_328, %while3A_306 : i32
      %add3A_330 = arith.addi %while3A_307, %mul3A_329 : i32
      %get3A = arith.index_cast %add3A_330 : i32 to index
      %get3A_331 = tpu.vector_load %arg7[%get3A] {strides = array<i32>} : memref<8192xi32, #tpu.memory_space<vmem>>, vector<16xi32>,
      %add3A_332 = vector.broadcast %and3A_0 : i32 to vector<16xi32>
      %add3A_333 = arith.addi %get3A_331, %add3A_332 : vector<16xi32>
      %add3A_334 = vector.broadcast %add3A_330 : i32 to vector<16xi32>
      %add3A_335 = arith.addi %iota3A, %add3A_334 : vector<16xi32>
      %lt3A = vector.broadcast %scan3A_39 : i32 to vector<16xi32>
      %lt3A_336 = arith.cmpi slt, %add3A_335, %lt3A : vector<16xi32>
      %broadcast_in_dim3A_337 = arith.constant 0 : i32
      %broadcast_in_dim3A_338 = vector.broadcast %broadcast_in_dim3A_337 : i32 to vector<16xi32>
      %broadcast_in_dim3A_339 = arith.constant 8192 : i32
      %broadcast_in_dim3A_340 = vector.broadcast %broadcast_in_dim3A_339 : i32 to vector<16xi32>
      %lt3A_341 = arith.cmpi slt, %broadcast_in_dim3A_338, %broadcast_in_dim3A_340 : vector<16xi32>
      %add3A_342 = arith.addi %broadcast_in_dim3A_338, %broadcast_in_dim3A_340 : vector<16xi32>
      %shift_right_arithmetic3A_343 = arith.constant 1 : i32
      %shift_right_arithmetic3A_344 = vector.broadcast %shift_right_arithmetic3A_343 : i32 to vector<16xi32>
      %shift_right_arithmetic3A_345 = arith.shrsi %add3A_342, %shift_right_arithmetic3A_344 : vector<16xi32>
      %gather3A = tpu.vector_load_idx %arg14[%shift_right_arithmetic3A_345] : memref<8208xi32, #tpu.memory_space<vmem>>[vector<16xi32>], vector<16xi32>,
      %lt3A_346 = arith.cmpi slt, %gather3A, %add3A_333 : vector<16xi32>
      %and3A_347 = arith.andi %lt3A_341, %lt3A_346 : vector<16xi1>
      %add3A_348 = arith.constant 1 : i32
      %add3A_349 = vector.broadcast %add3A_348 : i32 to vector<16xi32>
      %add3A_350 = arith.addi %shift_right_arithmetic3A_345, %add3A_349 : vector<16xi32>
      %select_n3A_351 = arith.select %and3A_347, %add3A_350, %broadcast_in_dim3A_338 : vector<16xi1>, vector<16xi32>
      %not3A = arith.constant dense<true> : vector<16xi1>
      %not3A_352 = arith.xori %lt3A_346, %not3A : vector<16xi1>
      %and3A_353 = arith.andi %lt3A_341, %not3A_352 : vector<16xi1>
      %select_n3A_354 = arith.select %and3A_353, %shift_right_arithmetic3A_345, %broadcast_in_dim3A_340 : vector<16xi1>, vector<16xi32>
      %lt3A_355 = arith.cmpi slt, %select_n3A_351, %select_n3A_354 : vector<16xi32>
      %add3A_356 = arith.addi %select_n3A_351, %select_n3A_354 : vector<16xi32>
      %shift_right_arithmetic3A_357 = arith.constant 1 : i32
      %shift_right_arithmetic3A_358 = vector.broadcast %shift_right_arithmetic3A_357 : i32 to vector<16xi32>
      %shift_right_arithmetic3A_359 = arith.shrsi %add3A_356, %shift_right_arithmetic3A_358 : vector<16xi32>
      %gather3A_360 = tpu.vector_load_idx %arg14[%shift_right_arithmetic3A_359] : memref<8208xi32, #tpu.memory_space<vmem>>[vector<16xi32>], vector<16xi32>,
      %lt3A_361 = arith.cmpi slt, %gather3A_360, %add3A_333 : vector<16xi32>
      %and3A_362 = arith.andi %lt3A_355, %lt3A_361 : vector<16xi1>
      %add3A_363 = arith.constant 1 : i32
      %add3A_364 = vector.broadcast %add3A_363 : i32 to vector<16xi32>
      %add3A_365 = arith.addi %shift_right_arithmetic3A_359, %add3A_364 : vector<16xi32>
      %select_n3A_366 = arith.select %and3A_362, %add3A_365, %select_n3A_351 : vector<16xi1>, vector<16xi32>
      %not3A_367 = arith.constant dense<true> : vector<16xi1>
      %not3A_368 = arith.xori %lt3A_361, %not3A_367 : vector<16xi1>
      %and3A_369 = arith.andi %lt3A_355, %not3A_368 : vector<16xi1>
      %select_n3A_370 = arith.select %and3A_369, %shift_right_arithmetic3A_359, %select_n3A_354 : vector<16xi1>, vector<16xi32>
      %lt3A_371 = arith.cmpi slt, %select_n3A_366, %select_n3A_370 : vector<16xi32>
      %add3A_372 = arith.addi %select_n3A_366, %select_n3A_370 : vector<16xi32>
      %shift_right_arithmetic3A_373 = arith.constant 1 : i32
      %shift_right_arithmetic3A_374 = vector.broadcast %shift_right_arithmetic3A_373 : i32 to vector<16xi32>
      %shift_right_arithmetic3A_375 = arith.shrsi %add3A_372, %shift_right_arithmetic3A_374 : vector<16xi32>
      %gather3A_376 = tpu.vector_load_idx %arg14[%shift_right_arithmetic3A_375] : memref<8208xi32, #tpu.memory_space<vmem>>[vector<16xi32>], vector<16xi32>,
      %lt3A_377 = arith.cmpi slt, %gather3A_376, %add3A_333 : vector<16xi32>
      %and3A_378 = arith.andi %lt3A_371, %lt3A_377 : vector<16xi1>
      %add3A_379 = arith.constant 1 : i32
      %add3A_380 = vector.broadcast %add3A_379 : i32 to vector<16xi32>
      %add3A_381 = arith.addi %shift_right_arithmetic3A_375, %add3A_380 : vector<16xi32>
      %select_n3A_382 = arith.select %and3A_378, %add3A_381, %select_n3A_366 : vector<16xi1>, vector<16xi32>
      %not3A_383 = arith.constant dense<true> : vector<16xi1>
      %not3A_384 = arith.xori %lt3A_377, %not3A_383 : vector<16xi1>
      %and3A_385 = arith.andi %lt3A_371, %not3A_384 : vector<16xi1>
      %select_n3A_386 = arith.select %and3A_385, %shift_right_arithmetic3A_375, %select_n3A_370 : vector<16xi1>, vector<16xi32>
      %lt3A_387 = arith.cmpi slt, %select_n3A_382, %select_n3A_386 : vector<16xi32>
      %add3A_388 = arith.addi %select_n3A_382, %select_n3A_386 : vector<16xi32>
      %shift_right_arithmetic3A_389 = arith.constant 1 : i32
      %shift_right_arithmetic3A_390 = vector.broadcast %shift_right_arithmetic3A_389 : i32 to vector<16xi32>
      %shift_right_arithmetic3A_391 = arith.shrsi %add3A_388, %shift_right_arithmetic3A_390 : vector<16xi32>
      %gather3A_392 = tpu.vector_load_idx %arg14[%shift_right_arithmetic3A_391] : memref<8208xi32, #tpu.memory_space<vmem>>[vector<16xi32>], vector<16xi32>,
      %lt3A_393 = arith.cmpi slt, %gather3A_392, %add3A_333 : vector<16xi32>
      %and3A_394 = arith.andi %lt3A_387, %lt3A_393 : vector<16xi1>
      %add3A_395 = arith.constant 1 : i32
      %add3A_396 = vector.broadcast %add3A_395 : i32 to vector<16xi32>
      %add3A_397 = arith.addi %shift_right_arithmetic3A_391, %add3A_396 : vector<16xi32>
      %select_n3A_398 = arith.select %and3A_394, %add3A_397, %select_n3A_382 : vector<16xi1>, vector<16xi32>
      %not3A_399 = arith.constant dense<true> : vector<16xi1>
      %not3A_400 = arith.xori %lt3A_393, %not3A_399 : vector<16xi1>
      %and3A_401 = arith.andi %lt3A_387, %not3A_400 : vector<16xi1>
      %select_n3A_402 = arith.select %and3A_401, %shift_right_arithmetic3A_391, %select_n3A_386 : vector<16xi1>, vector<16xi32>
      %lt3A_403 = arith.cmpi slt, %select_n3A_398, %select_n3A_402 : vector<16xi32>
      %add3A_404 = arith.addi %select_n3A_398, %select_n3A_402 : vector<16xi32>
      %shift_right_arithmetic3A_405 = arith.constant 1 : i32
      %shift_right_arithmetic3A_406 = vector.broadcast %shift_right_arithmetic3A_405 : i32 to vector<16xi32>
      %shift_right_arithmetic3A_407 = arith.shrsi %add3A_404, %shift_right_arithmetic3A_406 : vector<16xi32>
      %gather3A_408 = tpu.vector_load_idx %arg14[%shift_right_arithmetic3A_407] : memref<8208xi32, #tpu.memory_space<vmem>>[vector<16xi32>], vector<16xi32>,
      %lt3A_409 = arith.cmpi slt, %gather3A_408, %add3A_333 : vector<16xi32>
      %and3A_410 = arith.andi %lt3A_403, %lt3A_409 : vector<16xi1>
      %add3A_411 = arith.constant 1 : i32
      %add3A_412 = vector.broadcast %add3A_411 : i32 to vector<16xi32>
      %add3A_413 = arith.addi %shift_right_arithmetic3A_407, %add3A_412 : vector<16xi32>
      %select_n3A_414 = arith.select %and3A_410, %add3A_413, %select_n3A_398 : vector<16xi1>, vector<16xi32>
      %not3A_415 = arith.constant dense<true> : vector<16xi1>
      %not3A_416 = arith.xori %lt3A_409, %not3A_415 : vector<16xi1>
      %and3A_417 = arith.andi %lt3A_403, %not3A_416 : vector<16xi1>
      %select_n3A_418 = arith.select %and3A_417, %shift_right_arithmetic3A_407, %select_n3A_402 : vector<16xi1>, vector<16xi32>
      %lt3A_419 = arith.cmpi slt, %select_n3A_414, %select_n3A_418 : vector<16xi32>
      %add3A_420 = arith.addi %select_n3A_414, %select_n3A_418 : vector<16xi32>
      %shift_right_arithmetic3A_421 = arith.constant 1 : i32
      %shift_right_arithmetic3A_422 = vector.broadcast %shift_right_arithmetic3A_421 : i32 to vector<16xi32>
      %shift_right_arithmetic3A_423 = arith.shrsi %add3A_420, %shift_right_arithmetic3A_422 : vector<16xi32>
      %gather3A_424 = tpu.vector_load_idx %arg14[%shift_right_arithmetic3A_423] : memref<8208xi32, #tpu.memory_space<vmem>>[vector<16xi32>], vector<16xi32>,
      %lt3A_425 = arith.cmpi slt, %gather3A_424, %add3A_333 : vector<16xi32>
      %and3A_426 = arith.andi %lt3A_419, %lt3A_425 : vector<16xi1>
      %add3A_427 = arith.constant 1 : i32
      %add3A_428 = vector.broadcast %add3A_427 : i32 to vector<16xi32>
      %add3A_429 = arith.addi %shift_right_arithmetic3A_423, %add3A_428 : vector<16xi32>
      %select_n3A_430 = arith.select %and3A_426, %add3A_429, %select_n3A_414 : vector<16xi1>, vector<16xi32>
      %not3A_431 = arith.constant dense<true> : vector<16xi1>
      %not3A_432 = arith.xori %lt3A_425, %not3A_431 : vector<16xi1>
      %and3A_433 = arith.andi %lt3A_419, %not3A_432 : vector<16xi1>
      %select_n3A_434 = arith.select %and3A_433, %shift_right_arithmetic3A_423, %select_n3A_418 : vector<16xi1>, vector<16xi32>
      %lt3A_435 = arith.cmpi slt, %select_n3A_430, %select_n3A_434 : vector<16xi32>
      %add3A_436 = arith.addi %select_n3A_430, %select_n3A_434 : vector<16xi32>
      %shift_right_arithmetic3A_437 = arith.constant 1 : i32
      %shift_right_arithmetic3A_438 = vector.broadcast %shift_right_arithmetic3A_437 : i32 to vector<16xi32>
      %shift_right_arithmetic3A_439 = arith.shrsi %add3A_436, %shift_right_arithmetic3A_438 : vector<16xi32>
      %gather3A_440 = tpu.vector_load_idx %arg14[%shift_right_arithmetic3A_439] : memref<8208xi32, #tpu.memory_space<vmem>>[vector<16xi32>], vector<16xi32>,
      %lt3A_441 = arith.cmpi slt, %gather3A_440, %add3A_333 : vector<16xi32>
      %and3A_442 = arith.andi %lt3A_435, %lt3A_441 : vector<16xi1>
      %add3A_443 = arith.constant 1 : i32
      %add3A_444 = vector.broadcast %add3A_443 : i32 to vector<16xi32>
      %add3A_445 = arith.addi %shift_right_arithmetic3A_439, %add3A_444 : vector<16xi32>
      %select_n3A_446 = arith.select %and3A_442, %add3A_445, %select_n3A_430 : vector<16xi1>, vector<16xi32>
      %not3A_447 = arith.constant dense<true> : vector<16xi1>
      %not3A_448 = arith.xori %lt3A_441, %not3A_447 : vector<16xi1>
      %and3A_449 = arith.andi %lt3A_435, %not3A_448 : vector<16xi1>
      %select_n3A_450 = arith.select %and3A_449, %shift_right_arithmetic3A_439, %select_n3A_434 : vector<16xi1>, vector<16xi32>
      %lt3A_451 = arith.cmpi slt, %select_n3A_446, %select_n3A_450 : vector<16xi32>
      %add3A_452 = arith.addi %select_n3A_446, %select_n3A_450 : vector<16xi32>
      %shift_right_arithmetic3A_453 = arith.constant 1 : i32
      %shift_right_arithmetic3A_454 = vector.broadcast %shift_right_arithmetic3A_453 : i32 to vector<16xi32>
      %shift_right_arithmetic3A_455 = arith.shrsi %add3A_452, %shift_right_arithmetic3A_454 : vector<16xi32>
      %gather3A_456 = tpu.vector_load_idx %arg14[%shift_right_arithmetic3A_455] : memref<8208xi32, #tpu.memory_space<vmem>>[vector<16xi32>], vector<16xi32>,
      %lt3A_457 = arith.cmpi slt, %gather3A_456, %add3A_333 : vector<16xi32>
      %and3A_458 = arith.andi %lt3A_451, %lt3A_457 : vector<16xi1>
      %add3A_459 = arith.constant 1 : i32
      %add3A_460 = vector.broadcast %add3A_459 : i32 to vector<16xi32>
      %add3A_461 = arith.addi %shift_right_arithmetic3A_455, %add3A_460 : vector<16xi32>
      %select_n3A_462 = arith.select %and3A_458, %add3A_461, %select_n3A_446 : vector<16xi1>, vector<16xi32>
      %not3A_463 = arith.constant dense<true> : vector<16xi1>
      %not3A_464 = arith.xori %lt3A_457, %not3A_463 : vector<16xi1>
      %and3A_465 = arith.andi %lt3A_451, %not3A_464 : vector<16xi1>
      %select_n3A_466 = arith.select %and3A_465, %shift_right_arithmetic3A_455, %select_n3A_450 : vector<16xi1>, vector<16xi32>
      %lt3A_467 = arith.cmpi slt, %select_n3A_462, %select_n3A_466 : vector<16xi32>
      %add3A_468 = arith.addi %select_n3A_462, %select_n3A_466 : vector<16xi32>
      %shift_right_arithmetic3A_469 = arith.constant 1 : i32
      %shift_right_arithmetic3A_470 = vector.broadcast %shift_right_arithmetic3A_469 : i32 to vector<16xi32>
      %shift_right_arithmetic3A_471 = arith.shrsi %add3A_468, %shift_right_arithmetic3A_470 : vector<16xi32>
      %gather3A_472 = tpu.vector_load_idx %arg14[%shift_right_arithmetic3A_471] : memref<8208xi32, #tpu.memory_space<vmem>>[vector<16xi32>], vector<16xi32>,
      %lt3A_473 = arith.cmpi slt, %gather3A_472, %add3A_333 : vector<16xi32>
      %and3A_474 = arith.andi %lt3A_467, %lt3A_473 : vector<16xi1>
      %add3A_475 = arith.constant 1 : i32
      %add3A_476 = vector.broadcast %add3A_475 : i32 to vector<16xi32>
      %add3A_477 = arith.addi %shift_right_arithmetic3A_471, %add3A_476 : vector<16xi32>
      %select_n3A_478 = arith.select %and3A_474, %add3A_477, %select_n3A_462 : vector<16xi1>, vector<16xi32>
      %not3A_479 = arith.constant dense<true> : vector<16xi1>
      %not3A_480 = arith.xori %lt3A_473, %not3A_479 : vector<16xi1>
      %and3A_481 = arith.andi %lt3A_467, %not3A_480 : vector<16xi1>
      %select_n3A_482 = arith.select %and3A_481, %shift_right_arithmetic3A_471, %select_n3A_466 : vector<16xi1>, vector<16xi32>
      %lt3A_483 = arith.cmpi slt, %select_n3A_478, %select_n3A_482 : vector<16xi32>
      %add3A_484 = arith.addi %select_n3A_478, %select_n3A_482 : vector<16xi32>
      %shift_right_arithmetic3A_485 = arith.constant 1 : i32
      %shift_right_arithmetic3A_486 = vector.broadcast %shift_right_arithmetic3A_485 : i32 to vector<16xi32>
      %shift_right_arithmetic3A_487 = arith.shrsi %add3A_484, %shift_right_arithmetic3A_486 : vector<16xi32>
      %gather3A_488 = tpu.vector_load_idx %arg14[%shift_right_arithmetic3A_487] : memref<8208xi32, #tpu.memory_space<vmem>>[vector<16xi32>], vector<16xi32>,
      %lt3A_489 = arith.cmpi slt, %gather3A_488, %add3A_333 : vector<16xi32>
      %and3A_490 = arith.andi %lt3A_483, %lt3A_489 : vector<16xi1>
      %add3A_491 = arith.constant 1 : i32
      %add3A_492 = vector.broadcast %add3A_491 : i32 to vector<16xi32>
      %add3A_493 = arith.addi %shift_right_arithmetic3A_487, %add3A_492 : vector<16xi32>
      %select_n3A_494 = arith.select %and3A_490, %add3A_493, %select_n3A_478 : vector<16xi1>, vector<16xi32>
      %not3A_495 = arith.constant dense<true> : vector<16xi1>
      %not3A_496 = arith.xori %lt3A_489, %not3A_495 : vector<16xi1>
      %and3A_497 = arith.andi %lt3A_483, %not3A_496 : vector<16xi1>
      %select_n3A_498 = arith.select %and3A_497, %shift_right_arithmetic3A_487, %select_n3A_482 : vector<16xi1>, vector<16xi32>
      %lt3A_499 = arith.cmpi slt, %select_n3A_494, %select_n3A_498 : vector<16xi32>
      %add3A_500 = arith.addi %select_n3A_494, %select_n3A_498 : vector<16xi32>
      %shift_right_arithmetic3A_501 = arith.constant 1 : i32
      %shift_right_arithmetic3A_502 = vector.broadcast %shift_right_arithmetic3A_501 : i32 to vector<16xi32>
      %shift_right_arithmetic3A_503 = arith.shrsi %add3A_500, %shift_right_arithmetic3A_502 : vector<16xi32>
      %gather3A_504 = tpu.vector_load_idx %arg14[%shift_right_arithmetic3A_503] : memref<8208xi32, #tpu.memory_space<vmem>>[vector<16xi32>], vector<16xi32>,
      %lt3A_505 = arith.cmpi slt, %gather3A_504, %add3A_333 : vector<16xi32>
      %and3A_506 = arith.andi %lt3A_499, %lt3A_505 : vector<16xi1>
      %add3A_507 = arith.constant 1 : i32
      %add3A_508 = vector.broadcast %add3A_507 : i32 to vector<16xi32>
      %add3A_509 = arith.addi %shift_right_arithmetic3A_503, %add3A_508 : vector<16xi32>
      %select_n3A_510 = arith.select %and3A_506, %add3A_509, %select_n3A_494 : vector<16xi1>, vector<16xi32>
      %not3A_511 = arith.constant dense<true> : vector<16xi1>
      %not3A_512 = arith.xori %lt3A_505, %not3A_511 : vector<16xi1>
      %and3A_513 = arith.andi %lt3A_499, %not3A_512 : vector<16xi1>
      %select_n3A_514 = arith.select %and3A_513, %shift_right_arithmetic3A_503, %select_n3A_498 : vector<16xi1>, vector<16xi32>
      %lt3A_515 = arith.cmpi slt, %select_n3A_510, %select_n3A_514 : vector<16xi32>
      %add3A_516 = arith.addi %select_n3A_510, %select_n3A_514 : vector<16xi32>
      %shift_right_arithmetic3A_517 = arith.constant 1 : i32
      %shift_right_arithmetic3A_518 = vector.broadcast %shift_right_arithmetic3A_517 : i32 to vector<16xi32>
      %shift_right_arithmetic3A_519 = arith.shrsi %add3A_516, %shift_right_arithmetic3A_518 : vector<16xi32>
      %gather3A_520 = tpu.vector_load_idx %arg14[%shift_right_arithmetic3A_519] : memref<8208xi32, #tpu.memory_space<vmem>>[vector<16xi32>], vector<16xi32>,
      %lt3A_521 = arith.cmpi slt, %gather3A_520, %add3A_333 : vector<16xi32>
      %and3A_522 = arith.andi %lt3A_515, %lt3A_521 : vector<16xi1>
      %add3A_523 = arith.constant 1 : i32
      %add3A_524 = vector.broadcast %add3A_523 : i32 to vector<16xi32>
      %add3A_525 = arith.addi %shift_right_arithmetic3A_519, %add3A_524 : vector<16xi32>
      %select_n3A_526 = arith.select %and3A_522, %add3A_525, %select_n3A_510 : vector<16xi1>, vector<16xi32>
      %not3A_527 = arith.constant dense<true> : vector<16xi1>
      %not3A_528 = arith.xori %lt3A_521, %not3A_527 : vector<16xi1>
      %and3A_529 = arith.andi %lt3A_515, %not3A_528 : vector<16xi1>
      %select_n3A_530 = arith.select %and3A_529, %shift_right_arithmetic3A_519, %select_n3A_514 : vector<16xi1>, vector<16xi32>
      %lt3A_531 = arith.cmpi slt, %select_n3A_526, %select_n3A_530 : vector<16xi32>
      %add3A_532 = arith.addi %select_n3A_526, %select_n3A_530 : vector<16xi32>
      %shift_right_arithmetic3A_533 = arith.constant 1 : i32
      %shift_right_arithmetic3A_534 = vector.broadcast %shift_right_arithmetic3A_533 : i32 to vector<16xi32>
      %shift_right_arithmetic3A_535 = arith.shrsi %add3A_532, %shift_right_arithmetic3A_534 : vector<16xi32>
      %gather3A_536 = tpu.vector_load_idx %arg14[%shift_right_arithmetic3A_535] : memref<8208xi32, #tpu.memory_space<vmem>>[vector<16xi32>], vector<16xi32>,
      %lt3A_537 = arith.cmpi slt, %gather3A_536, %add3A_333 : vector<16xi32>
      %and3A_538 = arith.andi %lt3A_531, %lt3A_537 : vector<16xi1>
      %add3A_539 = arith.constant 1 : i32
      %add3A_540 = vector.broadcast %add3A_539 : i32 to vector<16xi32>
      %add3A_541 = arith.addi %shift_right_arithmetic3A_535, %add3A_540 : vector<16xi32>
      %select_n3A_542 = arith.select %and3A_538, %add3A_541, %select_n3A_526 : vector<16xi1>, vector<16xi32>
      %not3A_543 = arith.constant dense<true> : vector<16xi1>
      %not3A_544 = arith.xori %lt3A_537, %not3A_543 : vector<16xi1>
      %and3A_545 = arith.andi %lt3A_531, %not3A_544 : vector<16xi1>
      %select_n3A_546 = arith.select %and3A_545, %shift_right_arithmetic3A_535, %select_n3A_530 : vector<16xi1>, vector<16xi32>
      %lt3A_547 = arith.cmpi slt, %select_n3A_542, %select_n3A_546 : vector<16xi32>
      %add3A_548 = arith.addi %select_n3A_542, %select_n3A_546 : vector<16xi32>
      %shift_right_arithmetic3A_549 = arith.constant 1 : i32
      %shift_right_arithmetic3A_550 = vector.broadcast %shift_right_arithmetic3A_549 : i32 to vector<16xi32>
      %shift_right_arithmetic3A_551 = arith.shrsi %add3A_548, %shift_right_arithmetic3A_550 : vector<16xi32>
      %gather3A_552 = tpu.vector_load_idx %arg14[%shift_right_arithmetic3A_551] : memref<8208xi32, #tpu.memory_space<vmem>>[vector<16xi32>], vector<16xi32>,
      %lt3A_553 = arith.cmpi slt, %gather3A_552, %add3A_333 : vector<16xi32>
      %and3A_554 = arith.andi %lt3A_547, %lt3A_553 : vector<16xi1>
      %add3A_555 = arith.constant 1 : i32
      %add3A_556 = vector.broadcast %add3A_555 : i32 to vector<16xi32>
      %add3A_557 = arith.addi %shift_right_arithmetic3A_551, %add3A_556 : vector<16xi32>
      %select_n3A_558 = arith.select %and3A_554, %add3A_557, %select_n3A_542 : vector<16xi1>, vector<16xi32>
      %not3A_559 = arith.constant dense<true> : vector<16xi1>
      %not3A_560 = arith.xori %lt3A_553, %not3A_559 : vector<16xi1>
      %and3A_561 = arith.andi %lt3A_547, %not3A_560 : vector<16xi1>
      %select_n3A_562 = arith.select %and3A_561, %shift_right_arithmetic3A_551, %select_n3A_546 : vector<16xi1>, vector<16xi32>
      %get3A_563 = arith.index_cast %add3A_330 : i32 to index
      %get3A_564 = tpu.vector_load %arg13[%get3A_563] {strides = array<i32>} : memref<8208xi32, #tpu.memory_space<vmem>>, vector<16xi32>,
      %gather3A_565 = tpu.vector_load_idx %arg15[%select_n3A_558] : memref<8208xi32, #tpu.memory_space<vmem>>[vector<16xi32>], vector<16xi32>,
      %add3A_566 = arith.addi %get3A_564, %gather3A_565 : vector<16xi32>
      %get3A_567 = arith.index_cast %add3A_330 : i32 to index
      %get3A_568 = tpu.vector_load %arg6[%get3A_567] {strides = array<i32>} : memref<8192xi32, #tpu.memory_space<vmem>>, vector<16xi32>,
      %gather3A_569 = tpu.vector_load_idx %arg11[%get3A_568] : memref<8208xi32, #tpu.memory_space<vmem>>[vector<16xi32>], vector<16xi32>,
      %sub3A_570 = arith.subi %add3A_566, %gather3A_569 : vector<16xi32>
      tpu.vector_store_idx %arg9[%get3A_568], %sub3A_570 masked %lt3A_336 : memref<8208xi32, #tpu.memory_space<vmem>>[vector<16xi32>], vector<16xi32>, vector<16xi1>
    }
    %while3A_316 = arith.constant 1 : i32
    scf.for %while3A_328 = %while3A_314 to %while3A_310 step %while3A_316  : i32 {
      %mul3A_329 = arith.muli %while3A_328, %while3A_306 : i32
      %add3A_330 = arith.addi %while3A_307, %mul3A_329 : i32
      %get3A = arith.index_cast %add3A_330 : i32 to index
      %get3A_331 = tpu.vector_load %arg7[%get3A] {strides = array<i32>} : memref<8192xi32, #tpu.memory_space<vmem>>, vector<16xi32>,
      %add3A_332 = vector.broadcast %and3A_0 : i32 to vector<16xi32>
      %add3A_333 = arith.addi %get3A_331, %add3A_332 : vector<16xi32>
      %add3A_334 = vector.broadcast %add3A_330 : i32 to vector<16xi32>
      %add3A_335 = arith.addi %iota3A, %add3A_334 : vector<16xi32>
      %lt3A = vector.broadcast %scan3A_39 : i32 to vector<16xi32>
      %lt3A_336 = arith.cmpi slt, %add3A_335, %lt3A : vector<16xi32>
      %broadcast_in_dim3A_337 = arith.constant 0 : i32
      %broadcast_in_dim3A_338 = vector.broadcast %broadcast_in_dim3A_337 : i32 to vector<16xi32>
      %broadcast_in_dim3A_339 = arith.constant 8192 : i32
      %broadcast_in_dim3A_340 = vector.broadcast %broadcast_in_dim3A_339 : i32 to vector<16xi32>
      %lt3A_341 = arith.cmpi slt, %broadcast_in_dim3A_338, %broadcast_in_dim3A_340 : vector<16xi32>
      %add3A_342 = arith.addi %broadcast_in_dim3A_338, %broadcast_in_dim3A_340 : vector<16xi32>
      %shift_right_arithmetic3A_343 = arith.constant 1 : i32
      %shift_right_arithmetic3A_344 = vector.broadcast %shift_right_arithmetic3A_343 : i32 to vector<16xi32>
      %shift_right_arithmetic3A_345 = arith.shrsi %add3A_342, %shift_right_arithmetic3A_344 : vector<16xi32>
      %gather3A = tpu.vector_load_idx %arg14[%shift_right_arithmetic3A_345] : memref<8208xi32, #tpu.memory_space<vmem>>[vector<16xi32>], vector<16xi32>,
      %lt3A_346 = arith.cmpi slt, %gather3A, %add3A_333 : vector<16xi32>
      %and3A_347 = arith.andi %lt3A_341, %lt3A_346 : vector<16xi1>
      %add3A_348 = arith.constant 1 : i32
      %add3A_349 = vector.broadcast %add3A_348 : i32 to vector<16xi32>
      %add3A_350 = arith.addi %shift_right_arithmetic3A_345, %add3A_349 : vector<16xi32>
      %select_n3A_351 = arith.select %and3A_347, %add3A_350, %broadcast_in_dim3A_338 : vector<16xi1>, vector<16xi32>
      %not3A = arith.constant dense<true> : vector<16xi1>
      %not3A_352 = arith.xori %lt3A_346, %not3A : vector<16xi1>
      %and3A_353 = arith.andi %lt3A_341, %not3A_352 : vector<16xi1>
      %select_n3A_354 = arith.select %and3A_353, %shift_right_arithmetic3A_345, %broadcast_in_dim3A_340 : vector<16xi1>, vector<16xi32>
      %lt3A_355 = arith.cmpi slt, %select_n3A_351, %select_n3A_354 : vector<16xi32>
      %add3A_356 = arith.addi %select_n3A_351, %select_n3A_354 : vector<16xi32>
      %shift_right_arithmetic3A_357 = arith.constant 1 : i32
      %shift_right_arithmetic3A_358 = vector.broadcast %shift_right_arithmetic3A_357 : i32 to vector<16xi32>
      %shift_right_arithmetic3A_359 = arith.shrsi %add3A_356, %shift_right_arithmetic3A_358 : vector<16xi32>
      %gather3A_360 = tpu.vector_load_idx %arg14[%shift_right_arithmetic3A_359] : memref<8208xi32, #tpu.memory_space<vmem>>[vector<16xi32>], vector<16xi32>,
      %lt3A_361 = arith.cmpi slt, %gather3A_360, %add3A_333 : vector<16xi32>
      %and3A_362 = arith.andi %lt3A_355, %lt3A_361 : vector<16xi1>
      %add3A_363 = arith.constant 1 : i32
      %add3A_364 = vector.broadcast %add3A_363 : i32 to vector<16xi32>
      %add3A_365 = arith.addi %shift_right_arithmetic3A_359, %add3A_364 : vector<16xi32>
      %select_n3A_366 = arith.select %and3A_362, %add3A_365, %select_n3A_351 : vector<16xi1>, vector<16xi32>
      %not3A_367 = arith.constant dense<true> : vector<16xi1>
      %not3A_368 = arith.xori %lt3A_361, %not3A_367 : vector<16xi1>
      %and3A_369 = arith.andi %lt3A_355, %not3A_368 : vector<16xi1>
      %select_n3A_370 = arith.select %and3A_369, %shift_right_arithmetic3A_359, %select_n3A_354 : vector<16xi1>, vector<16xi32>
      %lt3A_371 = arith.cmpi slt, %select_n3A_366, %select_n3A_370 : vector<16xi32>
      %add3A_372 = arith.addi %select_n3A_366, %select_n3A_370 : vector<16xi32>
      %shift_right_arithmetic3A_373 = arith.constant 1 : i32
      %shift_right_arithmetic3A_374 = vector.broadcast %shift_right_arithmetic3A_373 : i32 to vector<16xi32>
      %shift_right_arithmetic3A_375 = arith.shrsi %add3A_372, %shift_right_arithmetic3A_374 : vector<16xi32>
      %gather3A_376 = tpu.vector_load_idx %arg14[%shift_right_arithmetic3A_375] : memref<8208xi32, #tpu.memory_space<vmem>>[vector<16xi32>], vector<16xi32>,
      %lt3A_377 = arith.cmpi slt, %gather3A_376, %add3A_333 : vector<16xi32>
      %and3A_378 = arith.andi %lt3A_371, %lt3A_377 : vector<16xi1>
      %add3A_379 = arith.constant 1 : i32
      %add3A_380 = vector.broadcast %add3A_379 : i32 to vector<16xi32>
      %add3A_381 = arith.addi %shift_right_arithmetic3A_375, %add3A_380 : vector<16xi32>
      %select_n3A_382 = arith.select %and3A_378, %add3A_381, %select_n3A_366 : vector<16xi1>, vector<16xi32>
      %not3A_383 = arith.constant dense<true> : vector<16xi1>
      %not3A_384 = arith.xori %lt3A_377, %not3A_383 : vector<16xi1>
      %and3A_385 = arith.andi %lt3A_371, %not3A_384 : vector<16xi1>
      %select_n3A_386 = arith.select %and3A_385, %shift_right_arithmetic3A_375, %select_n3A_370 : vector<16xi1>, vector<16xi32>
      %lt3A_387 = arith.cmpi slt, %select_n3A_382, %select_n3A_386 : vector<16xi32>
      %add3A_388 = arith.addi %select_n3A_382, %select_n3A_386 : vector<16xi32>
      %shift_right_arithmetic3A_389 = arith.constant 1 : i32
      %shift_right_arithmetic3A_390 = vector.broadcast %shift_right_arithmetic3A_389 : i32 to vector<16xi32>
      %shift_right_arithmetic3A_391 = arith.shrsi %add3A_388, %shift_right_arithmetic3A_390 : vector<16xi32>
      %gather3A_392 = tpu.vector_load_idx %arg14[%shift_right_arithmetic3A_391] : memref<8208xi32, #tpu.memory_space<vmem>>[vector<16xi32>], vector<16xi32>,
      %lt3A_393 = arith.cmpi slt, %gather3A_392, %add3A_333 : vector<16xi32>
      %and3A_394 = arith.andi %lt3A_387, %lt3A_393 : vector<16xi1>
      %add3A_395 = arith.constant 1 : i32
      %add3A_396 = vector.broadcast %add3A_395 : i32 to vector<16xi32>
      %add3A_397 = arith.addi %shift_right_arithmetic3A_391, %add3A_396 : vector<16xi32>
      %select_n3A_398 = arith.select %and3A_394, %add3A_397, %select_n3A_382 : vector<16xi1>, vector<16xi32>
      %not3A_399 = arith.constant dense<true> : vector<16xi1>
      %not3A_400 = arith.xori %lt3A_393, %not3A_399 : vector<16xi1>
      %and3A_401 = arith.andi %lt3A_387, %not3A_400 : vector<16xi1>
      %select_n3A_402 = arith.select %and3A_401, %shift_right_arithmetic3A_391, %select_n3A_386 : vector<16xi1>, vector<16xi32>
      %lt3A_403 = arith.cmpi slt, %select_n3A_398, %select_n3A_402 : vector<16xi32>
      %add3A_404 = arith.addi %select_n3A_398, %select_n3A_402 : vector<16xi32>
      %shift_right_arithmetic3A_405 = arith.constant 1 : i32
      %shift_right_arithmetic3A_406 = vector.broadcast %shift_right_arithmetic3A_405 : i32 to vector<16xi32>
      %shift_right_arithmetic3A_407 = arith.shrsi %add3A_404, %shift_right_arithmetic3A_406 : vector<16xi32>
      %gather3A_408 = tpu.vector_load_idx %arg14[%shift_right_arithmetic3A_407] : memref<8208xi32, #tpu.memory_space<vmem>>[vector<16xi32>], vector<16xi32>,
      %lt3A_409 = arith.cmpi slt, %gather3A_408, %add3A_333 : vector<16xi32>
      %and3A_410 = arith.andi %lt3A_403, %lt3A_409 : vector<16xi1>
      %add3A_411 = arith.constant 1 : i32
      %add3A_412 = vector.broadcast %add3A_411 : i32 to vector<16xi32>
      %add3A_413 = arith.addi %shift_right_arithmetic3A_407, %add3A_412 : vector<16xi32>
      %select_n3A_414 = arith.select %and3A_410, %add3A_413, %select_n3A_398 : vector<16xi1>, vector<16xi32>
      %not3A_415 = arith.constant dense<true> : vector<16xi1>
      %not3A_416 = arith.xori %lt3A_409, %not3A_415 : vector<16xi1>
      %and3A_417 = arith.andi %lt3A_403, %not3A_416 : vector<16xi1>
      %select_n3A_418 = arith.select %and3A_417, %shift_right_arithmetic3A_407, %select_n3A_402 : vector<16xi1>, vector<16xi32>
      %lt3A_419 = arith.cmpi slt, %select_n3A_414, %select_n3A_418 : vector<16xi32>
      %add3A_420 = arith.addi %select_n3A_414, %select_n3A_418 : vector<16xi32>
      %shift_right_arithmetic3A_421 = arith.constant 1 : i32
      %shift_right_arithmetic3A_422 = vector.broadcast %shift_right_arithmetic3A_421 : i32 to vector<16xi32>
      %shift_right_arithmetic3A_423 = arith.shrsi %add3A_420, %shift_right_arithmetic3A_422 : vector<16xi32>
      %gather3A_424 = tpu.vector_load_idx %arg14[%shift_right_arithmetic3A_423] : memref<8208xi32, #tpu.memory_space<vmem>>[vector<16xi32>], vector<16xi32>,
      %lt3A_425 = arith.cmpi slt, %gather3A_424, %add3A_333 : vector<16xi32>
      %and3A_426 = arith.andi %lt3A_419, %lt3A_425 : vector<16xi1>
      %add3A_427 = arith.constant 1 : i32
      %add3A_428 = vector.broadcast %add3A_427 : i32 to vector<16xi32>
      %add3A_429 = arith.addi %shift_right_arithmetic3A_423, %add3A_428 : vector<16xi32>
      %select_n3A_430 = arith.select %and3A_426, %add3A_429, %select_n3A_414 : vector<16xi1>, vector<16xi32>
      %not3A_431 = arith.constant dense<true> : vector<16xi1>
      %not3A_432 = arith.xori %lt3A_425, %not3A_431 : vector<16xi1>
      %and3A_433 = arith.andi %lt3A_419, %not3A_432 : vector<16xi1>
      %select_n3A_434 = arith.select %and3A_433, %shift_right_arithmetic3A_423, %select_n3A_418 : vector<16xi1>, vector<16xi32>
      %lt3A_435 = arith.cmpi slt, %select_n3A_430, %select_n3A_434 : vector<16xi32>
      %add3A_436 = arith.addi %select_n3A_430, %select_n3A_434 : vector<16xi32>
      %shift_right_arithmetic3A_437 = arith.constant 1 : i32
      %shift_right_arithmetic3A_438 = vector.broadcast %shift_right_arithmetic3A_437 : i32 to vector<16xi32>
      %shift_right_arithmetic3A_439 = arith.shrsi %add3A_436, %shift_right_arithmetic3A_438 : vector<16xi32>
      %gather3A_440 = tpu.vector_load_idx %arg14[%shift_right_arithmetic3A_439] : memref<8208xi32, #tpu.memory_space<vmem>>[vector<16xi32>], vector<16xi32>,
      %lt3A_441 = arith.cmpi slt, %gather3A_440, %add3A_333 : vector<16xi32>
      %and3A_442 = arith.andi %lt3A_435, %lt3A_441 : vector<16xi1>
      %add3A_443 = arith.constant 1 : i32
      %add3A_444 = vector.broadcast %add3A_443 : i32 to vector<16xi32>
      %add3A_445 = arith.addi %shift_right_arithmetic3A_439, %add3A_444 : vector<16xi32>
      %select_n3A_446 = arith.select %and3A_442, %add3A_445, %select_n3A_430 : vector<16xi1>, vector<16xi32>
      %not3A_447 = arith.constant dense<true> : vector<16xi1>
      %not3A_448 = arith.xori %lt3A_441, %not3A_447 : vector<16xi1>
      %and3A_449 = arith.andi %lt3A_435, %not3A_448 : vector<16xi1>
      %select_n3A_450 = arith.select %and3A_449, %shift_right_arithmetic3A_439, %select_n3A_434 : vector<16xi1>, vector<16xi32>
      %lt3A_451 = arith.cmpi slt, %select_n3A_446, %select_n3A_450 : vector<16xi32>
      %add3A_452 = arith.addi %select_n3A_446, %select_n3A_450 : vector<16xi32>
      %shift_right_arithmetic3A_453 = arith.constant 1 : i32
      %shift_right_arithmetic3A_454 = vector.broadcast %shift_right_arithmetic3A_453 : i32 to vector<16xi32>
      %shift_right_arithmetic3A_455 = arith.shrsi %add3A_452, %shift_right_arithmetic3A_454 : vector<16xi32>
      %gather3A_456 = tpu.vector_load_idx %arg14[%shift_right_arithmetic3A_455] : memref<8208xi32, #tpu.memory_space<vmem>>[vector<16xi32>], vector<16xi32>,
      %lt3A_457 = arith.cmpi slt, %gather3A_456, %add3A_333 : vector<16xi32>
      %and3A_458 = arith.andi %lt3A_451, %lt3A_457 : vector<16xi1>
      %add3A_459 = arith.constant 1 : i32
      %add3A_460 = vector.broadcast %add3A_459 : i32 to vector<16xi32>
      %add3A_461 = arith.addi %shift_right_arithmetic3A_455, %add3A_460 : vector<16xi32>
      %select_n3A_462 = arith.select %and3A_458, %add3A_461, %select_n3A_446 : vector<16xi1>, vector<16xi32>
      %not3A_463 = arith.constant dense<true> : vector<16xi1>
      %not3A_464 = arith.xori %lt3A_457, %not3A_463 : vector<16xi1>
      %and3A_465 = arith.andi %lt3A_451, %not3A_464 : vector<16xi1>
      %select_n3A_466 = arith.select %and3A_465, %shift_right_arithmetic3A_455, %select_n3A_450 : vector<16xi1>, vector<16xi32>
      %lt3A_467 = arith.cmpi slt, %select_n3A_462, %select_n3A_466 : vector<16xi32>
      %add3A_468 = arith.addi %select_n3A_462, %select_n3A_466 : vector<16xi32>
      %shift_right_arithmetic3A_469 = arith.constant 1 : i32
      %shift_right_arithmetic3A_470 = vector.broadcast %shift_right_arithmetic3A_469 : i32 to vector<16xi32>
      %shift_right_arithmetic3A_471 = arith.shrsi %add3A_468, %shift_right_arithmetic3A_470 : vector<16xi32>
      %gather3A_472 = tpu.vector_load_idx %arg14[%shift_right_arithmetic3A_471] : memref<8208xi32, #tpu.memory_space<vmem>>[vector<16xi32>], vector<16xi32>,
      %lt3A_473 = arith.cmpi slt, %gather3A_472, %add3A_333 : vector<16xi32>
      %and3A_474 = arith.andi %lt3A_467, %lt3A_473 : vector<16xi1>
      %add3A_475 = arith.constant 1 : i32
      %add3A_476 = vector.broadcast %add3A_475 : i32 to vector<16xi32>
      %add3A_477 = arith.addi %shift_right_arithmetic3A_471, %add3A_476 : vector<16xi32>
      %select_n3A_478 = arith.select %and3A_474, %add3A_477, %select_n3A_462 : vector<16xi1>, vector<16xi32>
      %not3A_479 = arith.constant dense<true> : vector<16xi1>
      %not3A_480 = arith.xori %lt3A_473, %not3A_479 : vector<16xi1>
      %and3A_481 = arith.andi %lt3A_467, %not3A_480 : vector<16xi1>
      %select_n3A_482 = arith.select %and3A_481, %shift_right_arithmetic3A_471, %select_n3A_466 : vector<16xi1>, vector<16xi32>
      %lt3A_483 = arith.cmpi slt, %select_n3A_478, %select_n3A_482 : vector<16xi32>
      %add3A_484 = arith.addi %select_n3A_478, %select_n3A_482 : vector<16xi32>
      %shift_right_arithmetic3A_485 = arith.constant 1 : i32
      %shift_right_arithmetic3A_486 = vector.broadcast %shift_right_arithmetic3A_485 : i32 to vector<16xi32>
      %shift_right_arithmetic3A_487 = arith.shrsi %add3A_484, %shift_right_arithmetic3A_486 : vector<16xi32>
      %gather3A_488 = tpu.vector_load_idx %arg14[%shift_right_arithmetic3A_487] : memref<8208xi32, #tpu.memory_space<vmem>>[vector<16xi32>], vector<16xi32>,
      %lt3A_489 = arith.cmpi slt, %gather3A_488, %add3A_333 : vector<16xi32>
      %and3A_490 = arith.andi %lt3A_483, %lt3A_489 : vector<16xi1>
      %add3A_491 = arith.constant 1 : i32
      %add3A_492 = vector.broadcast %add3A_491 : i32 to vector<16xi32>
      %add3A_493 = arith.addi %shift_right_arithmetic3A_487, %add3A_492 : vector<16xi32>
      %select_n3A_494 = arith.select %and3A_490, %add3A_493, %select_n3A_478 : vector<16xi1>, vector<16xi32>
      %not3A_495 = arith.constant dense<true> : vector<16xi1>
      %not3A_496 = arith.xori %lt3A_489, %not3A_495 : vector<16xi1>
      %and3A_497 = arith.andi %lt3A_483, %not3A_496 : vector<16xi1>
      %select_n3A_498 = arith.select %and3A_497, %shift_right_arithmetic3A_487, %select_n3A_482 : vector<16xi1>, vector<16xi32>
      %lt3A_499 = arith.cmpi slt, %select_n3A_494, %select_n3A_498 : vector<16xi32>
      %add3A_500 = arith.addi %select_n3A_494, %select_n3A_498 : vector<16xi32>
      %shift_right_arithmetic3A_501 = arith.constant 1 : i32
      %shift_right_arithmetic3A_502 = vector.broadcast %shift_right_arithmetic3A_501 : i32 to vector<16xi32>
      %shift_right_arithmetic3A_503 = arith.shrsi %add3A_500, %shift_right_arithmetic3A_502 : vector<16xi32>
      %gather3A_504 = tpu.vector_load_idx %arg14[%shift_right_arithmetic3A_503] : memref<8208xi32, #tpu.memory_space<vmem>>[vector<16xi32>], vector<16xi32>,
      %lt3A_505 = arith.cmpi slt, %gather3A_504, %add3A_333 : vector<16xi32>
      %and3A_506 = arith.andi %lt3A_499, %lt3A_505 : vector<16xi1>
      %add3A_507 = arith.constant 1 : i32
      %add3A_508 = vector.broadcast %add3A_507 : i32 to vector<16xi32>
      %add3A_509 = arith.addi %shift_right_arithmetic3A_503, %add3A_508 : vector<16xi32>
      %select_n3A_510 = arith.select %and3A_506, %add3A_509, %select_n3A_494 : vector<16xi1>, vector<16xi32>
      %not3A_511 = arith.constant dense<true> : vector<16xi1>
      %not3A_512 = arith.xori %lt3A_505, %not3A_511 : vector<16xi1>
      %and3A_513 = arith.andi %lt3A_499, %not3A_512 : vector<16xi1>
      %select_n3A_514 = arith.select %and3A_513, %shift_right_arithmetic3A_503, %select_n3A_498 : vector<16xi1>, vector<16xi32>
      %lt3A_515 = arith.cmpi slt, %select_n3A_510, %select_n3A_514 : vector<16xi32>
      %add3A_516 = arith.addi %select_n3A_510, %select_n3A_514 : vector<16xi32>
      %shift_right_arithmetic3A_517 = arith.constant 1 : i32
      %shift_right_arithmetic3A_518 = vector.broadcast %shift_right_arithmetic3A_517 : i32 to vector<16xi32>
      %shift_right_arithmetic3A_519 = arith.shrsi %add3A_516, %shift_right_arithmetic3A_518 : vector<16xi32>
      %gather3A_520 = tpu.vector_load_idx %arg14[%shift_right_arithmetic3A_519] : memref<8208xi32, #tpu.memory_space<vmem>>[vector<16xi32>], vector<16xi32>,
      %lt3A_521 = arith.cmpi slt, %gather3A_520, %add3A_333 : vector<16xi32>
      %and3A_522 = arith.andi %lt3A_515, %lt3A_521 : vector<16xi1>
      %add3A_523 = arith.constant 1 : i32
      %add3A_524 = vector.broadcast %add3A_523 : i32 to vector<16xi32>
      %add3A_525 = arith.addi %shift_right_arithmetic3A_519, %add3A_524 : vector<16xi32>
      %select_n3A_526 = arith.select %and3A_522, %add3A_525, %select_n3A_510 : vector<16xi1>, vector<16xi32>
      %not3A_527 = arith.constant dense<true> : vector<16xi1>
      %not3A_528 = arith.xori %lt3A_521, %not3A_527 : vector<16xi1>
      %and3A_529 = arith.andi %lt3A_515, %not3A_528 : vector<16xi1>
      %select_n3A_530 = arith.select %and3A_529, %shift_right_arithmetic3A_519, %select_n3A_514 : vector<16xi1>, vector<16xi32>
      %lt3A_531 = arith.cmpi slt, %select_n3A_526, %select_n3A_530 : vector<16xi32>
      %add3A_532 = arith.addi %select_n3A_526, %select_n3A_530 : vector<16xi32>
      %shift_right_arithmetic3A_533 = arith.constant 1 : i32
      %shift_right_arithmetic3A_534 = vector.broadcast %shift_right_arithmetic3A_533 : i32 to vector<16xi32>
      %shift_right_arithmetic3A_535 = arith.shrsi %add3A_532, %shift_right_arithmetic3A_534 : vector<16xi32>
      %gather3A_536 = tpu.vector_load_idx %arg14[%shift_right_arithmetic3A_535] : memref<8208xi32, #tpu.memory_space<vmem>>[vector<16xi32>], vector<16xi32>,
      %lt3A_537 = arith.cmpi slt, %gather3A_536, %add3A_333 : vector<16xi32>
      %and3A_538 = arith.andi %lt3A_531, %lt3A_537 : vector<16xi1>
      %add3A_539 = arith.constant 1 : i32
      %add3A_540 = vector.broadcast %add3A_539 : i32 to vector<16xi32>
      %add3A_541 = arith.addi %shift_right_arithmetic3A_535, %add3A_540 : vector<16xi32>
      %select_n3A_542 = arith.select %and3A_538, %add3A_541, %select_n3A_526 : vector<16xi1>, vector<16xi32>
      %not3A_543 = arith.constant dense<true> : vector<16xi1>
      %not3A_544 = arith.xori %lt3A_537, %not3A_543 : vector<16xi1>
      %and3A_545 = arith.andi %lt3A_531, %not3A_544 : vector<16xi1>
      %select_n3A_546 = arith.select %and3A_545, %shift_right_arithmetic3A_535, %select_n3A_530 : vector<16xi1>, vector<16xi32>
      %lt3A_547 = arith.cmpi slt, %select_n3A_542, %select_n3A_546 : vector<16xi32>
      %add3A_548 = arith.addi %select_n3A_542, %select_n3A_546 : vector<16xi32>
      %shift_right_arithmetic3A_549 = arith.constant 1 : i32
      %shift_right_arithmetic3A_550 = vector.broadcast %shift_right_arithmetic3A_549 : i32 to vector<16xi32>
      %shift_right_arithmetic3A_551 = arith.shrsi %add3A_548, %shift_right_arithmetic3A_550 : vector<16xi32>
      %gather3A_552 = tpu.vector_load_idx %arg14[%shift_right_arithmetic3A_551] : memref<8208xi32, #tpu.memory_space<vmem>>[vector<16xi32>], vector<16xi32>,
      %lt3A_553 = arith.cmpi slt, %gather3A_552, %add3A_333 : vector<16xi32>
      %and3A_554 = arith.andi %lt3A_547, %lt3A_553 : vector<16xi1>
      %add3A_555 = arith.constant 1 : i32
      %add3A_556 = vector.broadcast %add3A_555 : i32 to vector<16xi32>
      %add3A_557 = arith.addi %shift_right_arithmetic3A_551, %add3A_556 : vector<16xi32>
      %select_n3A_558 = arith.select %and3A_554, %add3A_557, %select_n3A_542 : vector<16xi1>, vector<16xi32>
      %not3A_559 = arith.constant dense<true> : vector<16xi1>
      %not3A_560 = arith.xori %lt3A_553, %not3A_559 : vector<16xi1>
      %and3A_561 = arith.andi %lt3A_547, %not3A_560 : vector<16xi1>
      %select_n3A_562 = arith.select %and3A_561, %shift_right_arithmetic3A_551, %select_n3A_546 : vector<16xi1>, vector<16xi32>
      %get3A_563 = arith.index_cast %add3A_330 : i32 to index
      %get3A_564 = tpu.vector_load %arg13[%get3A_563] {strides = array<i32>} : memref<8208xi32, #tpu.memory_space<vmem>>, vector<16xi32>,
      %gather3A_565 = tpu.vector_load_idx %arg15[%select_n3A_558] : memref<8208xi32, #tpu.memory_space<vmem>>[vector<16xi32>], vector<16xi32>,
      %add3A_566 = arith.addi %get3A_564, %gather3A_565 : vector<16xi32>
      %get3A_567 = arith.index_cast %add3A_330 : i32 to index
      %get3A_568 = tpu.vector_load %arg6[%get3A_567] {strides = array<i32>} : memref<8192xi32, #tpu.memory_space<vmem>>, vector<16xi32>,
      %gather3A_569 = tpu.vector_load_idx %arg11[%get3A_568] : memref<8208xi32, #tpu.memory_space<vmem>>[vector<16xi32>], vector<16xi32>,
      %sub3A_570 = arith.subi %add3A_566, %gather3A_569 : vector<16xi32>
      tpu.vector_store_idx %arg9[%get3A_568], %sub3A_570 masked %lt3A_336 : memref<8208xi32, #tpu.memory_space<vmem>>[vector<16xi32>], vector<16xi32>, vector<16xi1>
    }
    %scan3A_317 = arith.constant 0 : i32
    %scan3A_318 = arith.constant 512 : i32
    %scan3A_319 = arith.addi %scan3A_317, %scan3A_318 : i32
    %scan3A_320 = arith.constant 4 : i32
    scf.for %scan3A_328 = %scan3A_317 to %scan3A_319 step %scan3A_320  : i32 {
      %mul3A_329 = arith.constant 16 : i32
      %mul3A_330 = arith.muli %scan3A_328, %mul3A_329 : i32
      %add3A_331 = arith.constant 0 : i32
      %add3A_332 = arith.addi %add3A_331, %mul3A_330 : i32
      %get3A = arith.index_cast %add3A_332 : i32 to index
      %get3A_333 = tpu.vector_load %arg8[%get3A] {strides = array<i32>} : memref<8192xi32, #tpu.memory_space<vmem>>, vector<16xi32>,
      %shift_right_arithmetic3A_334 = arith.constant 14 : i32
      %shift_right_arithmetic3A_335 = vector.broadcast %shift_right_arithmetic3A_334 : i32 to vector<16xi32>
      %shift_right_arithmetic3A_336 = arith.shrsi %get3A_333, %shift_right_arithmetic3A_335 : vector<16xi32>
      %and3A_337 = arith.constant 16383 : i32
      %and3A_338 = vector.broadcast %and3A_337 : i32 to vector<16xi32>
      %and3A_339 = arith.andi %get3A_333, %and3A_338 : vector<16xi32>
      %gather3A = tpu.vector_load_idx %arg9[%shift_right_arithmetic3A_336] : memref<8208xi32, #tpu.memory_space<vmem>>[vector<16xi32>], vector<16xi32>,
      %add3A_340 = arith.addi %add3A_332, %mul3A_1 : i32
      %add3A_341 = vector.broadcast %add3A_340 : i32 to vector<16xi32>
      %add3A_342 = arith.addi %iota3A, %add3A_341 : vector<16xi32>
      %add3A_343 = arith.addi %gather3A, %add3A_342 : vector<16xi32>
      %shift_left3A = arith.constant 14 : i32
      %shift_left3A_344 = vector.broadcast %shift_left3A : i32 to vector<16xi32>
      %shift_left3A_345 = arith.shli %add3A_343, %shift_left3A_344 : vector<16xi32>
      %or3A = arith.ori %shift_left3A_345, %and3A_339 : vector<16xi32>
      %swap3A = arith.index_cast %add3A_332 : i32 to index
      %swap3A_346 = tpu.vector_load %arg7[%swap3A] {strides = array<i32>} : memref<8192xi32, #tpu.memory_space<vmem>>, vector<16xi32>,
      tpu.vector_store %arg7[%swap3A], %or3A {strides = array<i32>} : memref<8192xi32, #tpu.memory_space<vmem>>, vector<16xi32>,
      %and3A_347 = arith.constant 8191 : i32
      %and3A_348 = vector.broadcast %and3A_347 : i32 to vector<16xi32>
      %and3A_349 = arith.andi %add3A_343, %and3A_348 : vector<16xi32>
      %shift_right_arithmetic3A_350 = arith.constant 13 : i32
      %shift_right_arithmetic3A_351 = vector.broadcast %shift_right_arithmetic3A_350 : i32 to vector<16xi32>
      %shift_right_arithmetic3A_352 = arith.shrsi %add3A_343, %shift_right_arithmetic3A_351 : vector<16xi32>
      %eq3A_353 = vector.broadcast %and3A_0 : i32 to vector<16xi32>
      %eq3A_354 = arith.cmpi eq, %shift_right_arithmetic3A_352, %eq3A_353 : vector<16xi32>
      tpu.vector_store_idx %arg6[%and3A_349], %and3A_339 masked %eq3A_354 : memref<8192xi32, #tpu.memory_space<vmem>>[vector<16xi32>], vector<16xi32>, vector<16xi1>
      %sub3A_355 = vector.broadcast %mul3A_1 : i32 to vector<16xi32>
      %sub3A_356 = arith.subi %and3A_339, %sub3A_355 : vector<16xi32>
      tpu.vector_store_idx %arg16[%sub3A_356], %add3A_343 : memref<8192xi32, #tpu.memory_space<vmem>>[vector<16xi32>], vector<16xi32>,
      %scan3A_357 = arith.constant 1 : i32
      %scan3A_358 = arith.addi %scan3A_328, %scan3A_357 : i32
      %mul3A_359 = arith.constant 16 : i32
      %mul3A_360 = arith.muli %scan3A_358, %mul3A_359 : i32
      %add3A_361 = arith.constant 0 : i32
      %add3A_362 = arith.addi %add3A_361, %mul3A_360 : i32
      %get3A_363 = arith.index_cast %add3A_362 : i32 to index
      %get3A_364 = tpu.vector_load %arg8[%get3A_363] {strides = array<i32>} : memref<8192xi32, #tpu.memory_space<vmem>>, vector<16xi32>,
      %shift_right_arithmetic3A_365 = arith.constant 14 : i32
      %shift_right_arithmetic3A_366 = vector.broadcast %shift_right_arithmetic3A_365 : i32 to vector<16xi32>
      %shift_right_arithmetic3A_367 = arith.shrsi %get3A_364, %shift_right_arithmetic3A_366 : vector<16xi32>
      %and3A_368 = arith.constant 16383 : i32
      %and3A_369 = vector.broadcast %and3A_368 : i32 to vector<16xi32>
      %and3A_370 = arith.andi %get3A_364, %and3A_369 : vector<16xi32>
      %gather3A_371 = tpu.vector_load_idx %arg9[%shift_right_arithmetic3A_367] : memref<8208xi32, #tpu.memory_space<vmem>>[vector<16xi32>], vector<16xi32>,
      %add3A_372 = arith.addi %add3A_362, %mul3A_1 : i32
      %add3A_373 = vector.broadcast %add3A_372 : i32 to vector<16xi32>
      %add3A_374 = arith.addi %iota3A, %add3A_373 : vector<16xi32>
      %add3A_375 = arith.addi %gather3A_371, %add3A_374 : vector<16xi32>
      %shift_left3A_376 = arith.constant 14 : i32
      %shift_left3A_377 = vector.broadcast %shift_left3A_376 : i32 to vector<16xi32>
      %shift_left3A_378 = arith.shli %add3A_375, %shift_left3A_377 : vector<16xi32>
      %or3A_379 = arith.ori %shift_left3A_378, %and3A_370 : vector<16xi32>
      %swap3A_380 = arith.index_cast %add3A_362 : i32 to index
      %swap3A_381 = tpu.vector_load %arg7[%swap3A_380] {strides = array<i32>} : memref<8192xi32, #tpu.memory_space<vmem>>, vector<16xi32>,
      tpu.vector_store %arg7[%swap3A_380], %or3A_379 {strides = array<i32>} : memref<8192xi32, #tpu.memory_space<vmem>>, vector<16xi32>,
      %and3A_382 = arith.constant 8191 : i32
      %and3A_383 = vector.broadcast %and3A_382 : i32 to vector<16xi32>
      %and3A_384 = arith.andi %add3A_375, %and3A_383 : vector<16xi32>
      %shift_right_arithmetic3A_385 = arith.constant 13 : i32
      %shift_right_arithmetic3A_386 = vector.broadcast %shift_right_arithmetic3A_385 : i32 to vector<16xi32>
      %shift_right_arithmetic3A_387 = arith.shrsi %add3A_375, %shift_right_arithmetic3A_386 : vector<16xi32>
      %eq3A_388 = vector.broadcast %and3A_0 : i32 to vector<16xi32>
      %eq3A_389 = arith.cmpi eq, %shift_right_arithmetic3A_387, %eq3A_388 : vector<16xi32>
      tpu.vector_store_idx %arg6[%and3A_384], %and3A_370 masked %eq3A_389 : memref<8192xi32, #tpu.memory_space<vmem>>[vector<16xi32>], vector<16xi32>, vector<16xi1>
      %sub3A_390 = vector.broadcast %mul3A_1 : i32 to vector<16xi32>
      %sub3A_391 = arith.subi %and3A_370, %sub3A_390 : vector<16xi32>
      tpu.vector_store_idx %arg16[%sub3A_391], %add3A_375 : memref<8192xi32, #tpu.memory_space<vmem>>[vector<16xi32>], vector<16xi32>,
      %scan3A_392 = arith.constant 2 : i32
      %scan3A_393 = arith.addi %scan3A_328, %scan3A_392 : i32
      %mul3A_394 = arith.constant 16 : i32
      %mul3A_395 = arith.muli %scan3A_393, %mul3A_394 : i32
      %add3A_396 = arith.constant 0 : i32
      %add3A_397 = arith.addi %add3A_396, %mul3A_395 : i32
      %get3A_398 = arith.index_cast %add3A_397 : i32 to index
      %get3A_399 = tpu.vector_load %arg8[%get3A_398] {strides = array<i32>} : memref<8192xi32, #tpu.memory_space<vmem>>, vector<16xi32>,
      %shift_right_arithmetic3A_400 = arith.constant 14 : i32
      %shift_right_arithmetic3A_401 = vector.broadcast %shift_right_arithmetic3A_400 : i32 to vector<16xi32>
      %shift_right_arithmetic3A_402 = arith.shrsi %get3A_399, %shift_right_arithmetic3A_401 : vector<16xi32>
      %and3A_403 = arith.constant 16383 : i32
      %and3A_404 = vector.broadcast %and3A_403 : i32 to vector<16xi32>
      %and3A_405 = arith.andi %get3A_399, %and3A_404 : vector<16xi32>
      %gather3A_406 = tpu.vector_load_idx %arg9[%shift_right_arithmetic3A_402] : memref<8208xi32, #tpu.memory_space<vmem>>[vector<16xi32>], vector<16xi32>,
      %add3A_407 = arith.addi %add3A_397, %mul3A_1 : i32
      %add3A_408 = vector.broadcast %add3A_407 : i32 to vector<16xi32>
      %add3A_409 = arith.addi %iota3A, %add3A_408 : vector<16xi32>
      %add3A_410 = arith.addi %gather3A_406, %add3A_409 : vector<16xi32>
      %shift_left3A_411 = arith.constant 14 : i32
      %shift_left3A_412 = vector.broadcast %shift_left3A_411 : i32 to vector<16xi32>
      %shift_left3A_413 = arith.shli %add3A_410, %shift_left3A_412 : vector<16xi32>
      %or3A_414 = arith.ori %shift_left3A_413, %and3A_405 : vector<16xi32>
      %swap3A_415 = arith.index_cast %add3A_397 : i32 to index
      %swap3A_416 = tpu.vector_load %arg7[%swap3A_415] {strides = array<i32>} : memref<8192xi32, #tpu.memory_space<vmem>>, vector<16xi32>,
      tpu.vector_store %arg7[%swap3A_415], %or3A_414 {strides = array<i32>} : memref<8192xi32, #tpu.memory_space<vmem>>, vector<16xi32>,
      %and3A_417 = arith.constant 8191 : i32
      %and3A_418 = vector.broadcast %and3A_417 : i32 to vector<16xi32>
      %and3A_419 = arith.andi %add3A_410, %and3A_418 : vector<16xi32>
      %shift_right_arithmetic3A_420 = arith.constant 13 : i32
      %shift_right_arithmetic3A_421 = vector.broadcast %shift_right_arithmetic3A_420 : i32 to vector<16xi32>
      %shift_right_arithmetic3A_422 = arith.shrsi %add3A_410, %shift_right_arithmetic3A_421 : vector<16xi32>
      %eq3A_423 = vector.broadcast %and3A_0 : i32 to vector<16xi32>
      %eq3A_424 = arith.cmpi eq, %shift_right_arithmetic3A_422, %eq3A_423 : vector<16xi32>
      tpu.vector_store_idx %arg6[%and3A_419], %and3A_405 masked %eq3A_424 : memref<8192xi32, #tpu.memory_space<vmem>>[vector<16xi32>], vector<16xi32>, vector<16xi1>
      %sub3A_425 = vector.broadcast %mul3A_1 : i32 to vector<16xi32>
      %sub3A_426 = arith.subi %and3A_405, %sub3A_425 : vector<16xi32>
      tpu.vector_store_idx %arg16[%sub3A_426], %add3A_410 : memref<8192xi32, #tpu.memory_space<vmem>>[vector<16xi32>], vector<16xi32>,
      %scan3A_427 = arith.constant 3 : i32
      %scan3A_428 = arith.addi %scan3A_328, %scan3A_427 : i32
      %mul3A_429 = arith.constant 16 : i32
      %mul3A_430 = arith.muli %scan3A_428, %mul3A_429 : i32
      %add3A_431 = arith.constant 0 : i32
      %add3A_432 = arith.addi %add3A_431, %mul3A_430 : i32
      %get3A_433 = arith.index_cast %add3A_432 : i32 to index
      %get3A_434 = tpu.vector_load %arg8[%get3A_433] {strides = array<i32>} : memref<8192xi32, #tpu.memory_space<vmem>>, vector<16xi32>,
      %shift_right_arithmetic3A_435 = arith.constant 14 : i32
      %shift_right_arithmetic3A_436 = vector.broadcast %shift_right_arithmetic3A_435 : i32 to vector<16xi32>
      %shift_right_arithmetic3A_437 = arith.shrsi %get3A_434, %shift_right_arithmetic3A_436 : vector<16xi32>
      %and3A_438 = arith.constant 16383 : i32
      %and3A_439 = vector.broadcast %and3A_438 : i32 to vector<16xi32>
      %and3A_440 = arith.andi %get3A_434, %and3A_439 : vector<16xi32>
      %gather3A_441 = tpu.vector_load_idx %arg9[%shift_right_arithmetic3A_437] : memref<8208xi32, #tpu.memory_space<vmem>>[vector<16xi32>], vector<16xi32>,
      %add3A_442 = arith.addi %add3A_432, %mul3A_1 : i32
      %add3A_443 = vector.broadcast %add3A_442 : i32 to vector<16xi32>
      %add3A_444 = arith.addi %iota3A, %add3A_443 : vector<16xi32>
      %add3A_445 = arith.addi %gather3A_441, %add3A_444 : vector<16xi32>
      %shift_left3A_446 = arith.constant 14 : i32
      %shift_left3A_447 = vector.broadcast %shift_left3A_446 : i32 to vector<16xi32>
      %shift_left3A_448 = arith.shli %add3A_445, %shift_left3A_447 : vector<16xi32>
      %or3A_449 = arith.ori %shift_left3A_448, %and3A_440 : vector<16xi32>
      %swap3A_450 = arith.index_cast %add3A_432 : i32 to index
      %swap3A_451 = tpu.vector_load %arg7[%swap3A_450] {strides = array<i32>} : memref<8192xi32, #tpu.memory_space<vmem>>, vector<16xi32>,
      tpu.vector_store %arg7[%swap3A_450], %or3A_449 {strides = array<i32>} : memref<8192xi32, #tpu.memory_space<vmem>>, vector<16xi32>,
      %and3A_452 = arith.constant 8191 : i32
      %and3A_453 = vector.broadcast %and3A_452 : i32 to vector<16xi32>
      %and3A_454 = arith.andi %add3A_445, %and3A_453 : vector<16xi32>
      %shift_right_arithmetic3A_455 = arith.constant 13 : i32
      %shift_right_arithmetic3A_456 = vector.broadcast %shift_right_arithmetic3A_455 : i32 to vector<16xi32>
      %shift_right_arithmetic3A_457 = arith.shrsi %add3A_445, %shift_right_arithmetic3A_456 : vector<16xi32>
      %eq3A_458 = vector.broadcast %and3A_0 : i32 to vector<16xi32>
      %eq3A_459 = arith.cmpi eq, %shift_right_arithmetic3A_457, %eq3A_458 : vector<16xi32>
      tpu.vector_store_idx %arg6[%and3A_454], %and3A_440 masked %eq3A_459 : memref<8192xi32, #tpu.memory_space<vmem>>[vector<16xi32>], vector<16xi32>, vector<16xi1>
      %sub3A_460 = vector.broadcast %mul3A_1 : i32 to vector<16xi32>
      %sub3A_461 = arith.subi %and3A_440, %sub3A_460 : vector<16xi32>
      tpu.vector_store_idx %arg16[%sub3A_461], %add3A_445 : memref<8192xi32, #tpu.memory_space<vmem>>[vector<16xi32>], vector<16xi32>,
    }
    %scan3A_321 = arith.constant 512 : i32
    "tpu.region"() ({
      %run_scoped3A = tpu.sem_alloc : memref<!tpu.dma_semaphore, #tpu.memory_space<semaphore_mem>>
      %dma_start3A = arith.constant 0 : i32
      %dma_start3A_328 = tpu.memref_slice %arg19[%arg1, %dma_start3A] : memref<16x8192xi32, #tpu.memory_space<vmem_shared>> -> memref<1x8192xi32, #tpu.memory_space<vmem_shared>>
      %dma_start3A_329 = tpu.memref_squeeze %dma_start3A_328 : memref<1x8192xi32, #tpu.memory_space<vmem_shared>> -> memref<8192xi32, #tpu.memory_space<vmem_shared>>
      %dma_start3A_330 = arith.constant 0 : i32
      %dma_start3A_331 = tpu.memref_slice %arg19[%arg1, %dma_start3A_330] : memref<16x8192xi32, #tpu.memory_space<vmem_shared>> -> memref<1x8192xi32, #tpu.memory_space<vmem_shared>>
      %dma_start3A_332 = tpu.memref_squeeze %dma_start3A_331 : memref<1x8192xi32, #tpu.memory_space<vmem_shared>> -> memref<8192xi32, #tpu.memory_space<vmem_shared>>
      tpu.enqueue_dma source(%arg7 : memref<8192xi32, #tpu.memory_space<vmem>>) target(%dma_start3A_332 : memref<8192xi32, #tpu.memory_space<vmem_shared>>) target_semaphore(%run_scoped3A : memref<!tpu.dma_semaphore, #tpu.memory_space<semaphore_mem>>)
      %dma_wait3A = arith.constant 0 : i32
      %dma_wait3A_333 = tpu.memref_slice %arg19[%arg1, %dma_wait3A] : memref<16x8192xi32, #tpu.memory_space<vmem_shared>> -> memref<1x8192xi32, #tpu.memory_space<vmem_shared>>
      %dma_wait3A_334 = tpu.memref_squeeze %dma_wait3A_333 : memref<1x8192xi32, #tpu.memory_space<vmem_shared>> -> memref<8192xi32, #tpu.memory_space<vmem_shared>>
      %dma_wait3A_335 = arith.constant 0 : i32
      %dma_wait3A_336 = tpu.memref_slice %arg19[%arg1, %dma_wait3A_335] : memref<16x8192xi32, #tpu.memory_space<vmem_shared>> -> memref<1x8192xi32, #tpu.memory_space<vmem_shared>>
      %dma_wait3A_337 = tpu.memref_squeeze %dma_wait3A_336 : memref<1x8192xi32, #tpu.memory_space<vmem_shared>> -> memref<8192xi32, #tpu.memory_space<vmem_shared>>
      tpu.wait_dma2 semaphore(%run_scoped3A : memref<!tpu.dma_semaphore, #tpu.memory_space<semaphore_mem>>) src(%arg7 : memref<8192xi32, #tpu.memory_space<vmem>>) dst(%dma_wait3A_337 : memref<8192xi32, #tpu.memory_space<vmem_shared>>)
      tpu.yield
    }) : () -> ()
    %barrier3A_322 = arith.constant 0 : index
    tpu.barrier barrier_id(%barrier3A_322)
    "tpu.region"() ({
      %run_scoped3A = tpu.sem_alloc : memref<!tpu.dma_semaphore, #tpu.memory_space<semaphore_mem>>
      %dma_start3A = arith.constant 0 : i32
      %dma_start3A_328 = tpu.memref_slice %arg19[%xor3A_297, %dma_start3A] : memref<16x8192xi32, #tpu.memory_space<vmem_shared>> -> memref<1x8192xi32, #tpu.memory_space<vmem_shared>>
      %dma_start3A_329 = tpu.memref_squeeze %dma_start3A_328 : memref<1x8192xi32, #tpu.memory_space<vmem_shared>> -> memref<8192xi32, #tpu.memory_space<vmem_shared>>
      %dma_start3A_330 = arith.constant 0 : i32
      %dma_start3A_331 = tpu.memref_slice %arg19[%xor3A_297, %dma_start3A_330] : memref<16x8192xi32, #tpu.memory_space<vmem_shared>> -> memref<1x8192xi32, #tpu.memory_space<vmem_shared>>
      %dma_start3A_332 = tpu.memref_squeeze %dma_start3A_331 : memref<1x8192xi32, #tpu.memory_space<vmem_shared>> -> memref<8192xi32, #tpu.memory_space<vmem_shared>>
      tpu.enqueue_dma source(%dma_start3A_332 : memref<8192xi32, #tpu.memory_space<vmem_shared>>) target(%arg10 : memref<8192xi32, #tpu.memory_space<vmem>>) target_semaphore(%run_scoped3A : memref<!tpu.dma_semaphore, #tpu.memory_space<semaphore_mem>>)
      %dma_wait3A = arith.constant 0 : i32
      %dma_wait3A_333 = tpu.memref_slice %arg19[%xor3A_297, %dma_wait3A] : memref<16x8192xi32, #tpu.memory_space<vmem_shared>> -> memref<1x8192xi32, #tpu.memory_space<vmem_shared>>
      %dma_wait3A_334 = tpu.memref_squeeze %dma_wait3A_333 : memref<1x8192xi32, #tpu.memory_space<vmem_shared>> -> memref<8192xi32, #tpu.memory_space<vmem_shared>>
      %dma_wait3A_335 = arith.constant 0 : i32
      %dma_wait3A_336 = tpu.memref_slice %arg19[%xor3A_297, %dma_wait3A_335] : memref<16x8192xi32, #tpu.memory_space<vmem_shared>> -> memref<1x8192xi32, #tpu.memory_space<vmem_shared>>
      %dma_wait3A_337 = tpu.memref_squeeze %dma_wait3A_336 : memref<1x8192xi32, #tpu.memory_space<vmem_shared>> -> memref<8192xi32, #tpu.memory_space<vmem_shared>>
      tpu.wait_dma2 semaphore(%run_scoped3A : memref<!tpu.dma_semaphore, #tpu.memory_space<semaphore_mem>>) src(%dma_wait3A_337 : memref<8192xi32, #tpu.memory_space<vmem_shared>>) dst(%arg10 : memref<8192xi32, #tpu.memory_space<vmem>>)
      tpu.yield
    }) : () -> ()
    %scan3A_323 = arith.constant 0 : i32
    %scan3A_324 = arith.constant 512 : i32
    %scan3A_325 = arith.addi %scan3A_323, %scan3A_324 : i32
    %scan3A_326 = arith.constant 4 : i32
    scf.for %scan3A_328 = %scan3A_323 to %scan3A_325 step %scan3A_326  : i32 {
      %mul3A_329 = arith.constant 16 : i32
      %mul3A_330 = arith.muli %scan3A_328, %mul3A_329 : i32
      %add3A_331 = arith.constant 0 : i32
      %add3A_332 = arith.addi %add3A_331, %mul3A_330 : i32
      %get3A = arith.index_cast %add3A_332 : i32 to index
      %get3A_333 = tpu.vector_load %arg10[%get3A] {strides = array<i32>} : memref<8192xi32, #tpu.memory_space<vmem>>, vector<16xi32>,
      %shift_right_arithmetic3A_334 = arith.constant 14 : i32
      %shift_right_arithmetic3A_335 = vector.broadcast %shift_right_arithmetic3A_334 : i32 to vector<16xi32>
      %shift_right_arithmetic3A_336 = arith.shrsi %get3A_333, %shift_right_arithmetic3A_335 : vector<16xi32>
      %and3A_337 = arith.constant 16383 : i32
      %and3A_338 = vector.broadcast %and3A_337 : i32 to vector<16xi32>
      %and3A_339 = arith.andi %get3A_333, %and3A_338 : vector<16xi32>
      %and3A_340 = arith.constant 8191 : i32
      %and3A_341 = vector.broadcast %and3A_340 : i32 to vector<16xi32>
      %and3A_342 = arith.andi %shift_right_arithmetic3A_336, %and3A_341 : vector<16xi32>
      %shift_right_arithmetic3A_343 = arith.constant 13 : i32
      %shift_right_arithmetic3A_344 = vector.broadcast %shift_right_arithmetic3A_343 : i32 to vector<16xi32>
      %shift_right_arithmetic3A_345 = arith.shrsi %shift_right_arithmetic3A_336, %shift_right_arithmetic3A_344 : vector<16xi32>
      %eq3A_346 = vector.broadcast %and3A_0 : i32 to vector<16xi32>
      %eq3A_347 = arith.cmpi eq, %shift_right_arithmetic3A_345, %eq3A_346 : vector<16xi32>
      tpu.vector_store_idx %arg6[%and3A_342], %and3A_339 masked %eq3A_347 : memref<8192xi32, #tpu.memory_space<vmem>>[vector<16xi32>], vector<16xi32>, vector<16xi1>
      %scan3A_348 = arith.constant 1 : i32
      %scan3A_349 = arith.addi %scan3A_328, %scan3A_348 : i32
      %mul3A_350 = arith.constant 16 : i32
      %mul3A_351 = arith.muli %scan3A_349, %mul3A_350 : i32
      %add3A_352 = arith.constant 0 : i32
      %add3A_353 = arith.addi %add3A_352, %mul3A_351 : i32
      %get3A_354 = arith.index_cast %add3A_353 : i32 to index
      %get3A_355 = tpu.vector_load %arg10[%get3A_354] {strides = array<i32>} : memref<8192xi32, #tpu.memory_space<vmem>>, vector<16xi32>,
      %shift_right_arithmetic3A_356 = arith.constant 14 : i32
      %shift_right_arithmetic3A_357 = vector.broadcast %shift_right_arithmetic3A_356 : i32 to vector<16xi32>
      %shift_right_arithmetic3A_358 = arith.shrsi %get3A_355, %shift_right_arithmetic3A_357 : vector<16xi32>
      %and3A_359 = arith.constant 16383 : i32
      %and3A_360 = vector.broadcast %and3A_359 : i32 to vector<16xi32>
      %and3A_361 = arith.andi %get3A_355, %and3A_360 : vector<16xi32>
      %and3A_362 = arith.constant 8191 : i32
      %and3A_363 = vector.broadcast %and3A_362 : i32 to vector<16xi32>
      %and3A_364 = arith.andi %shift_right_arithmetic3A_358, %and3A_363 : vector<16xi32>
      %shift_right_arithmetic3A_365 = arith.constant 13 : i32
      %shift_right_arithmetic3A_366 = vector.broadcast %shift_right_arithmetic3A_365 : i32 to vector<16xi32>
      %shift_right_arithmetic3A_367 = arith.shrsi %shift_right_arithmetic3A_358, %shift_right_arithmetic3A_366 : vector<16xi32>
      %eq3A_368 = vector.broadcast %and3A_0 : i32 to vector<16xi32>
      %eq3A_369 = arith.cmpi eq, %shift_right_arithmetic3A_367, %eq3A_368 : vector<16xi32>
      tpu.vector_store_idx %arg6[%and3A_364], %and3A_361 masked %eq3A_369 : memref<8192xi32, #tpu.memory_space<vmem>>[vector<16xi32>], vector<16xi32>, vector<16xi1>
      %scan3A_370 = arith.constant 2 : i32
      %scan3A_371 = arith.addi %scan3A_328, %scan3A_370 : i32
      %mul3A_372 = arith.constant 16 : i32
      %mul3A_373 = arith.muli %scan3A_371, %mul3A_372 : i32
      %add3A_374 = arith.constant 0 : i32
      %add3A_375 = arith.addi %add3A_374, %mul3A_373 : i32
      %get3A_376 = arith.index_cast %add3A_375 : i32 to index
      %get3A_377 = tpu.vector_load %arg10[%get3A_376] {strides = array<i32>} : memref<8192xi32, #tpu.memory_space<vmem>>, vector<16xi32>,
      %shift_right_arithmetic3A_378 = arith.constant 14 : i32
      %shift_right_arithmetic3A_379 = vector.broadcast %shift_right_arithmetic3A_378 : i32 to vector<16xi32>
      %shift_right_arithmetic3A_380 = arith.shrsi %get3A_377, %shift_right_arithmetic3A_379 : vector<16xi32>
      %and3A_381 = arith.constant 16383 : i32
      %and3A_382 = vector.broadcast %and3A_381 : i32 to vector<16xi32>
      %and3A_383 = arith.andi %get3A_377, %and3A_382 : vector<16xi32>
      %and3A_384 = arith.constant 8191 : i32
      %and3A_385 = vector.broadcast %and3A_384 : i32 to vector<16xi32>
      %and3A_386 = arith.andi %shift_right_arithmetic3A_380, %and3A_385 : vector<16xi32>
      %shift_right_arithmetic3A_387 = arith.constant 13 : i32
      %shift_right_arithmetic3A_388 = vector.broadcast %shift_right_arithmetic3A_387 : i32 to vector<16xi32>
      %shift_right_arithmetic3A_389 = arith.shrsi %shift_right_arithmetic3A_380, %shift_right_arithmetic3A_388 : vector<16xi32>
      %eq3A_390 = vector.broadcast %and3A_0 : i32 to vector<16xi32>
      %eq3A_391 = arith.cmpi eq, %shift_right_arithmetic3A_389, %eq3A_390 : vector<16xi32>
      tpu.vector_store_idx %arg6[%and3A_386], %and3A_383 masked %eq3A_391 : memref<8192xi32, #tpu.memory_space<vmem>>[vector<16xi32>], vector<16xi32>, vector<16xi1>
      %scan3A_392 = arith.constant 3 : i32
      %scan3A_393 = arith.addi %scan3A_328, %scan3A_392 : i32
      %mul3A_394 = arith.constant 16 : i32
      %mul3A_395 = arith.muli %scan3A_393, %mul3A_394 : i32
      %add3A_396 = arith.constant 0 : i32
      %add3A_397 = arith.addi %add3A_396, %mul3A_395 : i32
      %get3A_398 = arith.index_cast %add3A_397 : i32 to index
      %get3A_399 = tpu.vector_load %arg10[%get3A_398] {strides = array<i32>} : memref<8192xi32, #tpu.memory_space<vmem>>, vector<16xi32>,
      %shift_right_arithmetic3A_400 = arith.constant 14 : i32
      %shift_right_arithmetic3A_401 = vector.broadcast %shift_right_arithmetic3A_400 : i32 to vector<16xi32>
      %shift_right_arithmetic3A_402 = arith.shrsi %get3A_399, %shift_right_arithmetic3A_401 : vector<16xi32>
      %and3A_403 = arith.constant 16383 : i32
      %and3A_404 = vector.broadcast %and3A_403 : i32 to vector<16xi32>
      %and3A_405 = arith.andi %get3A_399, %and3A_404 : vector<16xi32>
      %and3A_406 = arith.constant 8191 : i32
      %and3A_407 = vector.broadcast %and3A_406 : i32 to vector<16xi32>
      %and3A_408 = arith.andi %shift_right_arithmetic3A_402, %and3A_407 : vector<16xi32>
      %shift_right_arithmetic3A_409 = arith.constant 13 : i32
      %shift_right_arithmetic3A_410 = vector.broadcast %shift_right_arithmetic3A_409 : i32 to vector<16xi32>
      %shift_right_arithmetic3A_411 = arith.shrsi %shift_right_arithmetic3A_402, %shift_right_arithmetic3A_410 : vector<16xi32>
      %eq3A_412 = vector.broadcast %and3A_0 : i32 to vector<16xi32>
      %eq3A_413 = arith.cmpi eq, %shift_right_arithmetic3A_411, %eq3A_412 : vector<16xi32>
      tpu.vector_store_idx %arg6[%and3A_408], %and3A_405 masked %eq3A_413 : memref<8192xi32, #tpu.memory_space<vmem>>[vector<16xi32>], vector<16xi32>, vector<16xi1>
    }
    %scan3A_327 = arith.constant 512 : i32
    "tpu.region"() ({
      %run_scoped3A = tpu.sem_alloc : memref<!tpu.dma_semaphore, #tpu.memory_space<semaphore_mem>>
      %dma_start3A = arith.constant 0 : i32
      %dma_start3A_328 = tpu.memref_slice %arg4[%add3A_7, %dma_start3A] : memref<32x8192xi32, #tpu.memory_space<hbm>> -> memref<1x8192xi32, #tpu.memory_space<hbm>>
      %dma_start3A_329 = tpu.memref_squeeze %dma_start3A_328 : memref<1x8192xi32, #tpu.memory_space<hbm>> -> memref<8192xi32, #tpu.memory_space<hbm>>
      %dma_start3A_330 = arith.constant 0 : i32
      %dma_start3A_331 = tpu.memref_slice %arg4[%add3A_7, %dma_start3A_330] : memref<32x8192xi32, #tpu.memory_space<hbm>> -> memref<1x8192xi32, #tpu.memory_space<hbm>>
      %dma_start3A_332 = tpu.memref_squeeze %dma_start3A_331 : memref<1x8192xi32, #tpu.memory_space<hbm>> -> memref<8192xi32, #tpu.memory_space<hbm>>
      tpu.enqueue_dma source(%arg6 : memref<8192xi32, #tpu.memory_space<vmem>>) target(%dma_start3A_332 : memref<8192xi32, #tpu.memory_space<hbm>>) target_semaphore(%run_scoped3A : memref<!tpu.dma_semaphore, #tpu.memory_space<semaphore_mem>>)
      %dma_wait3A = arith.constant 0 : i32
      %dma_wait3A_333 = tpu.memref_slice %arg4[%add3A_7, %dma_wait3A] : memref<32x8192xi32, #tpu.memory_space<hbm>> -> memref<1x8192xi32, #tpu.memory_space<hbm>>
      %dma_wait3A_334 = tpu.memref_squeeze %dma_wait3A_333 : memref<1x8192xi32, #tpu.memory_space<hbm>> -> memref<8192xi32, #tpu.memory_space<hbm>>
      %dma_wait3A_335 = arith.constant 0 : i32
      %dma_wait3A_336 = tpu.memref_slice %arg4[%add3A_7, %dma_wait3A_335] : memref<32x8192xi32, #tpu.memory_space<hbm>> -> memref<1x8192xi32, #tpu.memory_space<hbm>>
      %dma_wait3A_337 = tpu.memref_squeeze %dma_wait3A_336 : memref<1x8192xi32, #tpu.memory_space<hbm>> -> memref<8192xi32, #tpu.memory_space<hbm>>
      tpu.wait_dma2 semaphore(%run_scoped3A : memref<!tpu.dma_semaphore, #tpu.memory_space<semaphore_mem>>) src(%arg6 : memref<8192xi32, #tpu.memory_space<vmem>>) dst(%dma_wait3A_337 : memref<8192xi32, #tpu.memory_space<hbm>>)
      tpu.yield
    }) : () -> ()
    "tpu.region"() ({
      %run_scoped3A = tpu.sem_alloc : memref<!tpu.dma_semaphore, #tpu.memory_space<semaphore_mem>>
      %dma_start3A = arith.constant 0 : i32
      %dma_start3A_328 = tpu.memref_slice %arg5[%add3A_7, %dma_start3A] : memref<32x8192xi32, #tpu.memory_space<hbm>> -> memref<1x8192xi32, #tpu.memory_space<hbm>>
      %dma_start3A_329 = tpu.memref_squeeze %dma_start3A_328 : memref<1x8192xi32, #tpu.memory_space<hbm>> -> memref<8192xi32, #tpu.memory_space<hbm>>
      %dma_start3A_330 = arith.constant 0 : i32
      %dma_start3A_331 = tpu.memref_slice %arg5[%add3A_7, %dma_start3A_330] : memref<32x8192xi32, #tpu.memory_space<hbm>> -> memref<1x8192xi32, #tpu.memory_space<hbm>>
      %dma_start3A_332 = tpu.memref_squeeze %dma_start3A_331 : memref<1x8192xi32, #tpu.memory_space<hbm>> -> memref<8192xi32, #tpu.memory_space<hbm>>
      tpu.enqueue_dma source(%arg16 : memref<8192xi32, #tpu.memory_space<vmem>>) target(%dma_start3A_332 : memref<8192xi32, #tpu.memory_space<hbm>>) target_semaphore(%run_scoped3A : memref<!tpu.dma_semaphore, #tpu.memory_space<semaphore_mem>>)
      %dma_wait3A = arith.constant 0 : i32
      %dma_wait3A_333 = tpu.memref_slice %arg5[%add3A_7, %dma_wait3A] : memref<32x8192xi32, #tpu.memory_space<hbm>> -> memref<1x8192xi32, #tpu.memory_space<hbm>>
      %dma_wait3A_334 = tpu.memref_squeeze %dma_wait3A_333 : memref<1x8192xi32, #tpu.memory_space<hbm>> -> memref<8192xi32, #tpu.memory_space<hbm>>
      %dma_wait3A_335 = arith.constant 0 : i32
      %dma_wait3A_336 = tpu.memref_slice %arg5[%add3A_7, %dma_wait3A_335] : memref<32x8192xi32, #tpu.memory_space<hbm>> -> memref<1x8192xi32, #tpu.memory_space<hbm>>
      %dma_wait3A_337 = tpu.memref_squeeze %dma_wait3A_336 : memref<1x8192xi32, #tpu.memory_space<hbm>> -> memref<8192xi32, #tpu.memory_space<hbm>>
      tpu.wait_dma2 semaphore(%run_scoped3A : memref<!tpu.dma_semaphore, #tpu.memory_space<semaphore_mem>>) src(%arg16 : memref<8192xi32, #tpu.memory_space<vmem>>) dst(%dma_wait3A_337 : memref<8192xi32, #tpu.memory_space<hbm>>)
      tpu.yield
    }) : () -> ()
    return
  }
}

module attributes {stable_mosaic.version = 14 : i64} {
  func.func @_encode_body(%arg0: memref<24x16384xf32, #tpu.memory_space<vmem>>, %arg1: memref<16x16384xi32, #tpu.memory_space<vmem>>) attributes {dimension_semantics = [], scalar_prefetch = 0 : i64, scratch_operands = 0 : i64, tpu.core_type = #tpu.core_type<tc>} {
    %get3A = arith.constant 0 : index
    %get3A_0 = arith.constant 0 : index
    %get3A_1 = vector.load %arg0[%get3A, %get3A_0] : memref<24x16384xf32, #tpu.memory_space<vmem>>, vector<24x16384xf32>
    %reduce_min3A = arith.constant dense<0x7F800000> : vector<24xf32>
    %reduce_min3A_2 = vector.multi_reduction <minimumf>, %get3A_1, %reduce_min3A [1] : vector<24x16384xf32> to vector<24xf32>
    %broadcast_in_dim3A = vector.shape_cast %reduce_min3A_2 : vector<24xf32> to vector<24x1xf32>
    %sub3A = vector.broadcast %broadcast_in_dim3A : vector<24x1xf32> to vector<24x16384xf32>
    %sub3A_3 = arith.subf %get3A_1, %sub3A : vector<24x16384xf32>
    %div3A = arith.constant 2.000000e-02 : f32
    %div3A_4 = vector.broadcast %div3A : f32 to vector<24x16384xf32>
    %div3A_5 = arith.divf %sub3A_3, %div3A_4 : vector<24x16384xf32>
    %convert_element_type3A = arith.fptosi %div3A_5 : vector<24x16384xf32> to vector<24x16384xi32>
    %ge3A = arith.constant 128 : i32
    %ge3A_6 = vector.broadcast %ge3A : i32 to vector<24x16384xi32>
    %ge3A_7 = arith.cmpi sge, %convert_element_type3A, %ge3A_6 : vector<24x16384xi32>
    %jit3A = arith.constant 127 : i32
    %broadcast_in_dim3A_8 = vector.broadcast %jit3A : i32 to vector<24x16384xi32>
    %select_n3A = arith.select %ge3A_7, %broadcast_in_dim3A_8, %convert_element_type3A : vector<24x16384xi1>, vector<24x16384xi32>
    %slice3A = vector.extract_strided_slice %select_n3A {offsets = [0, 0], sizes = [8, 16384], strides = [1, 1]} : vector<24x16384xi32> to vector<8x16384xi32>
    %slice3A_9 = vector.extract_strided_slice %select_n3A {offsets = [8, 0], sizes = [8, 16384], strides = [1, 1]} : vector<24x16384xi32> to vector<8x16384xi32>
    %slice3A_10 = vector.extract_strided_slice %select_n3A {offsets = [16, 0], sizes = [8, 16384], strides = [1, 1]} : vector<24x16384xi32> to vector<8x16384xi32>
    %mul3A = arith.constant 16384 : i32
    %mul3A_11 = vector.broadcast %mul3A : i32 to vector<8x16384xi32>
    %mul3A_12 = arith.muli %slice3A_10, %mul3A_11 : vector<8x16384xi32>
    %mul3A_13 = arith.constant 128 : i32
    %mul3A_14 = vector.broadcast %mul3A_13 : i32 to vector<8x16384xi32>
    %mul3A_15 = arith.muli %slice3A_9, %mul3A_14 : vector<8x16384xi32>
    %add3A = arith.addi %mul3A_12, %mul3A_15 : vector<8x16384xi32>
    %add3A_16 = arith.addi %add3A, %slice3A : vector<8x16384xi32>
    %mul3A_17 = arith.constant 128 : i32
    %mul3A_18 = vector.broadcast %mul3A_17 : i32 to vector<8x16384xi32>
    %mul3A_19 = arith.muli %slice3A, %mul3A_18 : vector<8x16384xi32>
    %add3A_20 = arith.addi %mul3A_12, %mul3A_19 : vector<8x16384xi32>
    %add3A_21 = arith.addi %add3A_20, %slice3A_9 : vector<8x16384xi32>
    %concatenate3A = tpu.concatenate %add3A_16, %add3A_21 in 0 : vector<8x16384xi32>, vector<8x16384xi32> -> vector<16x16384xi32>
    %swap3A = arith.constant 0 : index
    %swap3A_22 = arith.constant 0 : index
    %swap3A_23 = vector.load %arg1[%swap3A, %swap3A_22] : memref<16x16384xi32, #tpu.memory_space<vmem>>, vector<16x16384xi32>
    tpu.vector_store %arg1[%swap3A, %swap3A_22], %concatenate3A {strides = array<i32>} : memref<16x16384xi32, #tpu.memory_space<vmem>>, vector<16x16384xi32>,
    return
  }
}

</mosaic_0001>

<sc_bundles>
// kernel: kernel.4.cloned.1.call-start
scs
__scs_entry_jumppad:
0x0: {  	(pc) =	sbr.rel $0x88, $3  }
0x1: {  	(tag) =	ssettag $0x0;
	lr =	simm.s32 $0x1  }
0x2: {  	[smem:$0x3F9F] =	sst lr;
	_ =	strace $0xD0000000  }
0x3: {  	_ = 	snop  }
0x4: {  	_ = 	snop  }
0x5: {  	_ = 	snop  }
0x6: {  	_ = 	snop  }
0x7: {  	_ = 	snop  }
__scs_overlays_trampoline_lowered:
0x8: {  	[smem:$0x3FAE] =	sst s0  }
0x9: {  	[smem:$0x3FAF] =	sst s1  }
0xa: {  	[smem:$0x3FB0] =	sst s2  }
0xb: {  	[smem:$0x3FB1] =	sst s3  }
0xc: {  	[smem:$0x3FB2] =	sst s4  }
0xd: {  	[smem:$0x3FB3] =	sst s5  }
0xe: {  	[smem:$0x3FB4] =	sst s6  }
0xf: {  	[smem:$0x3FB5] =	sst s7  }
0x10: {  	[smem:$0x3FB6] =	sst s8  }
0x11: {  	[smem:$0x3FB7] =	sst s9;
	s0 =	simm.s32 @!p0 $0x0  }
0x12: {  	s1 =	sld [smem:$0x3F9D];
	s0 =	simm.s32 @p0 $0x1  }
0x13: {  	[smem:$0x3FB8] =	sst s0;
	s0 =	simm.s32 @!p1 $0x0  }
0x14: {  	s2 =	sld [smem:$0x3F9C];
	s0 =	simm.s32 @p1 $0x1  }
0x15: {  	[smem:$0x3FB9] =	sst s0;
	s0 =	simm.s32 @!p2 $0x0  }
0x16: {  	s3 =	sld [smem:$0x3FDB];
	s0 =	simm.s32 @p2 $0x1  }
0x17: {  	s4 =	simm.s32 $0x1BF5;
	[smem:$0x3FBB] =	sst s0  }
0x18: {  	s0 =	sld [smem:$0x3F9E];
	_ =	swait.ge [sflag:s4], $0x0  }
0x19: {  	s7 =	sld [smem:$0x3F9F]  }
0x1a: {  	s8 =	sadd.s32 $0xFFFFE003, lr  }
0x1b: {  	s9 =	sadd.s32 $0xFFFFFEF7, lr;
	s5 =	simm.s32 $0xFFFFFFFF;
	p2 =	slt.u32 s8, $0xFFFFF086  }
0x1c: {  	p1 =	slt.u32 s9, $0xF7A;
	s5 =	simm.s32 @!p2 $0x0  }
0x1d: {  	s5 =	simm.s32 @p1 $0x1;
	p0 =	seq.s32 s7, s2  }
0x1e: {  	s7 =	smul.u32 @!p0 $0xF7A, s2;
	p2 =	seq.s32 @!p0 s5, $0x0  }
0x1f: {  	s9 =	smul.u32 $0xF7A, s1;
	s8 =	simm.s32 @!p0 $0x1BF5;
	p2 =	por !p2, p0  }
0x20: {  	[sflag:s8] =	ssyncset.s32 @!p0 $0xFFFFF086;
	s6 =	sadd.s32 @!p0 s3, s7;
	s7 =	simm.s32 @!p0 $0x108  }
0x21: {  	s3 =	sadd.s32 s3, s9;
	s6 =	sadd.s32 @!p0 $0x88, s6;
	s7 =	simm.s32 @p2 $0x1082  }
0x22: {  	[simem:s7], [sflag:s8] =	dma.local @!p0 [hbm:s6], $0xF7A  }
0x23: {  	s9 =	sor.u32 $0xD0000000, s2;
	s6 =	simm.s32 $0x108;
	_ =	swait.ge @!p0 [sflag:s8], $0x0  }
0x24: {  	s3 =	sadd.s32 $0x88, s3;
	s6 =	simm.s32 @!p1 $0x1082;
	[sflag:s4] =	ssyncset.s32 $0xFFFFF086  }
0x25: {  	[simem:s6], [sflag:s4] =	dma.local [hbm:s3], $0xF7A  }
0x26: {  	[smem:$0x3F9F] =	sst s1;
	(tag) =	ssettag s2;
	_ =	strace s9  }
0x27: {  	s1 =	sld [smem:$0x3FAF]  }
0x28: {  	s2 =	sld [smem:$0x3FB0]  }
0x29: {  	s4 =	sld [smem:$0x3FB2]  }
0x2a: {  	p0 =	seq.s32 s5, $0x0;
	s5 =	sld [smem:$0x3FB3]  }
0x2b: {  	s6 =	sld [smem:$0x3FB4]  }
0x2c: {  	s7 =	sld [smem:$0x3FB5]  }
0x2d: {  	s3 =	simm.s32 $0x108;
	s8 =	sld [smem:$0x3FB6]  }
0x2e: {  	s3 =	simm.s32 @!p0 $0x1082;
	s9 =	sld [smem:$0x3FB7]  }
0x2f: {  	lr =	sadd.s32 s0, s3;
	s0 =	sld [smem:$0x3FAE]  }
0x30: {  	s3 =	sld [smem:$0x3FB1]  }
0x31: {  	[smem:$0x3FBA] =	sst s10  }
0x32: {  	s10 =	sld [smem:$0x3FB8];
	_ =	sdelay $0x3  }
0x33: {  	p0 =	seq.s32 s10, $0x1;
	s10 =	sld [smem:$0x3FBA];
	_ =	sdelay $0x3  }
0x34: {  	[smem:$0x3FBA] =	sst s10  }
0x35: {  	s10 =	sld [smem:$0x3FB9];
	_ =	sdelay $0x3  }
0x36: {  	p1 =	seq.s32 s10, $0x1;
	s10 =	sld [smem:$0x3FBA];
	_ =	sdelay $0x3  }
0x37: {  	[smem:$0x3FBA] =	sst s10  }
0x38: {  	s10 =	sld [smem:$0x3FBB]  }
0x39: {  	_ = 	snop;
	(pc) =	sbr.ind lr, $3  }
0x3a: {  	_ = 	snop  }
0x3b: {  	_ = 	snop  }
0x3c: {  	p2 =	seq.s32 s10, $0x1;
	s10 =	sld [smem:$0x3FBA]  }
0x3d: {  	_ =	shalt  }
0x3e: {  	_ =	shalt  }
0x3f: {  	_ =	shalt  }
0x40: {  	_ =	shalt  }
0x41: {  	_ =	shalt  }
0x42: {  	_ =	shalt  }
0x43: {  	_ =	shalt  }
0x44: {  	_ =	shalt  }
0x45: {  	_ =	shalt  }
0x46: {  	_ =	shalt  }
0x47: {  	_ =	shalt  }
0x48: {  	_ =	shalt  }
0x49: {  	_ =	shalt  }
0x4a: {  	_ =	shalt  }
0x4b: {  	_ =	shalt  }
0x4c: {  	_ =	shalt  }
0x4d: {  	_ =	shalt  }
0x4e: {  	_ =	shalt  }
0x4f: {  	_ =	shalt  }
0x50: {  	_ =	shalt  }
0x51: {  	_ =	shalt  }
0x52: {  	_ =	shalt  }
0x53: {  	_ =	shalt  }
0x54: {  	_ =	shalt  }
0x55: {  	_ =	shalt  }
0x56: {  	_ =	shalt  }
0x57: {  	_ =	shalt  }
0x58: {  	_ =	shalt  }
0x59: {  	_ =	shalt  }
0x5a: {  	_ =	shalt  }
0x5b: {  	_ =	shalt  }
0x5c: {  	_ =	shalt  }
0x5d: {  	_ =	shalt  }
0x5e: {  	_ =	shalt  }
0x5f: {  	_ =	shalt  }
0x60: {  	_ =	shalt  }
0x61: {  	_ =	shalt  }
0x62: {  	_ =	shalt  }
0x63: {  	_ =	shalt  }
0x64: {  	_ =	shalt  }
0x65: {  	_ =	shalt  }
0x66: {  	_ =	shalt  }
0x67: {  	_ =	shalt  }
0x68: {  	_ =	shalt  }
0x69: {  	_ =	shalt  }
0x6a: {  	_ =	shalt  }
0x6b: {  	_ =	shalt  }
0x6c: {  	_ =	shalt  }
0x6d: {  	_ =	shalt  }
0x6e: {  	_ =	shalt  }
0x6f: {  	_ =	shalt  }
0x70: {  	_ =	shalt  }
0x71: {  	_ =	shalt  }
0x72: {  	_ =	shalt  }
0x73: {  	_ =	shalt  }
0x74: {  	_ =	shalt  }
0x75: {  	_ =	shalt  }
0x76: {  	_ =	shalt  }
0x77: {  	_ =	shalt  }
0x78: {  	_ =	shalt  }
0x79: {  	_ =	shalt  }
0x7a: {  	_ =	shalt  }
0x7b: {  	_ =	shalt  }
0x7c: {  	_ =	shalt  }
0x7d: {  	_ =	shalt  }
0x7e: {  	_ =	shalt  }
0x7f: {  	_ =	shalt  }
0x80: {  	_ =	shalt  }
0x81: {  	_ =	shalt  }
0x82: {  	_ =	shalt  }
0x83: {  	_ =	shalt  }
0x84: {  	_ =	shalt  }
0x85: {  	_ =	shalt  }
0x86: {  	_ =	shalt  }
0x87: {  	_ =	shalt  }
.Lfunc_end0:
.L_simem_size_0:
called_computation_lowered:
.L_overlay_start_0:
0x88: {  	s2 =	sld [smem:$0x3FD9]  }
0x89: {  	s3 =	sld [smem:$0x3FFE];
	_ =	sdelay $0x1  }
0x8a: {  	s1 =	srdreg.scid  }
0x8b: {  	s0 =	sand.u32 $0x1, s1  }
0x8c: {  	s14 =	sshll.u32 s0, $0xA;
	s2 =	sadd.s32 s3, s2  }
0x8d: {  	s2 =	sadd.s32 s2, s14  }
0x8e: {  	[smem:$0x3FC6] =	sst s2  }
0x8f: {  	_ = 	snop  }
0x90: {  	s2 =	sld [smem:$0x3FD0];
	_ =	sdelay $0x2  }
0x91: {  	s4 =	simm.s32 $0xA;
	s5 =	simm.s32 $0x10;
	s15 =	sld [smem:$0x3FC8]  }
0x92: {  	[smem:s5], [sflag:s4] =	dma.local [hbm:s2], $0x1  }
0x93: {  	_ =	swait.eq [sflag:s4], $0x1  }
0x94: {  	[sflag:s4] =	ssyncset.done $0x0  }
0x95: {  	[sflag:s4] =	ssyncadd.s32 $0xFFFFFFFF  }
0x96: {  	s16 =	sld [smem:$0x11];
	(tm) =	ssettm $0x1  }
0x97: {  	s17 =	sld [smem:$0x3FFB];
	_ =	sdelay $0x3  }
0x98: {  	_ =	strace s17  }
0x99: {  	s4 =	sld [smem:$0x3FFC];
	_ =	sdelay $0x3  }
0x9a: {  	_ =	strace s4  }
0x9b: {  	s4 =	sld [smem:$0x3FFD];
	_ =	sdelay $0x3  }
0x9c: {  	_ =	strace s4  }
0x9d: {  	_ =	strace $0x8FFFFFFF  }
0x9e: {  	s18 =	sld [smem:$0x3FDB];
	_ =	sdelay $0x1  }
0x9f: {  	s19 =	simm.s32 $_scs_section_size  }
0xa0: {  	s6 =	simm.s32 $_size__tile_overlayer_lowered;
	s7 =	simm.s32 $_tile_overlayer_lowered  }
0xa1: {  	s22 =	simm.s32 $0x1BFF;
	s21 =	sshll.u32 s7, $0x1;
	s4 =	sadd.s32 s19, s18  }
0xa2: {  	s8 =	simm.s32 $0x0;
	s20 =	sshll.u32 s6, $0x1;
	s6 =	sadd.s32 s21, s4  }
0xa3: {  	[timem:s8], [sflag:s22] =	dma.local [hbm:s6], s20  }
0xa4: {  	_ =	swait.ge [sflag:s22], s20  }
0xa5: {  	s5 =	ssub.s32 $0x0, s20;
	[sflag:s22] =	ssyncset.done $0x0  }
0xa6: {  	[sflag:s22] =	ssyncadd.s32 s5;
	_ =	sdelay $0x1  }
0xa7: {  	s23 =	simm.s32 $0x1B8B  }
0xa8: {  	_ =	swait.ge [sflag:s23], $0x1  }
0xa9: {  	[sflag:s23] =	ssyncset.done $0x0  }
0xaa: {  	s25 =	simm.s32 $0x1B8E;
	s24 =	sld [smem:$0x3FFE];
	[sflag:s23] =	ssyncadd.s32 $0xFFFFFFFF  }
0xab: {  	s26 =	simm.s32 $execute0_lowered;
	[smem:$0x3FD2] =	sst s25  }
0xac: {  	s6 =	sshll.u32 s26, $0x1;
	_ =	strace $0x80000046;
	[dreg:$0x1] =	wrdreg $0xFFFFFFFF  }
0xad: {  	s28 =	simm.s32 $_size_execute0_lowered;
	s4 =	sadd.s32 s4, s6;
	[dreg:$0x0] =	wrdreg $0x0  }
0xae: {  	s6 =	sshll.u32 s28, $0x1;
	[dreg:$0x2] =	wrdreg s4  }
0xaf: {  	[dreg:$0x3] =	wrdreg s6  }
0xb0: {  	[dreg:$0x4] =	wrdreg $0xC0  }
0xb1: {  	_ =	task [dreg:s8], $0x5FFFF  }
0xb2: {  	[dreg:$0x1] =	wrdreg $0xFFFFFFFF  }
0xb3: {  	[dreg:$0x0] =	wrdreg $0x60  }
0xb4: {  	[dreg:$0x2] =	wrdreg s16  }
0xb5: {  	[dreg:$0x3] =	wrdreg s15  }
0xb6: {  	[dreg:$0x4] =	wrdreg s24  }
0xb7: {  	[dreg:$0x5] =	wrdreg $0x14A800  }
0xb8: {  	[dreg:$0x6] =	wrdreg $0x16A800  }
0xb9: {  	[dreg:$0x7] =	wrdreg $0x18A900  }
0xba: {  	[dreg:$0x8] =	wrdreg $0x9  }
0xbb: {  	_ =	task.clear_ibuf [dreg:s8], $0x9FFFF;
	_ =	strace $0x90000046  }
0xbc: {  	s29 =	simm.s32 $0x9;
	_ =	strace $0x80000048  }
0xbd: {  	_ =	swait.ge [sflag:s29], $0x1  }
0xbe: {  	[sflag:s29] =	ssyncadd.s32 $0xFFFFFFFF  }
0xbf: {  	_ =	strace $0x90000048  }
0xc0: {  	_ =	sfence  }
0xc1: {  	s30 =	sld [smem:$0x0];
	_ =	sdelay $0x2  }
0xc2: {  	s31 =	sshll.u32 s1, $0xD;
	s1 =	sshrl.u32 s1, $0x2  }
0xc3: {  	s3 =	sand.u32 $0x4000, s31;
	s1 =	sadd.s32 s1, s30  }
0xc4: {  	s0 =	sor.u32 s3, s0;
	s1 =	sshll.u32 s1, $0x11  }
0xc5: {  	s0 =	sor.u32 s1, s0  }
0xc6: {  	s0 =	sadd.s32 $0x8F2B, s0  }
0xc7: {  	[sflag:s0] =	ssyncadd.remote.s32 $0x1  }
0xc8: {  	_ =	sfence.sel $0xFFFF  }
0xc9: {  	[dreg:$0x0] =	wrdreg $0xFFFFFFFF;
	(pc) =	sbr.abs _section_cstart, $3  }
0xca: {  	[dreg:$0x1] =	wrdreg $0xFFFFFFFF  }
0xcb: {  	_ =	task.clear_ibuf [dreg:s8], $0x2FFFF;
	_ =	strace $0x9FFFFFFF  }
0xcc: {  	(tm) =	ssettm $0x7FFFFFFF  }
0xcd: {  	_ =	shalt  }
tec
execute0_lowered:
.L_overlay_start_1:
0x0: {  	(tag) =	ssettag $0x1  }
0x1: {  	s1 =	rddreg [dreg:$0x0]  }
0x2: {  	s0 =	rddreg [dreg:$0x1]  }
0x3: {  	s2 =	rddreg [dreg:$0x2]  }
0x4: {  	s5 =	rddreg [dreg:$0x3]  }
0x5: {  	s6 =	rddreg [dreg:$0x4]  }
0x6: {  	s7 =	rddreg [dreg:$0x5];
	s3 =	srdreg.scid  }
0x7: {  	s12 =	stileid.u32;
	s16 =	simm.s32 $0x80;
	s28 =	simm.s32 $0xE980  }
0x8: {  	s29 =	simm.s32 $0x10A00;
	s30 =	simm.s32 $0x12A80;
	s31 =	simm.s32 $0x0  }
0x9: {  	s4 =	sand.u32 $0x1, s3;
	s17 =	sshll.u32 s12, $0xD;
	s10 =	sshll.u32 s12, $0x7  }
0xa: {  	s3 =	simm.s32 $0x0;
	s11 =	sshrl.u32 s12, $0x3;
	s22 =	sand.u32 $0x1, s12  }
0xb: {  	s8 =	sshll.u32 s4, $0x11;
	s9 =	sand.u32 $0x10000, s17;
	s18 =	sand.u32 $0x380, s10  }
0xc: {  	[smem:$0x7FF] =	sst s3;
	s4 =	ssub.s32 $0x2, s4;
	s20 =	smul.u32 $0x41000, s11  }
0xd: {  	s21 =	sshll.u32 s11, $0x10;
	s17 =	simm.s32 $0x400;
	s8 =	sor.u32 s8, s9  }
0xe: {  	_ =	strace $0x80000047;
	s19 =	sshrl.u32 s4, $0x1;
	s11 =	sor.u32 s18, s21  }
0xf: {  	s24 =	sxor.u32 $0x80, s18;
	s8 =	sor.u32 s18, s8;
	s14 =	ssub.s32 s4, s19  }
0x10: {  	s4 =	sshll.u32 s22, $0xD;
	s23 =	sshrl.u32 s20, $0x2;
	s25 =	sadd.s32 s11, s5  }
0x11: {  	s10 =	sadd.s32 s11, s7;
	s19 =	simm.s32 $0x6000;
	s20 =	simm.s32 $0xC100  }
0x12: {  	v2 =	vmov s22;
	s22 =	simm.s32 $0x4000;
	s8 =	sshrl.u32 s8, $0x3;
	[dreg:$0x8] =	wrdreg s25  }
0x13: {  	s6 =	sadd.s32 s23, s6;
	s14 =	smax.u32 s14, $0x1;
	s15 =	sor.u32 $0x30, s4  }
0x14: {  	s23 =	simm.s32 $0xA080;
	s25 =	simm.s32 $0x8080;
	s1 =	sadd.s32 s1, s8  }
0x15: {  	s2 =	sadd.s32 s8, s2;
	s8 =	sadd.s32 s18, s6;
	[dreg:$0x7] =	wrdreg s1  }
0x16: {  	v7 =	vimm.s32 $0x1000;
	s26 =	sadd.s32 s24, s6;
	s18 =	simm.s32 $0x2;
	[dreg:$0x9] =	wrdreg s8  }
0x17: {  	v3 =	vimm.s32 $0x0;
	s1 =	sor.u32 s21, s24;
	[dreg:$0xb] =	wrdreg s26;
	s12 =	sadd.s32 $0xA00, s2  }
0x18: {  	v4 =	vimm.s32 $0xFFFFFFFF;
	v5 =	vlaneseq.u32;
	v0 =	vmov s4;
	s13 =	sadd.s32 $0x8A00, s2;
	s21 =	simm.s32 $0x2000;
	s5 =	sadd.s32 s1, s5  }
0x19: {  	v6 =	vimm.s32 $0x2000;
	v8 =	vimm.s32 $0x800;
	v1 =	vadd.s32 $0x2000, v0;
	s24 =	simm.s32 $0x1;
	s11 =	sadd.s32 s1, s7;
	[dreg:$0xa] =	wrdreg s5  }
.LBB2_1:
0x1a: {  	s1 =	rddreg [dreg:$0x7]  }
0x1b: {  	[tilespmem:s3], [sflag:$0x2] =	stream.strided.gather [hbm4b:s1+s16], $0x2000, s17, s16, $0x38;
	[tilespmem:$0x1AA90] =	vst v63  }
0x1c: {  	_ =	swait.ge [sflag:s18], $0x2000  }
0x1d: {  	[sflag:s18] =	ssyncset.done $0x0  }
0x1e: {  	[sflag:s18] =	ssyncadd.s32 $0xFFFFE000  }
0x1f: {  	s5 =	simm.s32 $0xC140;
	[tilespmem:v3+s19+$0x0] =	vst.idx.msk $0x1, v4  }
0x20: {  	[tilespmem:s5+$0xFFFFFFC0] =	vst v3  }
0x21: {  	[tilespmem:s5+$0x30] =	vst v3  }
0x22: {  	[tilespmem:s5+$0x20] =	vst v3  }
0x23: {  	[tilespmem:s5+$0x10] =	vst v3  }
0x24: {  	[tilespmem:s5+$0x0] =	vst v3  }
0x25: {  	[tilespmem:s5+$0xFFFFFFF0] =	vst v3  }
0x26: {  	s6 =	simm.s32 $0x0;
	s1 =	simm.s32 $0xFFFFFFF8;
	[tilespmem:s5+$0xFFFFFFE0] =	vst v3  }
.LBB2_2:
0x27: {  	s6 =	sadd.s32 $0x8, s6;
	[tilespmem:s5+$0xFFFFFFD0] =	vst v3;
	s5 =	sadd.s32 $0x80, s5;
	s2 =	simm.s32 $0x40  }
0x28: {  	[tilespmem:s5+$0xFFFFFFC0] =	vst v3;
	p0 =	slt.u32 s6, $0x78  }
0x29: {  	[tilespmem:s5+$0x30] =	vst v3  }
.Ltmp0:
0x2a: {  	[tilespmem:s5+$0x20] =	vst v3;
	(pc) =	sbr.rel @p0 .LBB2_2-.Ltmp0, $4  }
0x2b: {  	[tilespmem:s5+$0x10] =	vst v3  }
0x2c: {  	[tilespmem:s5+$0x0] =	vst v3  }
0x2d: {  	[tilespmem:s5+$0xFFFFFFF0] =	vst v3  }
0x2e: {  	[tilespmem:s5+$0xFFFFFFE0] =	vst v3  }
0x2f: {  	[tilespmem:s5+$0xFFFFFFD0] =	vst v3  }
.LBB2_4:
0x30: {  	v9 =	vld [tilespmem:s2+$0xFFFFFFC0];
	_ =	sdelay $0x4  }
0x31: {  	v10 =	vshrl.u32 v9, $0xA  }
0x32: {  	v9 =	vxor.u32 v9, v10  }
0x33: {  	v9 =	vand.u32 $0x7FF, v9  }
0x34: {  	(xrf1) =	vunique.msk.u32 $0xffff, v9;
	_ =	sdelay $0xd  }
0x35: {  	_, v10, vm0 =	vpop (xrf1);
	_ =	sdelay $0x5  }
0x36: {  	[tilespmem:v9+s20+$0x0] =	vst.idx.add.s32.msk vm0, v10  }
0x37: {  	v9 =	vld [tilespmem:s2+$0xFFFFFFD0];
	_ =	sdelay $0x4  }
0x38: {  	v10 =	vshrl.u32 v9, $0xA  }
0x39: {  	v9 =	vxor.u32 v9, v10  }
0x3a: {  	v9 =	vand.u32 $0x7FF, v9  }
0x3b: {  	(xrf1) =	vunique.msk.u32 $0xffff, v9;
	_ =	sdelay $0xd  }
0x3c: {  	_, v10, vm9 =	vpop (xrf1);
	_ =	sdelay $0x5  }
0x3d: {  	[tilespmem:v9+s20+$0x0] =	vst.idx.add.s32.msk vm9, v10  }
0x3e: {  	v9 =	vld [tilespmem:s2+$0xFFFFFFE0];
	_ =	sdelay $0x4  }
0x3f: {  	v10 =	vshrl.u32 v9, $0xA  }
0x40: {  	v9 =	vxor.u32 v9, v10  }
0x41: {  	v9 =	vand.u32 $0x7FF, v9  }
0x42: {  	(xrf1) =	vunique.msk.u32 $0xffff, v9;
	_ =	sdelay $0xd  }
0x43: {  	_, v10, vm10 =	vpop (xrf1);
	_ =	sdelay $0x5  }
0x44: {  	[tilespmem:v9+s20+$0x0] =	vst.idx.add.s32.msk vm10, v10  }
0x45: {  	v9 =	vld [tilespmem:s2+$0xFFFFFFF0];
	_ =	sdelay $0x4  }
0x46: {  	v10 =	vshrl.u32 v9, $0xA  }
0x47: {  	v9 =	vxor.u32 v9, v10  }
0x48: {  	v9 =	vand.u32 $0x7FF, v9  }
0x49: {  	(xrf1) =	vunique.msk.u32 $0xffff, v9;
	_ =	sdelay $0xd  }
0x4a: {  	_, v10, vm11 =	vpop (xrf1);
	_ =	sdelay $0x5  }
0x4b: {  	[tilespmem:v9+s20+$0x0] =	vst.idx.add.s32.msk vm11, v10  }
0x4c: {  	v9 =	vld [tilespmem:s2+$0x0];
	_ =	sdelay $0x4  }
0x4d: {  	v10 =	vshrl.u32 v9, $0xA  }
0x4e: {  	v9 =	vxor.u32 v9, v10  }
0x4f: {  	v9 =	vand.u32 $0x7FF, v9  }
0x50: {  	(xrf1) =	vunique.msk.u32 $0xffff, v9;
	_ =	sdelay $0xd  }
0x51: {  	_, v10, vm12 =	vpop (xrf1);
	_ =	sdelay $0x5  }
0x52: {  	[tilespmem:v9+s20+$0x0] =	vst.idx.add.s32.msk vm12, v10  }
0x53: {  	v9 =	vld [tilespmem:s2+$0x10];
	_ =	sdelay $0x4  }
0x54: {  	v10 =	vshrl.u32 v9, $0xA  }
0x55: {  	v9 =	vxor.u32 v9, v10  }
0x56: {  	v9 =	vand.u32 $0x7FF, v9  }
0x57: {  	(xrf1) =	vunique.msk.u32 $0xffff, v9;
	_ =	sdelay $0xd  }
0x58: {  	_, v10, vm13 =	vpop (xrf1);
	_ =	sdelay $0x5  }
0x59: {  	[tilespmem:v9+s20+$0x0] =	vst.idx.add.s32.msk vm13, v10  }
0x5a: {  	v9 =	vld [tilespmem:s2+$0x20];
	_ =	sdelay $0x4  }
0x5b: {  	v10 =	vshrl.u32 v9, $0xA  }
0x5c: {  	v9 =	vxor.u32 v9, v10  }
0x5d: {  	v9 =	vand.u32 $0x7FF, v9  }
0x5e: {  	(xrf1) =	vunique.msk.u32 $0xffff, v9;
	_ =	sdelay $0xd  }
0x5f: {  	_, v10, vm14 =	vpop (xrf1);
	_ =	sdelay $0x5  }
0x60: {  	[tilespmem:v9+s20+$0x0] =	vst.idx.add.s32.msk vm14, v10  }
0x61: {  	v9 =	vld [tilespmem:s2+$0x30];
	_ =	sdelay $0x4  }
0x62: {  	v10 =	vshrl.u32 v9, $0xA  }
0x63: {  	v9 =	vxor.u32 v9, v10  }
0x64: {  	v9 =	vand.u32 $0x7FF, v9  }
0x65: {  	(xrf1) =	vunique.msk.u32 $0xffff, v9;
	_ =	sdelay $0xd  }
0x66: {  	s1 =	sadd.s32 $0x8, s1;
	_, v10, vm15 =	vpop (xrf1)  }
0x67: {  	p0 =	slt.u32 s1, $0x1F8  }
.Ltmp1:
0x68: {  	_ = 	snop;
	(pc) =	sbr.rel @p0 .LBB2_4-.Ltmp1, $2  }
0x69: {  	_ =	sdelay $0x2  }
0x6a: {  	s5 =	simm.s32 $0x0;
	s2 =	sadd.s32 $0x80, s2;
	[tilespmem:v9+s20+$0x0] =	vst.idx.add.s32.msk vm15, v10  }
0x6b: {  	s6 =	sshra.s32 s5, $0x2  }
0x6c: {  	v9 =	vld [tilespmem:s6+$0xC100];
	_ =	sdelay $0x4  }
0x6d: {  	(xrf0) =	vadd.scan.msk.s32 $0xffff, v9;
	_ =	sdelay $0x5  }
0x6e: {  	v10, _, _ =	vpop (xrf0)  }
0x6f: {  	(v2sf) =	vpush v10, $0xF  }
0x70: {  	v9 =	vsub.s32 s5, v9  }
0x71: {  	s2 =	sadd.s32 $0x40, s5;
	v9 =	vadd.s32 v10, v9  }
0x72: {  	s1 =	sshra.s32 s2, $0x2;
	s2 =	sadd.s32 $0x40, s2;
	[tilespmem:s6+$0xC100] =	vst v9  }
.LBB2_6:
0x73: {  	p0 =	sne.s32 s2, $0x1FC0;
	v9 =	vld [tilespmem:s1+$0xC100];
	_ =	sdelay $0x4  }
0x74: {  	(xrf0) =	vadd.scan.msk.s32 $0xffff, v9;
	_ =	sdelay $0x5  }
.Ltmp2:
0x75: {  	v10, _, _ =	vpop (xrf0);
	s6 =	spop (v2sf);
	(pc) =	sbr.rel @p0 .LBB2_6-.Ltmp2, $4  }
0x76: {  	(v2sf) =	vpush v10, $0xF;
	s5 =	sadd.s32 s5, s6  }
0x77: {  	v9 =	vsub.s32 s5, v9  }
0x78: {  	v9 =	vadd.s32 v10, v9  }
0x79: {  	[tilespmem:s1+$0xC100] =	vst v9;
	s1 =	sshra.s32 s2, $0x2;
	s2 =	sadd.s32 $0x40, s2  }
0x7a: {  	v9 =	vld [tilespmem:s1+$0xC100];
	_ =	sdelay $0x4  }
0x7b: {  	(xrf0) =	vadd.scan.msk.s32 $0xffff, v9;
	_ =	sdelay $0x5  }
0x7c: {  	v10, _, _ =	vpop (xrf0)  }
0x7d: {  	(v2sf) =	vpush v10, $0xF;
	_ =	sdelay $0xa  }
0x7e: {  	s2 =	spop (v2sf)  }
0x7f: {  	s2 =	sadd.s32 s5, s2  }
0x80: {  	v9 =	vsub.s32 s2, v9  }
0x81: {  	s6 =	smov.u32 s15;
	v9 =	vadd.s32 v10, v9  }
0x82: {  	s5 =	simm.s32 $0x20;
	s2 =	simm.s32 $0xFFFFFFFC;
	[tilespmem:s1+$0xC100] =	vst v9;
	s26 =	spop (v2sf)  }
.LBB2_8:
0x83: {  	v9 =	vld [tilespmem:s5+$0xFFFFFFE0];
	_ =	sdelay $0x4  }
0x84: {  	v10 =	vshrl.u32 v9, $0xA  }
0x85: {  	v10 =	vxor.u32 v9, v10  }
0x86: {  	v10 =	vand.u32 $0x7FF, v10  }
0x87: {  	(xrf1) =	vunique.msk.u32 $0xffff, v10;
	_ =	sdelay $0x9  }
0x88: {  	v11 =	vld.idx.msk [tilespmem:v10+s20+$0x0], $0xffff;
	_ =	sdelay $0x3  }
0x89: {  	_, v12, vm0 =	vpop (xrf1)  }
0x8a: {  	v11 =	vadd.s32 v11, v12  }
0x8b: {  	v13 =	vadd.s32 $0xFFFFFFFF, v11;
	_ =	sdelay $0x3  }
0x8c: {  	s1 =	sadd.s32 $0xFFFFFFD0, s6  }
0x8d: {  	v14 =	vor.u32 s1, v5;
	[tilespmem:v13+s21+$0x0] =	vst.idx.msk $0xffff, v9  }
0x8e: {  	[tilespmem:v13+s22+$0x0] =	vst.idx.msk $0xffff, v14  }
0x8f: {  	[tilespmem:v11+s19+$0x0] =	vst.idx.msk $0xffff, v9  }
0x90: {  	[tilespmem:v10+s20+$0x0] =	vst.idx.add.s32.msk vm0, v12  }
0x91: {  	v9 =	vld [tilespmem:s5+$0xFFFFFFF0];
	_ =	sdelay $0x4  }
0x92: {  	v10 =	vshrl.u32 v9, $0xA  }
0x93: {  	v10 =	vxor.u32 v9, v10  }
0x94: {  	v10 =	vand.u32 $0x7FF, v10  }
0x95: {  	(xrf1) =	vunique.msk.u32 $0xffff, v10;
	_ =	sdelay $0x9  }
0x96: {  	v11 =	vld.idx.msk [tilespmem:v10+s20+$0x0], $0xffff;
	_ =	sdelay $0x3  }
0x97: {  	_, v12, vm0 =	vpop (xrf1)  }
0x98: {  	v11 =	vadd.s32 v11, v12  }
0x99: {  	v58 =	vadd.s32 $0xFFFFFFFF, v11;
	_ =	sdelay $0x3  }
0x9a: {  	s9 =	sadd.s32 $0xFFFFFFE0, s6  }
0x9b: {  	v59 =	vor.u32 s9, v5;
	[tilespmem:v58+s21+$0x0] =	vst.idx.msk $0xffff, v9  }
0x9c: {  	[tilespmem:v58+s22+$0x0] =	vst.idx.msk $0xffff, v59  }
0x9d: {  	[tilespmem:v11+s19+$0x0] =	vst.idx.msk $0xffff, v9  }
0x9e: {  	[tilespmem:v10+s20+$0x0] =	vst.idx.add.s32.msk vm0, v12  }
0x9f: {  	v9 =	vld [tilespmem:s5+$0x0];
	_ =	sdelay $0x4  }
0xa0: {  	v10 =	vshrl.u32 v9, $0xA  }
0xa1: {  	v10 =	vxor.u32 v9, v10  }
0xa2: {  	v10 =	vand.u32 $0x7FF, v10  }
0xa3: {  	(xrf1) =	vunique.msk.u32 $0xffff, v10;
	_ =	sdelay $0x9  }
0xa4: {  	v11 =	vld.idx.msk [tilespmem:v10+s20+$0x0], $0xffff;
	_ =	sdelay $0x3  }
0xa5: {  	_, v12, vm0 =	vpop (xrf1)  }
0xa6: {  	v11 =	vadd.s32 v11, v12  }
0xa7: {  	v60 =	vadd.s32 $0xFFFFFFFF, v11;
	_ =	sdelay $0x3  }
0xa8: {  	s26 =	sadd.s32 $0xFFFFFFF0, s6  }
0xa9: {  	v61 =	vor.u32 s26, v5;
	[tilespmem:v60+s21+$0x0] =	vst.idx.msk $0xffff, v9  }
0xaa: {  	[tilespmem:v60+s22+$0x0] =	vst.idx.msk $0xffff, v61  }
0xab: {  	[tilespmem:v11+s19+$0x0] =	vst.idx.msk $0xffff, v9  }
0xac: {  	[tilespmem:v10+s20+$0x0] =	vst.idx.add.s32.msk vm0, v12  }
0xad: {  	v9 =	vld [tilespmem:s5+$0x10];
	_ =	sdelay $0x4  }
0xae: {  	v10 =	vshrl.u32 v9, $0xA  }
0xaf: {  	v10 =	vxor.u32 v9, v10  }
0xb0: {  	v10 =	vand.u32 $0x7FF, v10  }
0xb1: {  	(xrf1) =	vunique.msk.u32 $0xffff, v10;
	_ =	sdelay $0x9  }
0xb2: {  	v11 =	vld.idx.msk [tilespmem:v10+s20+$0x0], $0xffff;
	_ =	sdelay $0x3  }
0xb3: {  	_, v12, vm0 =	vpop (xrf1)  }
0xb4: {  	v11 =	vadd.s32 v11, v12  }
0xb5: {  	v62 =	vadd.s32 $0xFFFFFFFF, v11;
	_ =	sdelay $0x1  }
0xb6: {  	s2 =	sadd.s32 $0x4, s2  }
0xb7: {  	p0 =	slt.u32 s2, $0x1FC  }
.Ltmp3:
0xb8: {  	_ = 	snop;
	(pc) =	sbr.rel @p0 .LBB2_8-.Ltmp3, $4  }
0xb9: {  	v63 =	vor.u32 s6, v5;
	[tilespmem:v62+s21+$0x0] =	vst.idx.msk $0xffff, v9  }
0xba: {  	[tilespmem:v62+s22+$0x0] =	vst.idx.msk $0xffff, v63  }
0xbb: {  	[tilespmem:v11+s19+$0x0] =	vst.idx.msk $0xffff, v9  }
0xbc: {  	s6 =	sadd.s32 $0x40, s6;
	s1 =	simm.s32 $0x0;
	s5 =	sadd.s32 $0x40, s5;
	[tilespmem:v10+s20+$0x0] =	vst.idx.add.s32.msk vm0, v12  }
0xbd: {  	s2 =	sshra.s32 s1, $0x2  }
0xbe: {  	v9 =	vld [tilespmem:s2+$0x6000]  }
0xbf: {  	v10 =	vld [tilespmem:s2+$0x2000];
	_ =	sdelay $0x4  }
0xc0: {  	vm0 =	vne.s32 v10, v9  }
0xc1: {  	v9 =	vsel vm0, $0x1, v3  }
0xc2: {  	(xrf0) =	vadd.scan.msk.s32 $0xffff, v9;
	_ =	sdelay $0x2  }
0xc3: {  	v9 =	vmov s1  }
0xc4: {  	v9 =	vadd.s32 $0xFFFFFFFF, v9  }
0xc5: {  	v11 =	vld [tilespmem:s2+$0x4000];
	v9 =	vbroadcast v9, $0x0  }
0xc6: {  	v12, _, _ =	vpop (xrf0)  }
0xc7: {  	v9 =	vadd.s32 v12, v9;
	(v2sf) =	vpush v12, $0xF;
	_ =	sdelay $0x1  }
0xc8: {  	v13 =	vshll.u32 v9, $0xE  }
0xc9: {  	v11 =	vor.u32 v11, v13  }
0xca: {  	[tilespmem:s2+$0x4000] =	vst v11  }
0xcb: {  	s26 =	sadd.s32 $0x40, s1;
	[tilespmem:v9+s3+$0x0] =	vst.idx.msk vm0, v10;
	v10 =	vor.u32 s4, v5  }
0xcc: {  	s5 =	sshra.s32 s26, $0x2;
	[tilespmem:v9+s23+$0x0] =	vst.idx.msk vm0, v10  }
0xcd: {  	s6 =	sadd.s32 $0x40, s26;
	s2 =	smov.u32 s4;
	v9 =	vld [tilespmem:s5+$0x6000]  }
.LBB2_10:
0xce: {  	p0 =	sne.s32 s6, $0x7FC0;
	v10 =	vld [tilespmem:s5+$0x2000]  }
0xcf: {  	v11 =	vld [tilespmem:s5+$0x4000];
	_ =	sdelay $0x3  }
0xd0: {  	vm0 =	vne.s32 v10, v9  }
0xd1: {  	v9 =	vsel vm0, $0x1, v3  }
0xd2: {  	(xrf0) =	vadd.scan.msk.s32 $0xffff, v9;
	s7 =	spop (v2sf)  }
0xd3: {  	s1 =	sadd.s32 s1, s7  }
0xd4: {  	v9 =	vmov s1  }
0xd5: {  	v9 =	vadd.s32 $0xFFFFFFFF, v9  }
0xd6: {  	v9 =	vbroadcast v9, $0x0;
	_ =	sdelay $0x1  }
0xd7: {  	v12, _, _ =	vpop (xrf0)  }
0xd8: {  	v9 =	vadd.s32 v12, v9;
	(v2sf) =	vpush v12, $0xF  }
0xd9: {  	v12 =	vshll.u32 v9, $0xE  }
0xda: {  	v11 =	vor.u32 v11, v12  }
.Ltmp4:
0xdb: {  	[tilespmem:s5+$0x4000] =	vst v11;
	(pc) =	sbr.rel @p0 .LBB2_10-.Ltmp4, $4  }
0xdc: {  	s2 =	sadd.s32 $0x10, s2  }
0xdd: {  	[tilespmem:v9+s3+$0x0] =	vst.idx.msk vm0, v10;
	v10 =	vor.u32 s2, v5  }
0xde: {  	s5 =	sshra.s32 s6, $0x2;
	[tilespmem:v9+s23+$0x0] =	vst.idx.msk vm0, v10  }
0xdf: {  	s6 =	sadd.s32 $0x40, s6;
	v9 =	vld [tilespmem:s5+$0x6000]  }
0xe0: {  	v10 =	vld [tilespmem:s5+$0x2000];
	_ =	sdelay $0x4  }
0xe1: {  	vm0 =	vne.s32 v10, v9  }
0xe2: {  	v9 =	vsel vm0, $0x1, v3  }
0xe3: {  	(xrf0) =	vadd.scan.msk.s32 $0xffff, v9;
	_ =	sdelay $0x5  }
0xe4: {  	v9, _, _ =	vpop (xrf0)  }
0xe5: {  	(v2sf) =	vpush v9, $0xF;
	_ =	sdelay $0xd  }
0xe6: {  	s6 =	spop (v2sf)  }
0xe7: {  	s6 =	sadd.s32 s1, s6;
	s7 =	spop (v2sf)  }
0xe8: {  	s1 =	sadd.s32 s6, s7  }
0xe9: {  	s7 =	sadd.s32 $0x3FF, s1  }
0xea: {  	s26 =	sshra.s32 s7, $0x1F  }
0xeb: {  	s9 =	sand.u32 $0x3FF, s7;
	p0 =	slt.s32 s7, $0x1;
	s26 =	sshrl.u32 s26, $0x16  }
0xec: {  	p1 =	sne.s32 s9, $0x0;
	s8 =	sadd.s32 s26, s7;
	s26 =	sand.u32 $0xF, s1  }
0xed: {  	v11 =	vmov s6;
	p6 =	slt.s32 s1, $0x1;
	p0 =	por !p0, !p1;
	p2 =	sne.s32 s26, $0x0  }
0xee: {  	v12 =	vld [tilespmem:s5+$0x4000];
	v11 =	vadd.s32 $0xFFFFFFFF, v11;
	s6 =	sshra.s32 s8, $0xA;
	s8 =	sshra.s32 s1, $0x1F;
	p0 =	por !p0, !p0  }
0xef: {  	v11 =	vbroadcast v11, $0x0;
	s26 =	simm.s32 $0x1;
	p1 =	por !p6, !p2;
	s7 =	sshrl.u32 s8, $0x1C  }
0xf0: {  	s8 =	simm.s32 $0x1;
	s7 =	sadd.s32 s7, s1;
	p1 =	por !p1, !p1  }
0xf1: {  	v11 =	vadd.s32 v9, v11;
	s26 =	simm.s32 @!p0 $0x0;
	s7 =	sshrl.u32 s7, $0x4;
	s8 =	simm.s32 @!p1 $0x0  }
0xf2: {  	v13 =	vshll.u32 v11, $0xE;
	s6 =	ssub.s32 s6, s26;
	s7 =	ssub.s32 s7, s8  }
0xf3: {  	v12 =	vor.u32 v12, v13;
	s9 =	sadd.s32 $0x10, s2;
	s26 =	sshll.u32 s6, $0xA;
	s2 =	sshll.u32 s7, $0x4  }
0xf4: {  	[tilespmem:s5+$0x4000] =	vst v12;
	s5 =	ssub.s32 s26, s2  }
0xf5: {  	v9 =	vmov s1;
	p0 =	slt.s32 s5, $0x1  }
.Ltmp5:
0xf6: {  	_ = 	snop;
	(pc) =	sbr.rel @p0 .LBB2_17-.Ltmp5, $4  }
0xf7: {  	_ = 	snop  }
0xf8: {  	[tilespmem:v11+s3+$0x0] =	vst.idx.msk vm0, v10;
	v63 =	vor.u32 s9, v5  }
0xf9: {  	[tilespmem:v11+s23+$0x0] =	vst.idx.msk vm0, v63  }
0xfa: {  	[tilespmem:v9+s23+$0x0] =	vst.idx.msk $0x1, v1  }
0xfb: {  	s5 =	sshrl.u32 s5, $0x4  }
0xfc: {  	s5 =	ssub.s32 $0x0, s5  }
0xfd: {  	s5 =	sadd.s32 $0x1, s5  }
0xfe: {  	p1 =	seq.s32 s5, $0x0  }
.Ltmp6:
0xff: {  	_ = 	snop;
	(pc) =	sbr.rel @p1 .LBB2_13-.Ltmp6, $2  }
0x100: {  	v10 =	vor.u32 s2, v5;
	_ =	sdelay $0x2  }
0x101: {  	p0 =	por $0x0, $0x0  }
0x102: {  	s5 =	sadd.s32 $0x1, s5  }
0x103: {  	p1 =	seq.s32 s5, $0x0  }
.Ltmp7:
0x104: {  	vm0 =	vge.s32 v10, v9;
	(pc) =	sbr.rel @p1 .LBB2_16-.Ltmp7, $3  }
0x105: {  	_ =	sdelay $0x1  }
0x106: {  	s2 =	sadd.s32 $0x10, s2  }
0x107: {  	p0 =	por $0x1, $0x1;
	v11 =	vor.u32 s2, v5  }
.LBB2_15:
0x108: {  	s5 =	sadd.s32 $0x1, s5  }
0x109: {  	[tilespmem:v10+s3+$0x0] =	vst.idx.msk vm0, v10;
	vm0 =	vge.s32 v11, v9;
	v10 =	vmov v11;
	p1 =	seq.s32 s5, $0x0  }
.Ltmp8:
0x10a: {  	(pc) =	sbr.rel @!p1 .LBB2_15-.Ltmp8, $3  }
0x10b: {  	_ =	sdelay $0x1  }
0x10c: {  	s2 =	sadd.s32 $0x10, s2  }
0x10d: {  	v11 =	vor.u32 s2, v5  }
.LBB2_16:
0x10e: {  	vm1 =	vge.s32 v11, v9;
	_ =	sdelay $0x4  }
0x10f: {  	[tilespmem:v10+s3+$0x0] =	vst.idx.msk @p0 vm0, v10  }
0x110: {  	[tilespmem:v11+s3+$0x0] =	vst.idx.msk vm1, v11  }
.LBB2_17:
0x111: {  	p0 =	sgt.s32 s6, $0x0  }
.Ltmp9:
0x112: {  	_ = 	snop;
	(pc) =	sbr.rel @!p0 .LBB2_22-.Ltmp9, $2  }
0x113: {  	_ =	sdelay $0x2  }
0x114: {  	s7 =	simm.s32 $0x0  }
0x115: {  	p1 =	sne.s32 s6, $0x1  }
.Ltmp10:
0x116: {  	_ = 	snop;
	(pc) =	sbr.rel @!p1 .LBB2_21-.Ltmp10, $2  }
0x117: {  	_ =	sdelay $0x2  }
0x118: {  	s5 =	sadd.s32 $0xFFFFFFFF, s6;
	s2 =	sshra.s32 s7, $0x2;
	p0 =	por $0x0, $0x0  }
0x119: {  	s6 =	sadd.s32 $0x2000, s2  }
0x11a: {  	[tilespmem:s6], [sflag:$0x1] =	stream.indirect.gather [hbm4b:s0+s16], $0x1, s2, s16, $0xb8;
	[tilespmem:$0x1AA90] =	vst v63  }
0x11b: {  	s26 =	sadd.s32 $0x2080, s2;
	s8 =	sadd.s32 $0x80, s2  }
0x11c: {  	[tilespmem:s26], [sflag:$0x1] =	stream.indirect.gather [hbm4b:s0+s16], $0x1, s8, s16, $0xb8;
	[tilespmem:$0x1AA90] =	vst v63  }
0x11d: {  	s9 =	sadd.s32 $0x2100, s2;
	s26 =	sadd.s32 $0x100, s2  }
0x11e: {  	[tilespmem:s9], [sflag:$0x1] =	stream.indirect.gather [hbm4b:s0+s16], $0x1, s26, s16, $0xb8;
	[tilespmem:$0x1AA90] =	vst v63  }
0x11f: {  	s9 =	sadd.s32 $0x2180, s2;
	s26 =	sadd.s32 $0x180, s2  }
0x120: {  	[tilespmem:s9], [sflag:$0x1] =	stream.indirect.gather [hbm4b:s0+s16], $0x1, s26, s16, $0xb8;
	[tilespmem:$0x1AA90] =	vst v63  }
0x121: {  	s9 =	sadd.s32 $0x2200, s2;
	s26 =	sadd.s32 $0x200, s2  }
0x122: {  	[tilespmem:s9], [sflag:$0x1] =	stream.indirect.gather [hbm4b:s0+s16], $0x1, s26, s16, $0xb8;
	[tilespmem:$0x1AA90] =	vst v63  }
0x123: {  	s9 =	sadd.s32 $0x2280, s2;
	s26 =	sadd.s32 $0x280, s2  }
0x124: {  	[tilespmem:s9], [sflag:$0x1] =	stream.indirect.gather [hbm4b:s0+s16], $0x1, s26, s16, $0xb8;
	[tilespmem:$0x1AA90] =	vst v63  }
0x125: {  	s9 =	sadd.s32 $0x2300, s2;
	s26 =	sadd.s32 $0x300, s2  }
0x126: {  	[tilespmem:s9], [sflag:$0x1] =	stream.indirect.gather [hbm4b:s0+s16], $0x1, s26, s16, $0xb8;
	[tilespmem:$0x1AA90] =	vst v63  }
0x127: {  	s9 =	sadd.s32 $0x2380, s2;
	s26 =	sadd.s32 $0x380, s2  }
0x128: {  	[tilespmem:s9], [sflag:$0x1] =	stream.indirect.gather [hbm4b:s0+s16], $0x1, s26, s16, $0xb8;
	[tilespmem:$0x1AA90] =	vst v63  }
0x129: {  	_ =	swait.ge [sflag:s24], $0x80  }
0x12a: {  	[sflag:s24] =	ssyncset.done $0x0  }
0x12b: {  	[sflag:s24] =	ssyncadd.s32 $0xFFFFFF80  }
0x12c: {  	_ =	swait.ge [sflag:s24], $0x80  }
0x12d: {  	[sflag:s24] =	ssyncset.done $0x0  }
0x12e: {  	[sflag:s24] =	ssyncadd.s32 $0xFFFFFF80  }
0x12f: {  	_ =	swait.ge [sflag:s24], $0x80  }
0x130: {  	[sflag:s24] =	ssyncset.done $0x0  }
0x131: {  	[sflag:s24] =	ssyncadd.s32 $0xFFFFFF80  }
0x132: {  	_ =	swait.ge [sflag:s24], $0x80  }
0x133: {  	[sflag:s24] =	ssyncset.done $0x0  }
0x134: {  	[sflag:s24] =	ssyncadd.s32 $0xFFFFFF80  }
0x135: {  	_ =	swait.ge [sflag:s24], $0x80  }
0x136: {  	[sflag:s24] =	ssyncset.done $0x0  }
0x137: {  	[sflag:s24] =	ssyncadd.s32 $0xFFFFFF80  }
0x138: {  	_ =	swait.ge [sflag:s24], $0x80  }
0x139: {  	[sflag:s24] =	ssyncset.done $0x0  }
0x13a: {  	p1 =	sne.s32 s5, $0x1;
	[sflag:s24] =	ssyncadd.s32 $0xFFFFFF80  }
.Ltmp11:
0x13b: {  	_ =	swait.ge [sflag:s24], $0x80;
	(pc) =	sbr.rel @!p1 .LBB2_21-.Ltmp11, $4  }
0x13c: {  	[sflag:s24] =	ssyncset.done $0x0  }
0x13d: {  	[sflag:s24] =	ssyncadd.s32 $0xFFFFFF80  }
0x13e: {  	s5 =	sadd.s32 $0xFFFFFFFF, s5;
	s6 =	sadd.s32 $0x1000, s7;
	_ =	swait.ge [sflag:s24], $0x80  }
0x13f: {  	p0 =	por $0x1, $0x1;
	s2 =	sshra.s32 s6, $0x2;
	[sflag:s24] =	ssyncset.done $0x0  }
.LBB2_20:
0x140: {  	p1 =	sne.s32 s5, $0x1;
	s7 =	sadd.s32 $0x2000, s2;
	[sflag:s24] =	ssyncadd.s32 $0xFFFFFF80  }
0x141: {  	[tilespmem:s7], [sflag:$0x1] =	stream.indirect.gather [hbm4b:s0+s16], $0x1, s2, s16, $0xb8;
	[tilespmem:$0x1AA90] =	vst v63  }
0x142: {  	s5 =	sadd.s32 $0xFFFFFFFF, s5;
	s8 =	sadd.s32 $0x80, s2;
	s7 =	sadd.s32 $0x2080, s2  }
0x143: {  	[tilespmem:s7], [sflag:$0x1] =	stream.indirect.gather [hbm4b:s0+s16], $0x1, s8, s16, $0xb8;
	[tilespmem:$0x1AA90] =	vst v63  }
0x144: {  	s7 =	sadd.s32 $0x2100, s2;
	s8 =	sadd.s32 $0x100, s2  }
0x145: {  	[tilespmem:s7], [sflag:$0x1] =	stream.indirect.gather [hbm4b:s0+s16], $0x1, s8, s16, $0xb8;
	[tilespmem:$0x1AA90] =	vst v63  }
0x146: {  	s7 =	sadd.s32 $0x2180, s2;
	s8 =	sadd.s32 $0x180, s2  }
0x147: {  	[tilespmem:s7], [sflag:$0x1] =	stream.indirect.gather [hbm4b:s0+s16], $0x1, s8, s16, $0xb8;
	[tilespmem:$0x1AA90] =	vst v63  }
0x148: {  	s7 =	sadd.s32 $0x2200, s2;
	s8 =	sadd.s32 $0x200, s2  }
0x149: {  	[tilespmem:s7], [sflag:$0x1] =	stream.indirect.gather [hbm4b:s0+s16], $0x1, s8, s16, $0xb8;
	[tilespmem:$0x1AA90] =	vst v63  }
0x14a: {  	s7 =	sadd.s32 $0x2280, s2;
	s8 =	sadd.s32 $0x280, s2  }
0x14b: {  	[tilespmem:s7], [sflag:$0x1] =	stream.indirect.gather [hbm4b:s0+s16], $0x1, s8, s16, $0xb8;
	[tilespmem:$0x1AA90] =	vst v63  }
0x14c: {  	s7 =	sadd.s32 $0x2300, s2;
	s8 =	sadd.s32 $0x300, s2  }
0x14d: {  	[tilespmem:s7], [sflag:$0x1] =	stream.indirect.gather [hbm4b:s0+s16], $0x1, s8, s16, $0xb8;
	[tilespmem:$0x1AA90] =	vst v63  }
0x14e: {  	s7 =	sadd.s32 $0x2380, s2;
	s2 =	sadd.s32 $0x380, s2  }
0x14f: {  	[tilespmem:s7], [sflag:$0x1] =	stream.indirect.gather [hbm4b:s0+s16], $0x1, s2, s16, $0xb8;
	[tilespmem:$0x1AA90] =	vst v63  }
0x150: {  	_ =	swait.ge [sflag:s24], $0x80  }
0x151: {  	[sflag:s24] =	ssyncset.done $0x0  }
0x152: {  	[sflag:s24] =	ssyncadd.s32 $0xFFFFFF80  }
0x153: {  	_ =	swait.ge [sflag:s24], $0x80  }
0x154: {  	[sflag:s24] =	ssyncset.done $0x0  }
0x155: {  	[sflag:s24] =	ssyncadd.s32 $0xFFFFFF80  }
0x156: {  	_ =	swait.ge [sflag:s24], $0x80  }
0x157: {  	[sflag:s24] =	ssyncset.done $0x0  }
0x158: {  	[sflag:s24] =	ssyncadd.s32 $0xFFFFFF80  }
0x159: {  	_ =	swait.ge [sflag:s24], $0x80  }
0x15a: {  	[sflag:s24] =	ssyncset.done $0x0  }
0x15b: {  	[sflag:s24] =	ssyncadd.s32 $0xFFFFFF80  }
0x15c: {  	_ =	swait.ge [sflag:s24], $0x80  }
0x15d: {  	[sflag:s24] =	ssyncset.done $0x0  }
0x15e: {  	[sflag:s24] =	ssyncadd.s32 $0xFFFFFF80  }
0x15f: {  	_ =	swait.ge [sflag:s24], $0x80  }
0x160: {  	[sflag:s24] =	ssyncset.done $0x0  }
0x161: {  	[sflag:s24] =	ssyncadd.s32 $0xFFFFFF80  }
.Ltmp12:
0x162: {  	_ =	swait.ge [sflag:s24], $0x80;
	(pc) =	sbr.rel @p1 .LBB2_20-.Ltmp12, $4  }
0x163: {  	[sflag:s24] =	ssyncset.done $0x0  }
0x164: {  	[sflag:s24] =	ssyncadd.s32 $0xFFFFFF80  }
0x165: {  	s6 =	sadd.s32 $0x1000, s6;
	_ =	swait.ge [sflag:s24], $0x80  }
0x166: {  	s2 =	sshra.s32 s6, $0x2;
	[sflag:s24] =	ssyncset.done $0x0  }
.LBB2_21:
0x167: {  	s5 =	sadd.s32 $0x2000, s2;
	[sflag:s24] =	ssyncadd.s32 @p0 $0xFFFFFF80  }
0x168: {  	[tilespmem:s5], [sflag:$0x1] =	stream.indirect.gather [hbm4b:s0+s16], $0x1, s2, s16, $0xb8;
	[tilespmem:$0x1AA90] =	vst v63  }
0x169: {  	s26 =	sadd.s32 $0x2080, s2;
	s6 =	sadd.s32 $0x80, s2  }
0x16a: {  	[tilespmem:s26], [sflag:$0x1] =	stream.indirect.gather [hbm4b:s0+s16], $0x1, s6, s16, $0xb8;
	[tilespmem:$0x1AA90] =	vst v63  }
0x16b: {  	s7 =	sadd.s32 $0x2100, s2;
	s8 =	sadd.s32 $0x100, s2  }
0x16c: {  	[tilespmem:s7], [sflag:$0x1] =	stream.indirect.gather [hbm4b:s0+s16], $0x1, s8, s16, $0xb8;
	[tilespmem:$0x1AA90] =	vst v63  }
0x16d: {  	s9 =	sadd.s32 $0x2180, s2;
	s26 =	sadd.s32 $0x180, s2  }
0x16e: {  	[tilespmem:s9], [sflag:$0x1] =	stream.indirect.gather [hbm4b:s0+s16], $0x1, s26, s16, $0xb8;
	[tilespmem:$0x1AA90] =	vst v63  }
0x16f: {  	s7 =	sadd.s32 $0x2200, s2;
	s8 =	sadd.s32 $0x200, s2  }
0x170: {  	[tilespmem:s7], [sflag:$0x1] =	stream.indirect.gather [hbm4b:s0+s16], $0x1, s8, s16, $0xb8;
	[tilespmem:$0x1AA90] =	vst v63  }
0x171: {  	s9 =	sadd.s32 $0x2280, s2;
	s26 =	sadd.s32 $0x280, s2  }
0x172: {  	[tilespmem:s9], [sflag:$0x1] =	stream.indirect.gather [hbm4b:s0+s16], $0x1, s26, s16, $0xb8;
	[tilespmem:$0x1AA90] =	vst v63  }
0x173: {  	s7 =	sadd.s32 $0x2300, s2;
	s8 =	sadd.s32 $0x300, s2  }
0x174: {  	[tilespmem:s7], [sflag:$0x1] =	stream.indirect.gather [hbm4b:s0+s16], $0x1, s8, s16, $0xb8;
	[tilespmem:$0x1AA90] =	vst v63  }
0x175: {  	s9 =	sadd.s32 $0x2380, s2;
	s26 =	sadd.s32 $0x380, s2  }
0x176: {  	[tilespmem:s9], [sflag:$0x1] =	stream.indirect.gather [hbm4b:s0+s16], $0x1, s26, s16, $0xb8;
	[tilespmem:$0x1AA90] =	vst v63  }
0x177: {  	_ =	swait.ge [sflag:s24], $0x80  }
0x178: {  	[sflag:s24] =	ssyncset.done $0x0  }
0x179: {  	[sflag:s24] =	ssyncadd.s32 $0xFFFFFF80  }
0x17a: {  	_ =	swait.ge [sflag:s24], $0x80  }
0x17b: {  	[sflag:s24] =	ssyncset.done $0x0  }
0x17c: {  	[sflag:s24] =	ssyncadd.s32 $0xFFFFFF80  }
0x17d: {  	_ =	swait.ge [sflag:s24], $0x80  }
0x17e: {  	[sflag:s24] =	ssyncset.done $0x0  }
0x17f: {  	[sflag:s24] =	ssyncadd.s32 $0xFFFFFF80  }
0x180: {  	_ =	swait.ge [sflag:s24], $0x80  }
0x181: {  	[sflag:s24] =	ssyncset.done $0x0  }
0x182: {  	[sflag:s24] =	ssyncadd.s32 $0xFFFFFF80  }
0x183: {  	_ =	swait.ge [sflag:s24], $0x80  }
0x184: {  	[sflag:s24] =	ssyncset.done $0x0  }
0x185: {  	[sflag:s24] =	ssyncadd.s32 $0xFFFFFF80  }
0x186: {  	_ =	swait.ge [sflag:s24], $0x80  }
0x187: {  	[sflag:s24] =	ssyncset.done $0x0  }
0x188: {  	[sflag:s24] =	ssyncadd.s32 $0xFFFFFF80  }
0x189: {  	_ =	swait.ge [sflag:s24], $0x80  }
0x18a: {  	[sflag:s24] =	ssyncset.done $0x0  }
0x18b: {  	[sflag:s24] =	ssyncadd.s32 $0xFFFFFF80  }
0x18c: {  	_ =	swait.ge [sflag:s24], $0x80  }
0x18d: {  	[sflag:s24] =	ssyncset.done $0x0  }
0x18e: {  	[sflag:s24] =	ssyncadd.s32 $0xFFFFFF80  }
.LBB2_22:
0x18f: {  	s6 =	simm.s32 $0x2020  }
0x190: {  	v12 =	vld [tilespmem:s6+$0xFFFFFFE0]  }
0x191: {  	s2 =	simm.s32 $0x0;
	v13 =	vld [tilespmem:s6+$0x0]  }
0x192: {  	v11 =	vor.u32 s2, v5;
	v10 =	vld [tilespmem:s6+$0x10]  }
0x193: {  	s5 =	simm.s32 $0x10;
	s7 =	simm.s32 $0x20;
	vm0 =	vlt.s32 v11, v9;
	v11 =	vld [tilespmem:s6+$0xFFFFFFF0]  }
0x194: {  	s26 =	simm.s32 $0x30;
	v14 =	vor.u32 s5, v5;
	v15 =	vor.u32 s7, v5  }
0x195: {  	vm1 =	vlt.s32 v15, v9;
	v15 =	vor.u32 s26, v5;
	v12 =	vnsel vm0, $0x3FFFFF, v12  }
0x196: {  	s5 =	simm.s32 $0x0;
	s7 =	simm.s32 $0x2060;
	vm0 =	vlt.s32 v14, v9;
	[tilespmem:s6+$0xFFFFFFE0] =	vst v12;
	v12 =	vnsel vm1, $0x3FFFFF, v13;
	vm1 =	vlt.s32 v15, v9  }
.LBB2_23:
0x197: {  	v13 =	vld [tilespmem:s7+$0xFFFFFFE0];
	[tilespmem:s6+$0x0] =	vst v12;
	v10 =	vnsel vm1, $0x3FFFFF, v10;
	s5 =	sadd.s32 $0x4, s5  }
0x198: {  	v12 =	vld [tilespmem:s7+$0x0];
	v11 =	vnsel vm0, $0x3FFFFF, v11;
	[tilespmem:s6+$0x10] =	vst v10;
	p0 =	slt.u32 s5, $0x1FC  }
.Ltmp13:
0x199: {  	s2 =	sadd.s32 $0x40, s2;
	v10 =	vld [tilespmem:s7+$0x10];
	[tilespmem:s6+$0xFFFFFFF0] =	vst v11;
	(pc) =	sbr.rel @p0 .LBB2_23-.Ltmp13, $4  }
0x19a: {  	v14 =	vor.u32 s2, v5;
	s8 =	sadd.s32 $0x20, s2;
	s6 =	sadd.s32 $0x10, s2;
	v11 =	vld [tilespmem:s7+$0xFFFFFFF0]  }
0x19b: {  	vm0 =	vlt.s32 v14, v9;
	v15 =	vor.u32 s8, v5;
	s8 =	sadd.s32 $0x30, s2;
	v14 =	vor.u32 s6, v5;
	s6 =	smov.u32 s7  }
0x19c: {  	vm1 =	vlt.s32 v15, v9;
	v15 =	vor.u32 s8, v5;
	v13 =	vnsel vm0, $0x3FFFFF, v13  }
0x19d: {  	s7 =	sadd.s32 $0x40, s7;
	vm0 =	vlt.s32 v14, v9;
	[tilespmem:s6+$0xFFFFFFE0] =	vst v13;
	v12 =	vnsel vm1, $0x3FFFFF, v12;
	vm1 =	vlt.s32 v15, v9  }
0x19e: {  	[tilespmem:s6+$0x0] =	vst v12;
	v10 =	vnsel vm1, $0x3FFFFF, v10  }
0x19f: {  	v11 =	vnsel vm0, $0x3FFFFF, v11;
	[tilespmem:s6+$0x10] =	vst v10  }
0x1a0: {  	s5 =	simm.s32 $0xC140;
	[tilespmem:s6+$0xFFFFFFF0] =	vst v11  }
0x1a1: {  	[tilespmem:s5+$0xFFFFFFC0] =	vst v3  }
0x1a2: {  	[tilespmem:s5+$0x30] =	vst v3  }
0x1a3: {  	[tilespmem:s5+$0x20] =	vst v3  }
0x1a4: {  	[tilespmem:s5+$0x10] =	vst v3  }
0x1a5: {  	[tilespmem:s5+$0x0] =	vst v3  }
0x1a6: {  	[tilespmem:s5+$0xFFFFFFF0] =	vst v3  }
0x1a7: {  	s2 =	simm.s32 $0x0;
	[tilespmem:s5+$0xFFFFFFE0] =	vst v3  }
.LBB2_25:
0x1a8: {  	s2 =	sadd.s32 $0x8, s2;
	[tilespmem:s5+$0xFFFFFFD0] =	vst v3;
	s5 =	sadd.s32 $0x80, s5  }
0x1a9: {  	[tilespmem:s5+$0xFFFFFFC0] =	vst v3;
	p0 =	slt.u32 s2, $0x78  }
0x1aa: {  	[tilespmem:s5+$0x30] =	vst v3  }
.Ltmp14:
0x1ab: {  	[tilespmem:s5+$0x20] =	vst v3;
	(pc) =	sbr.rel @p0 .LBB2_25-.Ltmp14, $4  }
0x1ac: {  	[tilespmem:s5+$0x10] =	vst v3  }
0x1ad: {  	[tilespmem:s5+$0x0] =	vst v3  }
0x1ae: {  	[tilespmem:s5+$0xFFFFFFF0] =	vst v3  }
0x1af: {  	[tilespmem:s5+$0xFFFFFFE0] =	vst v3  }
0x1b0: {  	s1 =	sadd.s32 $0xF, s1  }
0x1b1: {  	s2 =	sand.u32 $0xF, s1  }
0x1b2: {  	s26 =	sshra.s32 s1, $0x1F;
	p1 =	slt.s32 s1, $0x1;
	p0 =	sne.s32 s2, $0x0  }
0x1b3: {  	s2 =	sshrl.u32 s26, $0x1C;
	p0 =	por !p1, !p0  }
0x1b4: {  	s1 =	sadd.s32 s2, s1;
	s2 =	simm.s32 $0x1;
	p0 =	por !p0, !p0  }
0x1b5: {  	s1 =	sshrl.u32 s1, $0x4;
	s2 =	simm.s32 @!p0 $0x0  }
0x1b6: {  	s1 =	ssub.s32 s1, s2  }
0x1b7: {  	s2 =	sshll.u32 s1, $0x4  }
0x1b8: {  	s1 =	sshra.s32 s2, $0x1F  }
0x1b9: {  	p0 =	sgt.s32 s2, $0x0;
	s1 =	sshrl.u32 s1, $0x1C  }
.Ltmp15:
0x1ba: {  	s1 =	sor.u32 s2, s1;
	(pc) =	sbr.rel @!p0 .LBB2_27-.Ltmp15, $4  }
0x1bb: {  	s1 =	sadd.s32 $0xF, s1  }
0x1bc: {  	s1 =	sshra.s32 s1, $0x4  }
0x1bd: {  	p1 =	sgt.s32 s1, $0x1  }
0x1be: {  	[tilespmem:s5+$0xFFFFFFD0] =	vst v3;
	s1 =	simm.s32 @!p1 $0x1  }
0x1bf: {  	p1 =	seq.s32 s1, $0x1  }
.Ltmp16:
0x1c0: {  	_ = 	snop;
	(pc) =	sbr.rel @p1 .LBB2_52-.Ltmp16, $3  }
0x1c1: {  	_ =	sdelay $0x1  }
0x1c2: {  	s5 =	simm.s32 $0x2000  }
0x1c3: {  	s6 =	sadd.s32 $0xFFFFFFFF, s1;
	v10 =	vld [tilespmem:s5+$0x0]  }
.LBB2_51:
0x1c4: {  	p1 =	seq.s32 s6, $0x1;
	_ =	sdelay $0x3  }
0x1c5: {  	v10 =	vand.u32 $0x7FF, v10  }
0x1c6: {  	(xrf1) =	vunique.msk.u32 $0xffff, v10;
	_ =	sdelay $0xd  }
0x1c7: {  	_, v11, vm0 =	vpop (xrf1);
	_ =	sdelay $0x2  }
.Ltmp17:
0x1c8: {  	(pc) =	sbr.rel @!p1 .LBB2_51-.Ltmp17, $3  }
0x1c9: {  	_ =	sdelay $0x1  }
0x1ca: {  	s5 =	sadd.s32 $0x10, s5;
	[tilespmem:v10+s20+$0x0] =	vst.idx.add.s32.msk vm0, v11  }
0x1cb: {  	s6 =	sadd.s32 $0xFFFFFFFF, s6;
	v10 =	vld [tilespmem:s5+$0x0]  }
.LBB2_52:
0x1cc: {  	_ =	sdelay $0x3  }
0x1cd: {  	v10 =	vand.u32 $0x7FF, v10  }
0x1ce: {  	(xrf1) =	vunique.msk.u32 $0xffff, v10;
	_ =	sdelay $0xd  }
0x1cf: {  	_, v11, vm0 =	vpop (xrf1);
	_ =	sdelay $0x5  }
0x1d0: {  	[tilespmem:v10+s20+$0x0] =	vst.idx.add.s32.msk vm0, v11  }
.LBB2_27:
0x1d1: {  	s8 =	simm.s32 $0x0  }
0x1d2: {  	v10 =	vld [tilespmem:s8+$0xC100];
	_ =	sdelay $0x4  }
0x1d3: {  	(xrf0) =	vadd.scan.msk.s32 $0xffff, v10;
	_ =	sdelay $0x5  }
0x1d4: {  	v11, _, _ =	vpop (xrf0)  }
0x1d5: {  	s5 =	simm.s32 $0x0;
	(v2sf) =	vpush v11, $0xF  }
0x1d6: {  	v10 =	vsub.s32 s5, v10  }
0x1d7: {  	v10 =	vadd.s32 v11, v10  }
0x1d8: {  	s6 =	simm.s32 $0x10;
	s7 =	simm.s32 $0x80;
	[tilespmem:s8+$0xC100] =	vst v10  }
.LBB2_28:
0x1d9: {  	p1 =	seq.s32 s7, $0x1FC0;
	v10 =	vld [tilespmem:s6+$0xC100];
	_ =	sdelay $0x4  }
0x1da: {  	(xrf0) =	vadd.scan.msk.s32 $0xffff, v10;
	_ =	sdelay $0x5  }
.Ltmp18:
0x1db: {  	v11, _, _ =	vpop (xrf0);
	s8 =	spop (v2sf);
	(pc) =	sbr.rel @!p1 .LBB2_28-.Ltmp18, $4  }
0x1dc: {  	(v2sf) =	vpush v11, $0xF;
	s5 =	sadd.s32 s5, s8  }
0x1dd: {  	v10 =	vsub.s32 s5, v10  }
0x1de: {  	v10 =	vadd.s32 v11, v10  }
0x1df: {  	[tilespmem:s6+$0xC100] =	vst v10;
	s6 =	sshra.s32 s7, $0x2;
	s7 =	sadd.s32 $0x40, s7  }
0x1e0: {  	v10 =	vld [tilespmem:s6+$0xC100];
	_ =	sdelay $0x4  }
0x1e1: {  	(xrf0) =	vadd.scan.msk.s32 $0xffff, v10;
	_ =	sdelay $0x5  }
0x1e2: {  	v11, _, _ =	vpop (xrf0)  }
0x1e3: {  	(v2sf) =	vpush v11, $0xF;
	_ =	sdelay $0xa  }
.Ltmp19:
0x1e4: {  	s7 =	spop (v2sf);
	(pc) =	sbr.rel @!p0 .LBB2_30-.Ltmp19, $4  }
0x1e5: {  	s5 =	sadd.s32 s5, s7  }
0x1e6: {  	v10 =	vsub.s32 s5, v10  }
0x1e7: {  	v10 =	vadd.s32 v11, v10  }
0x1e8: {  	[tilespmem:s6+$0xC100] =	vst v10;
	s26 =	spop (v2sf)  }
0x1e9: {  	s6 =	simm.s32 $0x2000  }
0x1ea: {  	v12 =	vld [tilespmem:s6+$0x0];
	_ =	sdelay $0x4  }
0x1eb: {  	v10 =	vand.u32 $0x7FF, v12  }
0x1ec: {  	(xrf1) =	vunique.msk.u32 $0xffff, v10;
	_ =	sdelay $0x9  }
0x1ed: {  	v13 =	vld.idx.msk [tilespmem:v10+s20+$0x0], $0xffff;
	_ =	sdelay $0x3  }
0x1ee: {  	_, v11, vm0 =	vpop (xrf1)  }
0x1ef: {  	v13 =	vadd.s32 v11, v13  }
0x1f0: {  	s5 =	sshll.u32 s1, $0x4;
	v13 =	vadd.s32 $0xFFFFFFFF, v13  }
0x1f1: {  	p1 =	seq.s32 s5, $0x10  }
.Ltmp20:
0x1f2: {  	_ = 	snop;
	(pc) =	sbr.rel @p1 .LBB2_55-.Ltmp20, $4  }
0x1f3: {  	_ = 	snop  }
0x1f4: {  	s7 =	simm.s32 $0x0  }
0x1f5: {  	v14 =	vor.u32 s7, v5;
	[tilespmem:v13+s25+$0x0] =	vst.idx.msk $0xffff, v12  }
0x1f6: {  	s7 =	simm.s32 $0x10;
	[tilespmem:v13+s19+$0x0] =	vst.idx.msk $0xffff, v14  }
.LBB2_54:
0x1f7: {  	[tilespmem:v10+s20+$0x0] =	vst.idx.add.s32.msk vm0, v11;
	s6 =	sadd.s32 $0x10, s6;
	s8 =	smov.u32 s7;
	s7 =	sadd.s32 $0x10, s7  }
0x1f8: {  	v12 =	vld [tilespmem:s6+$0x0];
	p1 =	seq.s32 s5, s7;
	_ =	sdelay $0x4  }
0x1f9: {  	v10 =	vand.u32 $0x7FF, v12  }
0x1fa: {  	(xrf1) =	vunique.msk.u32 $0xffff, v10;
	_ =	sdelay $0x8  }
0x1fb: {  	v13 =	vld.idx.msk [tilespmem:v10+s20+$0x0], $0xffff;
	_ =	sdelay $0x4  }
0x1fc: {  	_, v11, vm0 =	vpop (xrf1)  }
0x1fd: {  	v13 =	vadd.s32 v11, v13  }
0x1fe: {  	v13 =	vadd.s32 $0xFFFFFFFF, v13;
	_ =	sdelay $0x1  }
.Ltmp21:
0x1ff: {  	(pc) =	sbr.rel @!p1 .LBB2_54-.Ltmp21, $3  }
0x200: {  	_ =	sdelay $0x1  }
0x201: {  	v14 =	vor.u32 s8, v5;
	[tilespmem:v13+s25+$0x0] =	vst.idx.msk $0xffff, v12  }
0x202: {  	[tilespmem:v13+s19+$0x0] =	vst.idx.msk $0xffff, v14  }
.LBB2_55:
0x203: {  	_ =	sdelay $0x4  }
0x204: {  	[tilespmem:v10+s20+$0x0] =	vst.idx.add.s32.msk vm0, v11  }
.LBB2_30:
0x205: {  	s5 =	simm.s32 $0xC140  }
0x206: {  	[tilespmem:s5+$0xFFFFFFC0] =	vst v3  }
0x207: {  	[tilespmem:s5+$0x30] =	vst v3  }
0x208: {  	[tilespmem:s5+$0x20] =	vst v3  }
0x209: {  	[tilespmem:s5+$0x10] =	vst v3  }
0x20a: {  	[tilespmem:s5+$0x0] =	vst v3  }
0x20b: {  	[tilespmem:s5+$0xFFFFFFF0] =	vst v3  }
0x20c: {  	s6 =	simm.s32 $0x0;
	[tilespmem:s5+$0xFFFFFFE0] =	vst v3  }
.LBB2_31:
0x20d: {  	s6 =	sadd.s32 $0x8, s6;
	[tilespmem:s5+$0xFFFFFFD0] =	vst v3;
	s5 =	sadd.s32 $0x80, s5  }
0x20e: {  	[tilespmem:s5+$0xFFFFFFC0] =	vst v3;
	p1 =	slt.u32 s6, $0x78  }
0x20f: {  	[tilespmem:s5+$0x30] =	vst v3  }
.Ltmp22:
0x210: {  	[tilespmem:s5+$0x20] =	vst v3;
	(pc) =	sbr.rel @p1 .LBB2_31-.Ltmp22, $4  }
0x211: {  	[tilespmem:s5+$0x10] =	vst v3  }
0x212: {  	[tilespmem:s5+$0x0] =	vst v3  }
0x213: {  	[tilespmem:s5+$0xFFFFFFF0] =	vst v3  }
0x214: {  	[tilespmem:s5+$0xFFFFFFE0] =	vst v3  }
.Ltmp23:
0x215: {  	(pc) =	sbr.rel @!p0 .LBB2_33-.Ltmp23, $2  }
0x216: {  	_ =	sdelay $0x2  }
0x217: {  	[tilespmem:s5+$0xFFFFFFD0] =	vst v3  }
0x218: {  	p0 =	seq.s32 s1, $0x1  }
.Ltmp24:
0x219: {  	_ = 	snop;
	(pc) =	sbr.rel @p0 .LBB2_58-.Ltmp24, $3  }
0x21a: {  	_ =	sdelay $0x1  }
0x21b: {  	s5 =	simm.s32 $0x8080  }
0x21c: {  	s6 =	sadd.s32 $0xFFFFFFFF, s1;
	v10 =	vld [tilespmem:s5+$0x0]  }
.LBB2_57:
0x21d: {  	p0 =	seq.s32 s6, $0x1;
	_ =	sdelay $0x3  }
0x21e: {  	v10 =	vshrl.u32 v10, $0xB  }
0x21f: {  	v10 =	vand.u32 $0x7FF, v10  }
0x220: {  	(xrf1) =	vunique.msk.u32 $0xffff, v10;
	_ =	sdelay $0xd  }
0x221: {  	_, v11, vm0 =	vpop (xrf1);
	_ =	sdelay $0x2  }
.Ltmp25:
0x222: {  	(pc) =	sbr.rel @!p0 .LBB2_57-.Ltmp25, $3  }
0x223: {  	_ =	sdelay $0x1  }
0x224: {  	s5 =	sadd.s32 $0x10, s5;
	[tilespmem:v10+s20+$0x0] =	vst.idx.add.s32.msk vm0, v11  }
0x225: {  	s6 =	sadd.s32 $0xFFFFFFFF, s6;
	v10 =	vld [tilespmem:s5+$0x0]  }
.LBB2_58:
0x226: {  	_ =	sdelay $0x3  }
0x227: {  	v10 =	vshrl.u32 v10, $0xB  }
0x228: {  	v10 =	vand.u32 $0x7FF, v10  }
0x229: {  	(xrf1) =	vunique.msk.u32 $0xffff, v10;
	_ =	sdelay $0xd  }
0x22a: {  	_, v11, vm0 =	vpop (xrf1);
	_ =	sdelay $0x5  }
0x22b: {  	[tilespmem:v10+s20+$0x0] =	vst.idx.add.s32.msk vm0, v11  }
.LBB2_33:
0x22c: {  	s8 =	simm.s32 $0x0  }
0x22d: {  	v10 =	vld [tilespmem:s8+$0xC100];
	_ =	sdelay $0x4  }
0x22e: {  	(xrf0) =	vadd.scan.msk.s32 $0xffff, v10;
	_ =	sdelay $0x5  }
0x22f: {  	v11, _, _ =	vpop (xrf0)  }
0x230: {  	s5 =	simm.s32 $0x0;
	(v2sf) =	vpush v11, $0xF  }
0x231: {  	v10 =	vsub.s32 s5, v10  }
0x232: {  	v10 =	vadd.s32 v11, v10  }
0x233: {  	s6 =	simm.s32 $0x10;
	s7 =	simm.s32 $0x80;
	[tilespmem:s8+$0xC100] =	vst v10  }
.LBB2_34:
0x234: {  	p0 =	seq.s32 s7, $0x1FC0;
	v10 =	vld [tilespmem:s6+$0xC100];
	_ =	sdelay $0x4  }
0x235: {  	(xrf0) =	vadd.scan.msk.s32 $0xffff, v10;
	_ =	sdelay $0x5  }
.Ltmp26:
0x236: {  	v11, _, _ =	vpop (xrf0);
	s8 =	spop (v2sf);
	(pc) =	sbr.rel @!p0 .LBB2_34-.Ltmp26, $4  }
0x237: {  	(v2sf) =	vpush v11, $0xF;
	s5 =	sadd.s32 s5, s8  }
0x238: {  	v10 =	vsub.s32 s5, v10  }
0x239: {  	v10 =	vadd.s32 v11, v10  }
0x23a: {  	[tilespmem:s6+$0xC100] =	vst v10;
	s6 =	sshra.s32 s7, $0x2;
	s7 =	sadd.s32 $0x40, s7  }
0x23b: {  	v10 =	vld [tilespmem:s6+$0xC100];
	_ =	sdelay $0x4  }
0x23c: {  	(xrf0) =	vadd.scan.msk.s32 $0xffff, v10;
	_ =	sdelay $0x5  }
0x23d: {  	v11, _, _ =	vpop (xrf0)  }
0x23e: {  	(v2sf) =	vpush v11, $0xF;
	_ =	sdelay $0x9  }
0x23f: {  	p0 =	slt.s32 s2, $0x1  }
.Ltmp27:
0x240: {  	s7 =	spop (v2sf);
	(pc) =	sbr.rel @p0 .LBB2_41-.Ltmp27, $4  }
0x241: {  	s5 =	sadd.s32 s5, s7  }
0x242: {  	v10 =	vsub.s32 s5, v10  }
0x243: {  	v10 =	vadd.s32 v11, v10  }
0x244: {  	[tilespmem:s6+$0xC100] =	vst v10;
	s26 =	spop (v2sf)  }
0x245: {  	p1 =	seq.s32 s1, $0x1  }
.Ltmp28:
0x246: {  	_ = 	snop;
	(pc) =	sbr.rel @p1 .LBB2_38-.Ltmp28, $4  }
0x247: {  	s2 =	simm.s32 $0x8080  }
0x248: {  	v10 =	vld [tilespmem:s2+$0x0]  }
0x249: {  	s5 =	simm.s32 $0x6000  }
0x24a: {  	s6 =	sadd.s32 $0xFFFFFFFF, s1;
	v11 =	vld [tilespmem:s5+$0x0]  }
.LBB2_37:
0x24b: {  	p1 =	seq.s32 s6, $0x1;
	_ =	sdelay $0x1  }
0x24c: {  	v12 =	vshrl.u32 v10, $0xB  }
0x24d: {  	v12 =	vand.u32 $0x7FF, v12  }
0x24e: {  	(xrf1) =	vunique.msk.u32 $0xffff, v12;
	_ =	sdelay $0x8  }
0x24f: {  	v13 =	vld.idx.msk [tilespmem:v12+s20+$0x0], $0xffff;
	_ =	sdelay $0x4  }
0x250: {  	_, v14, vm0 =	vpop (xrf1)  }
0x251: {  	v13 =	vadd.s32 v14, v13  }
0x252: {  	v13 =	vadd.s32 $0xFFFFFFFF, v13;
	_ =	sdelay $0x4  }
0x253: {  	[tilespmem:v13+s21+$0x0] =	vst.idx.msk $0xffff, v10  }
.Ltmp29:
0x254: {  	[tilespmem:v13+s3+$0x0] =	vst.idx.msk $0xffff, v11;
	(pc) =	sbr.rel @!p1 .LBB2_37-.Ltmp29, $4  }
0x255: {  	s2 =	sadd.s32 $0x10, s2;
	[tilespmem:v12+s20+$0x0] =	vst.idx.add.s32.msk vm0, v14  }
0x256: {  	s5 =	sadd.s32 $0x10, s5;
	v10 =	vld [tilespmem:s2+$0x0]  }
0x257: {  	v11 =	vld [tilespmem:s5+$0x0]  }
0x258: {  	s6 =	sadd.s32 $0xFFFFFFFF, s6  }
.LBB2_38:
0x259: {  	_ =	sdelay $0x1  }
0x25a: {  	v12 =	vshrl.u32 v10, $0xB  }
0x25b: {  	v12 =	vand.u32 $0x7FF, v12  }
0x25c: {  	(xrf1) =	vunique.msk.u32 $0xffff, v12;
	_ =	sdelay $0x9  }
0x25d: {  	v13 =	vld.idx.msk [tilespmem:v12+s20+$0x0], $0xffff;
	_ =	sdelay $0x3  }
0x25e: {  	_, v14, vm0 =	vpop (xrf1)  }
0x25f: {  	v13 =	vadd.s32 v14, v13  }
0x260: {  	v13 =	vadd.s32 $0xFFFFFFFF, v13;
	_ =	sdelay $0x4  }
0x261: {  	[tilespmem:v13+s21+$0x0] =	vst.idx.msk $0xffff, v10  }
0x262: {  	[tilespmem:v13+s3+$0x0] =	vst.idx.msk $0xffff, v11  }
0x263: {  	s5 =	simm.s32 $0x0;
	[tilespmem:v12+s20+$0x0] =	vst.idx.add.s32.msk vm0, v14  }
0x264: {  	v10 =	vld [tilespmem:s5+$0x0];
	_ =	sdelay $0x4  }
0x265: {  	v11 =	vadd.s32 $0x1, v10;
	_ =	sdelay $0x3  }
0x266: {  	v10 =	vld.idx.msk [tilespmem:v10+s23+$0x0], $0xffff  }
0x267: {  	v11 =	vld.idx.msk [tilespmem:v11+s23+$0x0], $0xffff;
	_ =	sdelay $0x3  }
0x268: {  	v63 =	vor.u32 s5, v5  }
0x269: {  	vm15 =	vlt.s32 v63, v9;
	v10 =	vsub.s32 v11, v10  }
0x26a: {  	v10 =	vnsel vm15, $0x0, v10  }
0x26b: {  	(xrf0) =	vadd.scan.msk.s32 $0xffff, v10;
	_ =	sdelay $0x1  }
0x26c: {  	s2 =	sshll.u32 s1, $0x4  }
0x26d: {  	p1 =	sne.s32 s2, $0x10  }
.Ltmp30:
0x26e: {  	_ = 	snop;
	(pc) =	sbr.rel @!p1 .LBB2_40-.Ltmp30, $4  }
0x26f: {  	_ = 	snop  }
0x270: {  	v10 =	vsub.s32 s5, v10;
	v11, _, _ =	vpop (xrf0)  }
0x271: {  	s6 =	simm.s32 $0xC900;
	v10 =	vadd.s32 v11, v10;
	(v2sf) =	vpush v11, $0xF  }
0x272: {  	s7 =	simm.s32 $0x10;
	s26 =	simm.s32 $0x10;
	[tilespmem:s6+$0x0] =	vst v10  }
.LBB2_39:
0x273: {  	v10 =	vld [tilespmem:s7+$0x0];
	s8 =	smov.u32 s26;
	s26 =	sadd.s32 $0x10, s26  }
0x274: {  	p1 =	sne.s32 s2, s26;
	_ =	sdelay $0x3  }
0x275: {  	v11 =	vadd.s32 $0x1, v10;
	_ =	sdelay $0x3  }
0x276: {  	v10 =	vld.idx.msk [tilespmem:v10+s23+$0x0], $0xffff  }
0x277: {  	v11 =	vld.idx.msk [tilespmem:v11+s23+$0x0], $0xffff;
	_ =	sdelay $0x2  }
0x278: {  	s9 =	spop (v2sf)  }
0x279: {  	s5 =	sadd.s32 s5, s9  }
0x27a: {  	v12 =	vor.u32 s8, v5  }
0x27b: {  	vm0 =	vlt.s32 v12, v9;
	v10 =	vsub.s32 v11, v10  }
0x27c: {  	v10 =	vnsel vm0, $0x0, v10  }
0x27d: {  	v11 =	vsub.s32 s5, v10;
	(xrf0) =	vadd.scan.msk.s32 $0xffff, v10;
	_ =	sdelay $0x3  }
.Ltmp31:
0x27e: {  	(pc) =	sbr.rel @p1 .LBB2_39-.Ltmp31, $4  }
0x27f: {  	_ = 	snop  }
0x280: {  	v10, _, _ =	vpop (xrf0)  }
0x281: {  	s6 =	sadd.s32 $0x10, s6;
	v11 =	vadd.s32 v10, v11;
	(v2sf) =	vpush v10, $0xF  }
0x282: {  	s7 =	sadd.s32 $0x10, s7;
	[tilespmem:s6+$0x0] =	vst v11  }
.LBB2_40:
0x283: {  	_ =	sdelay $0xc  }
0x284: {  	s2 =	spop (v2sf)  }
.LBB2_41:
0x285: {  	_ =	sdelay $0x2  }
0x286: {  	s5 =	simm.s32 $0xC900  }
0x287: {  	s2 =	rddreg [dreg:$0x8];
	[tilespmem:v9+s5+$0x0] =	vst.idx.msk $0x1, v6  }
0x288: {  	[spmem:s2] =	stream.strided.scatter [tilespmem:s21], [sflag:$0x2], $0x2000, s17, s16, $0x38;
	[tilespmem:$0x1AA90] =	vst v63  }
0x289: {  	_ =	swait.ge [sflag:s18], $0x2000  }
0x28a: {  	[sflag:s18] =	ssyncset.done $0x0  }
0x28b: {  	s8 =	rddreg [dreg:$0x9];
	[sflag:s18] =	ssyncadd.s32 $0xFFFFE000  }
0x28c: {  	[spmem:s8] =	stream.strided.scatter [tilespmem:s5], [sflag:$0x2], $0x2080, s17, s16, $0x38;
	[tilespmem:$0x1AA90] =	vst v63  }
0x28d: {  	_ =	swait.ge [sflag:s18], $0x2080  }
0x28e: {  	[sflag:s18] =	ssyncset.done $0x0  }
0x28f: {  	[sflag:s18] =	ssyncadd.s32 $0xFFFFDF80  }
0x290: {  	[bflag:$0x0] =	sbarrier.arrive $0xFFFF  }
0x291: {  	s9 =	rddreg [dreg:$0xa]  }
0x292: {  	[tilespmem:s28], [sflag:$0x2] =	stream.strided.gather [spmem:s9], $0x2000, s17, s16, $0x38;
	[tilespmem:$0x1AA90] =	vst v63  }
0x293: {  	_ =	swait.ge [sflag:s18], $0x2000  }
0x294: {  	[sflag:s18] =	ssyncset.done $0x0  }
.Ltmp32:
0x295: {  	s26 =	rddreg [dreg:$0xb];
	[sflag:s18] =	ssyncadd.s32 $0xFFFFE000;
	(pc) =	sbr.rel @p0 .LBB2_44-.Ltmp32, $4  }
0x296: {  	[tilespmem:s29], [sflag:$0x2] =	stream.strided.gather [spmem:s26], $0x2080, s17, s16, $0x38;
	[tilespmem:$0x1AA90] =	vst v63  }
0x297: {  	_ =	swait.ge [sflag:s18], $0x2080  }
0x298: {  	[sflag:s18] =	ssyncset.done $0x0  }
0x299: {  	[sflag:s18] =	ssyncadd.s32 $0xFFFFDF80  }
0x29a: {  	s1 =	sshll.u32 s1, $0x4;
	s2 =	simm.s32 $0x0  }
0x29b: {  	s5 =	simm.s32 $0x2000;
	s6 =	simm.s32 $0xC900;
	s7 =	simm.s32 $0x0  }
.LBB2_43:
0x29c: {  	v10 =	vld [tilespmem:s5+$0x0]  }
0x29d: {  	v11 =	vld.idx.msk [tilespmem:v7+s28+$0x0], $0xffff;
	_ =	sdelay $0x3  }
0x29e: {  	v10 =	vadd.s32 v2, v10  }
0x29f: {  	vm0 =	vlt.s32 v11, v10  }
0x2a0: {  	v11 =	vsel vm0, $0x1800, v8;
	_ =	sdelay $0x4  }
0x2a1: {  	v12 =	vld.idx.msk [tilespmem:v11+s28+$0x0], $0xffff;
	_ =	sdelay $0x4  }
0x2a2: {  	v13 =	vsel vm0, $0x2000, v7;
	vm1 =	vlt.s32 v12, v10  }
0x2a3: {  	v39 =	vsel vm0, $0x1001, v3;
	v14 =	vor.u32 $0x1, v11;
	v11 =	vsel vm1, v13, v11  }
0x2a4: {  	v12 =	vsel vm1, v14, v39;
	v13 =	vadd.s32 $0xFFFFFFFF, v11  }
0x2a5: {  	v14 =	vxor.u32 v13, v12  }
0x2a6: {  	v13 =	vor.u32 v13, v12;
	v14 =	vshrl.u32 v14, $0x1  }
0x2a7: {  	v13 =	vsub.s32 v13, v14;
	_ =	sdelay $0x4  }
0x2a8: {  	v14 =	vld.idx.msk [tilespmem:v13+s28+$0x0], $0xffff;
	_ =	sdelay $0x4  }
0x2a9: {  	vm4 =	vlt.u32 v12, v11;
	vm5 =	vge.s32 v14, v10;
	vm2 =	vlt.s32 v14, v10  }
0x2aa: {  	v40 =	vor.u32 $0x1, v13;
	vm2 =	vmand vm2, vm4;
	vm0 =	vmand vm4, vm5  }
0x2ab: {  	v12 =	vsel vm2, v40, v12;
	v11 =	vsel vm0, v13, v11  }
0x2ac: {  	v13 =	vxor.u32 v11, v12  }
0x2ad: {  	v14 =	vand.u32 v11, v12;
	v13 =	vshrl.u32 v13, $0x1  }
0x2ae: {  	v13 =	vadd.s32 v13, v14;
	_ =	sdelay $0x4  }
0x2af: {  	v14 =	vld.idx.msk [tilespmem:v13+s28+$0x0], $0xffff;
	_ =	sdelay $0x4  }
0x2b0: {  	vm0 =	vlt.u32 v12, v11;
	vm6 =	vge.s32 v14, v10;
	vm7 =	vlt.s32 v14, v10  }
0x2b1: {  	v41 =	vadd.s32 $0x1, v13;
	vm2 =	vmand vm7, vm0;
	vm0 =	vmand vm0, vm6  }
0x2b2: {  	v12 =	vsel vm2, v41, v12;
	v11 =	vsel vm0, v13, v11  }
0x2b3: {  	v13 =	vadd.s32 v11, v12  }
0x2b4: {  	v13 =	vshrl.u32 v13, $0x1;
	_ =	sdelay $0x4  }
0x2b5: {  	v42 =	vld.idx.msk [tilespmem:v13+s28+$0x0], $0xffff;
	_ =	sdelay $0x4  }
0x2b6: {  	vm0 =	vlt.u32 v12, v11;
	vm8 =	vge.s32 v42, v10;
	vm9 =	vlt.s32 v42, v10  }
0x2b7: {  	v43 =	vadd.s32 $0x1, v13;
	vm2 =	vmand vm9, vm0;
	vm0 =	vmand vm0, vm8  }
0x2b8: {  	v12 =	vsel vm2, v43, v12;
	v11 =	vsel vm0, v13, v11  }
0x2b9: {  	v13 =	vadd.s32 v11, v12  }
0x2ba: {  	v13 =	vshrl.u32 v13, $0x1;
	_ =	sdelay $0x4  }
0x2bb: {  	v44 =	vld.idx.msk [tilespmem:v13+s28+$0x0], $0xffff;
	_ =	sdelay $0x4  }
0x2bc: {  	vm0 =	vlt.u32 v12, v11;
	vm10 =	vge.s32 v44, v10;
	vm11 =	vlt.s32 v44, v10  }
0x2bd: {  	v45 =	vadd.s32 $0x1, v13;
	vm2 =	vmand vm11, vm0;
	vm0 =	vmand vm0, vm10  }
0x2be: {  	v12 =	vsel vm2, v45, v12;
	v11 =	vsel vm0, v13, v11  }
0x2bf: {  	v13 =	vadd.s32 v11, v12  }
0x2c0: {  	v13 =	vshrl.u32 v13, $0x1;
	_ =	sdelay $0x4  }
0x2c1: {  	v46 =	vld.idx.msk [tilespmem:v13+s28+$0x0], $0xffff;
	_ =	sdelay $0x4  }
0x2c2: {  	vm0 =	vlt.u32 v12, v11;
	vm12 =	vge.s32 v46, v10;
	vm13 =	vlt.s32 v46, v10  }
0x2c3: {  	v47 =	vadd.s32 $0x1, v13;
	vm2 =	vmand vm13, vm0;
	vm0 =	vmand vm0, vm12  }
0x2c4: {  	v12 =	vsel vm2, v47, v12;
	v11 =	vsel vm0, v13, v11  }
0x2c5: {  	v13 =	vadd.s32 v11, v12  }
0x2c6: {  	v13 =	vshrl.u32 v13, $0x1;
	_ =	sdelay $0x4  }
0x2c7: {  	v48 =	vld.idx.msk [tilespmem:v13+s28+$0x0], $0xffff;
	_ =	sdelay $0x4  }
0x2c8: {  	vm0 =	vlt.u32 v12, v11;
	vm14 =	vge.s32 v48, v10;
	vm15 =	vlt.s32 v48, v10  }
0x2c9: {  	v49 =	vadd.s32 $0x1, v13;
	vm2 =	vmand vm15, vm0;
	vm0 =	vmand vm0, vm14  }
0x2ca: {  	v12 =	vsel vm2, v49, v12;
	v11 =	vsel vm0, v13, v11  }
0x2cb: {  	v13 =	vadd.s32 v11, v12  }
0x2cc: {  	v13 =	vshrl.u32 v13, $0x1;
	_ =	sdelay $0x4  }
0x2cd: {  	v50 =	vld.idx.msk [tilespmem:v13+s28+$0x0], $0xffff;
	_ =	sdelay $0x4  }
0x2ce: {  	vm0 =	vlt.u32 v12, v11;
	vm4 =	vge.s32 v50, v10;
	vm5 =	vlt.s32 v50, v10  }
0x2cf: {  	v51 =	vadd.s32 $0x1, v13;
	vm2 =	vmand vm5, vm0;
	vm0 =	vmand vm0, vm4  }
0x2d0: {  	v12 =	vsel vm2, v51, v12;
	v11 =	vsel vm0, v13, v11  }
0x2d1: {  	v13 =	vadd.s32 v11, v12  }
0x2d2: {  	v13 =	vshrl.u32 v13, $0x1;
	_ =	sdelay $0x4  }
0x2d3: {  	v52 =	vld.idx.msk [tilespmem:v13+s28+$0x0], $0xffff;
	_ =	sdelay $0x4  }
0x2d4: {  	vm0 =	vlt.u32 v12, v11;
	vm6 =	vge.s32 v52, v10;
	vm7 =	vlt.s32 v52, v10  }
0x2d5: {  	v53 =	vadd.s32 $0x1, v13;
	vm2 =	vmand vm7, vm0;
	vm0 =	vmand vm0, vm6  }
0x2d6: {  	v12 =	vsel vm2, v53, v12;
	v11 =	vsel vm0, v13, v11  }
0x2d7: {  	v13 =	vadd.s32 v11, v12  }
0x2d8: {  	v13 =	vshrl.u32 v13, $0x1;
	_ =	sdelay $0x4  }
0x2d9: {  	v54 =	vld.idx.msk [tilespmem:v13+s28+$0x0], $0xffff;
	_ =	sdelay $0x4  }
0x2da: {  	vm0 =	vlt.u32 v12, v11;
	vm8 =	vge.s32 v54, v10;
	vm9 =	vlt.s32 v54, v10  }
0x2db: {  	v55 =	vadd.s32 $0x1, v13;
	vm2 =	vmand vm9, vm0;
	vm0 =	vmand vm0, vm8  }
0x2dc: {  	v12 =	vsel vm2, v55, v12;
	v11 =	vsel vm0, v13, v11  }
0x2dd: {  	v13 =	vadd.s32 v11, v12  }
0x2de: {  	v13 =	vshrl.u32 v13, $0x1;
	_ =	sdelay $0x4  }
0x2df: {  	v56 =	vld.idx.msk [tilespmem:v13+s28+$0x0], $0xffff;
	_ =	sdelay $0x4  }
0x2e0: {  	vm0 =	vlt.u32 v12, v11;
	vm10 =	vge.s32 v56, v10;
	vm11 =	vlt.s32 v56, v10  }
0x2e1: {  	v57 =	vadd.s32 $0x1, v13;
	vm2 =	vmand vm11, vm0;
	vm0 =	vmand vm0, vm10  }
0x2e2: {  	v12 =	vsel vm2, v57, v12;
	v11 =	vsel vm0, v13, v11  }
0x2e3: {  	v13 =	vadd.s32 v11, v12  }
0x2e4: {  	v13 =	vshrl.u32 v13, $0x1;
	_ =	sdelay $0x4  }
0x2e5: {  	v58 =	vld.idx.msk [tilespmem:v13+s28+$0x0], $0xffff;
	_ =	sdelay $0x4  }
0x2e6: {  	vm0 =	vlt.u32 v12, v11;
	vm12 =	vge.s32 v58, v10;
	vm13 =	vlt.s32 v58, v10  }
0x2e7: {  	v59 =	vadd.s32 $0x1, v13;
	vm2 =	vmand vm13, vm0;
	vm0 =	vmand vm0, vm12  }
0x2e8: {  	v12 =	vsel vm2, v59, v12;
	v11 =	vsel vm0, v13, v11  }
0x2e9: {  	v13 =	vadd.s32 v11, v12  }
0x2ea: {  	v13 =	vshrl.u32 v13, $0x1;
	_ =	sdelay $0x4  }
0x2eb: {  	v60 =	vld.idx.msk [tilespmem:v13+s28+$0x0], $0xffff;
	_ =	sdelay $0x4  }
0x2ec: {  	vm0 =	vlt.u32 v12, v11;
	vm14 =	vlt.s32 v60, v10;
	v10 =	vld [tilespmem:s2+$0x0]  }
0x2ed: {  	v11 =	vadd.s32 $0x1, v13;
	vm0 =	vmand vm14, vm0  }
0x2ee: {  	v11 =	vsel vm0, v11, v12;
	_ =	sdelay $0x3  }
0x2ef: {  	v61 =	vld [tilespmem:s6+$0x0]  }
0x2f0: {  	v62 =	vor.u32 s7, v5;
	v11 =	vld.idx.msk [tilespmem:v11+s29+$0x0], $0xffff  }
0x2f1: {  	s7 =	sadd.s32 $0x10, s7;
	vm15 =	vlt.s32 v62, v9;
	v63 =	vld.idx.msk [tilespmem:v10+s23+$0x0], $0xffff  }
0x2f2: {  	p0 =	sne.s32 s1, s7  }
.Ltmp33:
0x2f3: {  	_ = 	snop;
	(pc) =	sbr.rel @p0 .LBB2_43-.Ltmp33, $4  }
0x2f4: {  	_ = 	snop  }
0x2f5: {  	v11 =	vadd.s32 v61, v11  }
0x2f6: {  	v11 =	vsub.s32 v11, v63  }
0x2f7: {  	s5 =	sadd.s32 $0x10, s5;
	s6 =	sadd.s32 $0x10, s6;
	s2 =	sadd.s32 $0x10, s2;
	[tilespmem:v10+s19+$0x0] =	vst.idx.msk vm15, v11  }
.LBB2_44:
0x2f8: {  	s1 =	simm.s32 $0xFFFFFFFC  }
0x2f9: {  	s2 =	simm.s32 $0x4020;
	s5 =	simm.s32 $0x2020;
	s6 =	smov.u32 s15  }
.LBB2_45:
0x2fa: {  	v9 =	vld [tilespmem:s2+$0xFFFFFFE0];
	_ =	sdelay $0x4  }
0x2fb: {  	v10 =	vshra.s32 v9, $0xE;
	_ =	sdelay $0x4  }
0x2fc: {  	v10 =	vld.idx.msk [tilespmem:v10+s19+$0x0], $0xffff;
	_ =	sdelay $0x3  }
0x2fd: {  	s7 =	sadd.s32 $0xFFFFFFD0, s6  }
0x2fe: {  	v10 =	vadd.s32 s7, v10  }
0x2ff: {  	v10 =	vadd.s32 v5, v10  }
0x300: {  	v11 =	vand.u32 $0x3FFF, v9;
	v12 =	vshra.s32 v10, $0xD  }
0x301: {  	v50 =	vsub.s32 v11, v0;
	vm0 =	veq.s32 v12, v2  }
0x302: {  	v9 =	vand.u32 $0x7F, v9;
	v13 =	vand.u32 $0x1FFF, v10;
	v12 =	vand.u32 $0xFFFFFF80, v50  }
0x303: {  	v9 =	vor.u32 v9, v12  }
0x304: {  	v51 =	vshll.u32 v10, $0xE  }
0x305: {  	v12 =	vor.u32 v11, v51  }
0x306: {  	[tilespmem:s5+$0xFFFFFFE0] =	vst v12  }
0x307: {  	[tilespmem:v13+s3+$0x0] =	vst.idx.msk vm0, v11  }
0x308: {  	[tilespmem:v9+s30+$0x0] =	vst.idx.msk $0xffff, v10  }
0x309: {  	v9 =	vld [tilespmem:s2+$0xFFFFFFF0];
	_ =	sdelay $0x4  }
0x30a: {  	v10 =	vshra.s32 v9, $0xE;
	_ =	sdelay $0x4  }
0x30b: {  	v10 =	vld.idx.msk [tilespmem:v10+s19+$0x0], $0xffff;
	_ =	sdelay $0x3  }
0x30c: {  	s9 =	sadd.s32 $0xFFFFFFE0, s6  }
0x30d: {  	v10 =	vadd.s32 s9, v10  }
0x30e: {  	v10 =	vadd.s32 v5, v10  }
0x30f: {  	v11 =	vand.u32 $0x3FFF, v9;
	v52 =	vshra.s32 v10, $0xD  }
0x310: {  	v53 =	vsub.s32 v11, v0;
	vm13 =	veq.s32 v52, v2  }
0x311: {  	v9 =	vand.u32 $0x7F, v9;
	v12 =	vand.u32 $0xFFFFFF80, v53;
	v54 =	vand.u32 $0x1FFF, v10  }
0x312: {  	v9 =	vor.u32 v9, v12  }
0x313: {  	v55 =	vshll.u32 v10, $0xE  }
0x314: {  	v12 =	vor.u32 v11, v55  }
0x315: {  	[tilespmem:s5+$0xFFFFFFF0] =	vst v12  }
0x316: {  	[tilespmem:v54+s3+$0x0] =	vst.idx.msk vm13, v11  }
0x317: {  	[tilespmem:v9+s30+$0x0] =	vst.idx.msk $0xffff, v10  }
0x318: {  	v9 =	vld [tilespmem:s2+$0x0];
	_ =	sdelay $0x4  }
0x319: {  	v10 =	vshra.s32 v9, $0xE;
	_ =	sdelay $0x4  }
0x31a: {  	v10 =	vld.idx.msk [tilespmem:v10+s19+$0x0], $0xffff;
	_ =	sdelay $0x3  }
0x31b: {  	s26 =	sadd.s32 $0xFFFFFFF0, s6  }
0x31c: {  	v10 =	vadd.s32 s26, v10  }
0x31d: {  	v10 =	vadd.s32 v5, v10  }
0x31e: {  	v11 =	vand.u32 $0x3FFF, v9;
	v56 =	vshra.s32 v10, $0xD  }
0x31f: {  	v57 =	vsub.s32 v11, v0;
	vm14 =	veq.s32 v56, v2  }
0x320: {  	v9 =	vand.u32 $0x7F, v9;
	v12 =	vand.u32 $0xFFFFFF80, v57;
	v58 =	vand.u32 $0x1FFF, v10  }
0x321: {  	v9 =	vor.u32 v9, v12  }
0x322: {  	v59 =	vshll.u32 v10, $0xE  }
0x323: {  	v12 =	vor.u32 v11, v59  }
0x324: {  	[tilespmem:s5+$0x0] =	vst v12  }
0x325: {  	[tilespmem:v58+s3+$0x0] =	vst.idx.msk vm14, v11  }
0x326: {  	[tilespmem:v9+s30+$0x0] =	vst.idx.msk $0xffff, v10  }
0x327: {  	v9 =	vld [tilespmem:s2+$0x10];
	_ =	sdelay $0x4  }
0x328: {  	v10 =	vshra.s32 v9, $0xE;
	_ =	sdelay $0x4  }
0x329: {  	v10 =	vld.idx.msk [tilespmem:v10+s19+$0x0], $0xffff;
	_ =	sdelay $0x4  }
0x32a: {  	v10 =	vadd.s32 s6, v10  }
0x32b: {  	v10 =	vadd.s32 v5, v10  }
0x32c: {  	v11 =	vand.u32 $0x3FFF, v9;
	v60 =	vshra.s32 v10, $0xD  }
0x32d: {  	v61 =	vsub.s32 v11, v0;
	vm15 =	veq.s32 v60, v2  }
0x32e: {  	s1 =	sadd.s32 $0x4, s1;
	v9 =	vand.u32 $0x7F, v9;
	v12 =	vand.u32 $0xFFFFFF80, v61;
	v62 =	vand.u32 $0x1FFF, v10  }
0x32f: {  	p0 =	slt.u32 s1, $0x1FC;
	v9 =	vor.u32 v9, v12  }
.Ltmp34:
0x330: {  	v63 =	vshll.u32 v10, $0xE;
	(pc) =	sbr.rel @p0 .LBB2_45-.Ltmp34, $4  }
0x331: {  	v12 =	vor.u32 v11, v63  }
0x332: {  	[tilespmem:s5+$0x10] =	vst v12  }
0x333: {  	[tilespmem:v62+s3+$0x0] =	vst.idx.msk vm15, v11  }
0x334: {  	s2 =	sadd.s32 $0x40, s2;
	s6 =	sadd.s32 $0x40, s6;
	s5 =	sadd.s32 $0x40, s5;
	[tilespmem:v9+s30+$0x0] =	vst.idx.msk $0xffff, v10  }
0x335: {  	[spmem:s10] =	stream.strided.scatter [tilespmem:s21], [sflag:$0x2], $0x2000, s17, s16, $0x38;
	[tilespmem:$0x1AA90] =	vst v63  }
0x336: {  	_ =	swait.ge [sflag:s18], $0x2000  }
0x337: {  	[sflag:s18] =	ssyncset.done $0x0  }
0x338: {  	[sflag:s18] =	ssyncadd.s32 $0xFFFFE000  }
0x339: {  	[bflag:$0x0] =	sbarrier.arrive $0xFFFF  }
0x33a: {  	[tilespmem:s25], [sflag:$0x2] =	stream.strided.gather [spmem:s11], $0x2000, s17, s16, $0x38;
	[tilespmem:$0x1AA90] =	vst v63  }
0x33b: {  	_ =	swait.ge [sflag:s18], $0x2000  }
0x33c: {  	[sflag:s18] =	ssyncset.done $0x0  }
0x33d: {  	s1 =	simm.s32 $0xFFFFFFFC;
	s2 =	simm.s32 $0x80A0;
	[sflag:s18] =	ssyncadd.s32 $0xFFFFE000  }
.LBB2_47:
0x33e: {  	v9 =	vld [tilespmem:s2+$0xFFFFFFE0];
	_ =	sdelay $0x4  }
0x33f: {  	v10 =	vshra.s32 v9, $0x1B  }
0x340: {  	v11 =	vshrl.u32 v9, $0xE;
	vm0 =	veq.s32 v10, v2  }
0x341: {  	v10 =	vand.u32 $0x1FFF, v11;
	_ =	sdelay $0x3  }
0x342: {  	v9 =	vand.u32 $0x3FFF, v9  }
0x343: {  	[tilespmem:v10+s3+$0x0] =	vst.idx.msk vm0, v9  }
0x344: {  	v9 =	vld [tilespmem:s2+$0xFFFFFFF0];
	_ =	sdelay $0x4  }
0x345: {  	v10 =	vshra.s32 v9, $0x1B  }
0x346: {  	v11 =	vshrl.u32 v9, $0xE;
	vm13 =	veq.s32 v10, v2  }
0x347: {  	v10 =	vand.u32 $0x1FFF, v11;
	_ =	sdelay $0x3  }
0x348: {  	v9 =	vand.u32 $0x3FFF, v9  }
0x349: {  	[tilespmem:v10+s3+$0x0] =	vst.idx.msk vm13, v9  }
0x34a: {  	v9 =	vld [tilespmem:s2+$0x0];
	_ =	sdelay $0x4  }
0x34b: {  	v10 =	vshra.s32 v9, $0x1B  }
0x34c: {  	v11 =	vshrl.u32 v9, $0xE;
	vm14 =	veq.s32 v10, v2  }
0x34d: {  	v10 =	vand.u32 $0x1FFF, v11;
	_ =	sdelay $0x3  }
0x34e: {  	v9 =	vand.u32 $0x3FFF, v9  }
0x34f: {  	[tilespmem:v10+s3+$0x0] =	vst.idx.msk vm14, v9  }
0x350: {  	v9 =	vld [tilespmem:s2+$0x10];
	_ =	sdelay $0x4  }
0x351: {  	v10 =	vshra.s32 v9, $0x1B  }
0x352: {  	s1 =	sadd.s32 $0x4, s1;
	v11 =	vshrl.u32 v9, $0xE;
	vm15 =	veq.s32 v10, v2  }
0x353: {  	p0 =	slt.u32 s1, $0x1FC;
	v10 =	vand.u32 $0x1FFF, v11  }
.Ltmp35:
0x354: {  	_ = 	snop;
	(pc) =	sbr.rel @p0 .LBB2_47-.Ltmp35, $3  }
0x355: {  	_ =	sdelay $0x1  }
0x356: {  	v9 =	vand.u32 $0x3FFF, v9  }
0x357: {  	s2 =	sadd.s32 $0x40, s2;
	[tilespmem:v10+s3+$0x0] =	vst.idx.msk vm15, v9  }
0x358: {  	[hbm4b:s12+s16] =	stream.strided.scatter [tilespmem:s3], [sflag:$0x2], $0x2000, s17, s16, $0x38;
	[tilespmem:$0x1AA90] =	vst v63  }
0x359: {  	_ =	swait.ge [sflag:s18], $0x2000  }
0x35a: {  	s31 =	sadd.s32 $0x1, s31;
	[sflag:s18] =	ssyncset.done $0x0  }
0x35b: {  	p0 =	sne.s32 s31, s14;
	[sflag:s18] =	ssyncadd.s32 $0xFFFFE000  }
0x35c: {  	[hbm4b:s13+s16] =	stream.strided.scatter [tilespmem:s30], [sflag:$0x2], $0x2000, s17, s16, $0x38;
	[tilespmem:$0x1AA90] =	vst v63  }
.Ltmp36:
0x35d: {  	_ = 	snop;
	(pc) =	sbr.rel @p0 .LBB2_1-.Ltmp36, $4  }
.Ltmp37:
0x35e: {  	_ = 	snop;
	(pc) =	sbr.rel @!p0 .LBB2_49-.Ltmp37, $4  }
0x35f: {  	_ =	swait.ge [sflag:s18], $0x2000  }
0x360: {  	[sflag:s18] =	ssyncset.done $0x0  }
0x361: {  	[sflag:s18] =	ssyncadd.s32 $0xFFFFE000  }
0x362: {  	_ = 	snop  }
.LBB2_13:
.Ltmp38:
0x363: {  	(pc) =	sbr.rel .LBB2_16-.Ltmp38, $2  }
0x364: {  	_ =	sdelay $0x2  }
0x365: {  	v11 =	vmov v10  }
.LBB2_49:
0x366: {  	_ =	sfence.sel $0x180000  }
0x367: {  	[bflag:$0x0] =	sbarrier.arrive $0xFFFF  }
0x368: {  	_ =	strace $0x90000047  }
0x369: {  	s0 =	stileid.u32;
	[bflag:$0x2] =	sbarrier.arrive $0xFFFF  }
0x36a: {  	p0 =	sne.s32 s0, $0x0;
	s0 =	rddreg [dreg:$0x6]  }
0x36b: {  	s0 =	sadd.s32 @!p0 $0x100000, s0  }
0x36c: {  	[sflag:s0] =	ssyncadd.tile.s32 @!p0 $0x1;
	_ =	shalt  }
.Lfunc_end2:
_tile_overlayer_lowered:
.L_overlay_start_2:
0x36d: {  	(tag) =	ssettag $0x2  }
0x36e: {  	s0 =	rddreg [dreg:$0x0];
	s2 =	stileid.u32  }
0x36f: {  	s1 =	rddreg [dreg:$0x1];
	p0 =	sne.s32 s2, $0x0  }
0x370: {  	s3 =	rddreg [dreg:$0x2];
	[bflag:$0x3] =	sbarrier.arrive $0xFFFF;
	s2 =	simm.s32 @!p0 $0x1C02  }
0x371: {  	[timem:s3], [sflag:s2] =	dma.local @!p0 [hbm:s0], s1  }
0x372: {  	s0 =	simm.s32 @!p0 $0x2  }
0x373: {  	_ =	swait.ge @!p0 [sflag:s0], s1  }
0x374: {  	s1 =	ssub.s32 @!p0 $0x0, s1;
	[sflag:s0] =	ssyncset.done @!p0 $0x0  }
0x375: {  	[sflag:s0] =	ssyncadd.s32 @!p0 s1  }
0x376: {  	[bflag:$0x3] =	sbarrier.arrive $0xFFFF  }
0x377: {  	_ =	shalt  }

</sc_bundles>
